<compile_context>
chip_gen: v7x
topology: tpu7x:2x2x1
jax: 0.10.2.dev20260603
libtpu: 0.0.44.dev20260713+nightly
codegen_flags: <defaults>
</compile_context>

<pallas_src>
import jax
import jax.numpy as jnp
from jax import lax
from jax.experimental import pallas as pl
from jax.experimental.pallas import tpu as pltpu
from jax.experimental.pallas import tpu_sc as plsc

N = 10000
D = 128
E = 320000
NC = 2
NS = 16
NW = NC * NS
C = 128
EPW = 10112
EP = NW * EPW
NCHUNK = EPW // C
NCH = NCHUNK
NBUF = 4
NGROUP = NCH // NBUF
NPAD = 12288
RPT = NPAD // NS
TPN = NPAD // NW
NPA = NPAD
RPA = NPA // NS


def _mesh():
    return plsc.VectorSubcoreMesh(core_axis_name="c", subcore_axis_name="s")




def _deg_body(dst_hbm, degp_hbm, dsts_v, ones_v, z_v, dacc, dsem):
    c = lax.axis_index("c")
    s = lax.axis_index("s")
    wid = s * NC + c
    pltpu.sync_copy(dst_hbm.at[wid], dsts_v)
    for i in range(C // 16):
        ones_v[pl.ds(i * 16, 16)] = jnp.ones((16,), jnp.float32)
    for i in range(RPT // 16):
        z_v[pl.ds(i * 16, 16)] = jnp.zeros((16,), jnp.float32)
    pltpu.sync_copy(z_v, dacc.at[pl.ds(s * RPT, RPT)])
    plsc.subcore_barrier()

    def body(k, carry):
        pltpu.async_copy(ones_v, dacc.at[dsts_v.at[k]], dsem, add=True)
        return carry

    lax.fori_loop(0, NCHUNK, body, 0)
    pltpu.make_async_copy(dst_hbm.at[wid], dsts_v, dsem).wait()
    plsc.subcore_barrier()
    pltpu.sync_copy(dacc.at[pl.ds(s * RPT, RPT)],
                    degp_hbm.at[c].at[pl.ds(s * RPT, RPT)])


def _deg_partials(dst):
    return pl.kernel(
        _deg_body,
        out_type=jax.ShapeDtypeStruct((NC, NPAD), jnp.float32),
        mesh=_mesh(),
        scratch_types=[
            pltpu.VMEM((NCHUNK, C), jnp.int32),
            pltpu.VMEM((C,), jnp.float32),
            pltpu.VMEM((RPT,), jnp.float32),
            pltpu.VMEM_SHARED((NPAD,), jnp.float32),
            pltpu.SemaphoreType.DMA,
        ],
    )(dst)


def _rsqrt16(d):
    y = lax.bitcast_convert_type(
        jnp.int32(0x5F3759DF) - (lax.bitcast_convert_type(d, jnp.int32) >> 1),
        jnp.float32)
    for _ in range(3):
        y = y * (1.5 - 0.5 * d * y * y)
    return y


def _dis_body(degp_hbm, dis_hbm, a_v, b_v):
    c = lax.axis_index("c")
    s = lax.axis_index("s")
    wid = s * NC + c
    pltpu.sync_copy(degp_hbm.at[0].at[pl.ds(wid * TPN, TPN)], a_v)
    pltpu.sync_copy(degp_hbm.at[1].at[pl.ds(wid * TPN, TPN)], b_v)
    for i in range(TPN // 16):
        sl = pl.ds(i * 16, 16)
        a_v[sl] = _rsqrt16(a_v[sl] + b_v[sl] + 1.0)
    pltpu.sync_copy(a_v, dis_hbm.at[pl.ds(wid * TPN, TPN)])


def _dis_from_deg(degp):
    return pl.kernel(
        _dis_body,
        out_type=jax.ShapeDtypeStruct((NPAD,), jnp.float32),
        mesh=_mesh(),
        scratch_types=[
            pltpu.VMEM((TPN,), jnp.float32),
            pltpu.VMEM((TPN,), jnp.float32),
        ],
    )(degp)


def _agg_body(g_hbm, src_hbm, dst_hbm, p_hbm, si0, di0, r0, acc, g0):
    c = lax.axis_index("c")
    s = lax.axis_index("s")
    wid = s * NC + c

    def zb(i, carry):
        for j in range(D // 16):
            r0[i, pl.ds(j * 16, 16)] = jnp.zeros((16,), jnp.float32)
        return carry

    lax.fori_loop(0, C, zb, 0)
    for k in range(RPA // C):
        pltpu.sync_copy(r0, acc.at[pl.ds(s * RPA + k * C, C)])
    plsc.subcore_barrier()

    def chunk(k, carry):
        pltpu.sync_copy(src_hbm.at[wid].at[k], si0)
        pltpu.sync_copy(dst_hbm.at[wid].at[k], di0)
        pltpu.async_copy(g_hbm.at[si0], r0, g0).wait()
        pltpu.sync_copy(r0, acc.at[di0], add=True)
        return carry

    lax.fori_loop(0, NCH, chunk, 0)
    plsc.subcore_barrier()
    pltpu.sync_copy(acc.at[pl.ds(s * RPA, RPA)],
                    p_hbm.at[c].at[pl.ds(s * RPA, RPA)])


def _edge_agg(g, src, dst):
    return pl.kernel(
        _agg_body,
        out_type=jax.ShapeDtypeStruct((NC, NPA, D), jnp.float32),
        mesh=_mesh(),
        scratch_types=(
            [pltpu.VMEM((C,), jnp.int32)] * 2
            + [pltpu.VMEM((C, D), jnp.float32)]
            + [pltpu.VMEM_SHARED((NPA, D), jnp.float32)]
            + [pltpu.SemaphoreType.DMA]
        ),
    )(g, src, dst)



_BT = 1000


def _dot(a, b):
    return jnp.dot(a, b, preferred_element_type=jnp.float32,
                   precision=jax.lax.Precision.HIGHEST)


def _g_body(x_ref, w_ref, dis_ref, o_ref):
    o_ref[...] = dis_ref[...] * _dot(x_ref[...], w_ref[...])


def _tc_g(x, W, dis):
    return pl.pallas_call(
        _g_body,
        grid=(N // _BT,),
        in_specs=[
            pl.BlockSpec((_BT, D), lambda i: (i, 0)),
            pl.BlockSpec((D, D), lambda i: (0, 0)),
            pl.BlockSpec((_BT, 1), lambda i: (i, 0)),
        ],
        out_specs=pl.BlockSpec((_BT, D), lambda i: (i, 0)),
        out_shape=jax.ShapeDtypeStruct((N, D), jnp.float32),
    )(x, W, dis)


def _comb_body(pa_ref, g_ref, dis_ref, b_ref, w_ref, o_ref):
    agg = pa_ref[0] + pa_ref[1] + g_ref[...]
    z = jnp.maximum(dis_ref[...] * agg + b_ref[...], 0.0)
    o_ref[...] = dis_ref[...] * _dot(z, w_ref[...])


def _tc_combine_matmul(pa, g, dis, b, W):
    return pl.pallas_call(
        _comb_body,
        grid=(N // _BT,),
        in_specs=[
            pl.BlockSpec((NC, _BT, D), lambda i: (0, i, 0)),
            pl.BlockSpec((_BT, D), lambda i: (i, 0)),
            pl.BlockSpec((_BT, 1), lambda i: (i, 0)),
            pl.BlockSpec((1, D), lambda i: (0, 0)),
            pl.BlockSpec((D, D), lambda i: (0, 0)),
        ],
        out_specs=pl.BlockSpec((_BT, D), lambda i: (i, 0)),
        out_shape=jax.ShapeDtypeStruct((N, D), jnp.float32),
    )(pa, g, dis, b, W)


def _fin_body(pa_ref, g_ref, dis_ref, b_ref, o_ref):
    agg = pa_ref[0] + pa_ref[1] + g_ref[...]
    o_ref[...] = jnp.maximum(dis_ref[...] * agg + b_ref[...], 0.0)


def _tc_final(pa, g, dis, b):
    return pl.pallas_call(
        _fin_body,
        grid=(N // _BT,),
        in_specs=[
            pl.BlockSpec((NC, _BT, D), lambda i: (0, i, 0)),
            pl.BlockSpec((_BT, D), lambda i: (i, 0)),
            pl.BlockSpec((_BT, 1), lambda i: (i, 0)),
            pl.BlockSpec((1, D), lambda i: (0, 0)),
        ],
        out_specs=pl.BlockSpec((_BT, D), lambda i: (i, 0)),
        out_shape=jax.ShapeDtypeStruct((N, D), jnp.float32),
    )(pa, g, dis, b)




def kernel(x, edge_index, W1, b1, W2, b2):
    pad = EP - E
    src = jnp.concatenate(
        [edge_index[0].astype(jnp.int32),
         jnp.zeros((pad,), jnp.int32)]).reshape(NW, NCHUNK, C)
    dst = jnp.concatenate(
        [edge_index[1].astype(jnp.int32),
         jnp.full((pad,), N, jnp.int32)]).reshape(NW, NCHUNK, C)

    degp = _deg_partials(dst)
    dis_pad = _dis_from_deg(degp)
    dis = dis_pad[:N].reshape(N, 1)

    b1r = b1.reshape(1, D)
    b2r = b2.reshape(1, D)

    g1 = _tc_g(x, W1, dis)
    p1 = _edge_agg(g1, src, dst)
    g2 = _tc_combine_matmul(p1, g1, dis, b1r, W2)
    p2 = _edge_agg(g2, src, dst)
    return _tc_final(p2, g2, dis, b2r)

# --- scband reference (transcript-rebuilt; emitter-appended) ---
"""Pipeline reference for scband-gcnencoder-14688788152881 (READ-ONLY COPY).

The authoritative reference and input builder live on the scoring server;
editing this copy changes nothing except your own understanding.
"""

import jax, jax.numpy as jnp
import numpy as np

N_NODES = 10000
D = 128
N_EDGES = 320000


def setup_inputs(seed: int = 0) -> dict:
    key = jax.random.key(seed)
    k1, k2, k3, k4 = jax.random.split(key, 4)
    x = jax.random.normal(k1, (N_NODES, D), dtype=jnp.float32)
    edge_index = jax.random.randint(k2, (2, N_EDGES), 0, N_NODES, dtype=jnp.int64)
    W1 = jax.random.normal(k3, (D, D), dtype=jnp.float32) / jnp.sqrt(D)
    b1 = jnp.zeros((D,), dtype=jnp.float32)
    W2 = jax.random.normal(k4, (D, D), dtype=jnp.float32) / jnp.sqrt(D)
    b2 = jnp.zeros((D,), dtype=jnp.float32)
    return {"x": x, "edge_index": edge_index, "W1": W1, "b1": b1, "W2": W2, "b2": b2}


def _gcn_conv(x, edge_index, W, b, num_nodes):
    # GCNConv: add self-loops, symmetric normalization D^-1/2 A D^-1/2, linear transform, scatter-add aggregate
    src = edge_index[0]
    dst = edge_index[1]
    loop = jnp.arange(num_nodes, dtype=src.dtype)
    src = jnp.concatenate([src, loop])
    dst = jnp.concatenate([dst, loop])
    ones = jnp.ones(src.shape[0], dtype=x.dtype)
    deg = jnp.zeros((num_nodes,), dtype=x.dtype).at[dst].add(ones)
    deg_inv_sqrt = jnp.where(deg > 0, jax.lax.rsqrt(deg), 0.0)
    norm = deg_inv_sqrt[src] * deg_inv_sqrt[dst]
    h = x @ W
    msg = norm[:, None] * jnp.take(h, src, axis=0)
    out = jnp.zeros((num_nodes, W.shape[1]), dtype=x.dtype).at[dst].add(msg)
    return out + b


def reference(x, edge_index, W1, b1, W2, b2):
    num_nodes = x.shape[0]
    h = jax.nn.relu(_gcn_conv(x, edge_index, W1, b1, num_nodes))
    # dropout p=0.5 is identity in eval mode (training=False)
    out = jax.nn.relu(_gcn_conv(h, edge_index, W2, b2, num_nodes))
    return out

if __name__ == "__main__":
    import jax
    _d = setup_inputs()
    print(jax.jit(kernel)(*tuple(_d.values())))

</pallas_src>

<mosaic_0001>
#map = affine_map<(d0, d1) -> (0, 0)>
#map1 = affine_map<(d0, d1) -> (0, 0, 0)>
module attributes {stable_mosaic.version = 14 : i64} {
  func.func @_agg_body(%arg0: i32, %arg1: i32, %arg2: memref<10000x128xf32, #tpu.memory_space<hbm>>, %arg3: memref<32x79x128xi32, #tpu.memory_space<hbm>>, %arg4: memref<32x79x128xi32, #tpu.memory_space<hbm>>, %arg5: memref<2x12288x128xf32, #tpu.memory_space<hbm>>, %arg6: memref<128xi32, #tpu.memory_space<vmem>>, %arg7: memref<128xi32, #tpu.memory_space<vmem>>, %arg8: memref<128x128xf32, #tpu.memory_space<vmem>>, %arg9: memref<12288x128xf32, #tpu.memory_space<vmem_shared>>, %arg10: memref<!tpu.dma_semaphore, #tpu.memory_space<semaphore_mem>>) attributes {dimension_semantics = [#tpu.dimension_semantics<core_parallel>, #tpu.dimension_semantics<subcore_parallel>], iteration_bounds = array<i64: 2, 16>, scalar_prefetch = 0 : i64, scratch_operands = 5 : i64, tpu.core_type = #tpu.core_type<sc_vector_subcore>, window_params = [{transform_indices = #map}, {transform_indices = #map1}, {transform_indices = #map1}, {transform_indices = #map1}]} {
    %mul3A = arith.constant 2 : i32
    %mul3A_0 = arith.muli %arg1, %mul3A : i32
    %add3A = arith.addi %mul3A_0, %arg0 : i32
    %scan3A = arith.constant 0 : i32
    %scan3A_1 = arith.constant 0 : i32
    %scan3A_2 = arith.constant 128 : i32
    %scan3A_3 = arith.addi %scan3A_1, %scan3A_2 : i32
    %scan3A_4 = arith.constant 1 : i32
    scf.for %scan3A_41 = %scan3A_1 to %scan3A_3 step %scan3A_4  : i32 {
      %broadcast_in_dim3A = arith.constant 0.000000e+00 : f32
      %broadcast_in_dim3A_42 = vector.broadcast %broadcast_in_dim3A : f32 to vector<16xf32>
      %swap3A = arith.index_cast %scan3A_41 : i32 to index
      %swap3A_43 = arith.constant 0 : index
      %swap3A_44 = tpu.vector_load %arg8[%swap3A, %swap3A_43] {strides = array<i32>} : memref<128x128xf32, #tpu.memory_space<vmem>>, vector<1x16xf32>,
      %swap3A_45 = vector.shape_cast %swap3A_44 : vector<1x16xf32> to vector<16xf32>
      %swap3A_46 = vector.shape_cast %broadcast_in_dim3A_42 : vector<16xf32> to vector<1x16xf32>
      tpu.vector_store %arg8[%swap3A, %swap3A_43], %swap3A_46 {strides = array<i32>} : memref<128x128xf32, #tpu.memory_space<vmem>>, vector<1x16xf32>,
      %broadcast_in_dim3A_47 = arith.constant 0.000000e+00 : f32
      %broadcast_in_dim3A_48 = vector.broadcast %broadcast_in_dim3A_47 : f32 to vector<16xf32>
      %swap3A_49 = arith.index_cast %scan3A_41 : i32 to index
      %swap3A_50 = arith.constant 16 : index
      %swap3A_51 = tpu.vector_load %arg8[%swap3A_49, %swap3A_50] {strides = array<i32>} : memref<128x128xf32, #tpu.memory_space<vmem>>, vector<1x16xf32>,
      %swap3A_52 = vector.shape_cast %swap3A_51 : vector<1x16xf32> to vector<16xf32>
      %swap3A_53 = vector.shape_cast %broadcast_in_dim3A_48 : vector<16xf32> to vector<1x16xf32>
      tpu.vector_store %arg8[%swap3A_49, %swap3A_50], %swap3A_53 {strides = array<i32>} : memref<128x128xf32, #tpu.memory_space<vmem>>, vector<1x16xf32>,
      %broadcast_in_dim3A_54 = arith.constant 0.000000e+00 : f32
      %broadcast_in_dim3A_55 = vector.broadcast %broadcast_in_dim3A_54 : f32 to vector<16xf32>
      %swap3A_56 = arith.index_cast %scan3A_41 : i32 to index
      %swap3A_57 = arith.constant 32 : index
      %swap3A_58 = tpu.vector_load %arg8[%swap3A_56, %swap3A_57] {strides = array<i32>} : memref<128x128xf32, #tpu.memory_space<vmem>>, vector<1x16xf32>,
      %swap3A_59 = vector.shape_cast %swap3A_58 : vector<1x16xf32> to vector<16xf32>
      %swap3A_60 = vector.shape_cast %broadcast_in_dim3A_55 : vector<16xf32> to vector<1x16xf32>
      tpu.vector_store %arg8[%swap3A_56, %swap3A_57], %swap3A_60 {strides = array<i32>} : memref<128x128xf32, #tpu.memory_space<vmem>>, vector<1x16xf32>,
      %broadcast_in_dim3A_61 = arith.constant 0.000000e+00 : f32
      %broadcast_in_dim3A_62 = vector.broadcast %broadcast_in_dim3A_61 : f32 to vector<16xf32>
      %swap3A_63 = arith.index_cast %scan3A_41 : i32 to index
      %swap3A_64 = arith.constant 48 : index
      %swap3A_65 = tpu.vector_load %arg8[%swap3A_63, %swap3A_64] {strides = array<i32>} : memref<128x128xf32, #tpu.memory_space<vmem>>, vector<1x16xf32>,
      %swap3A_66 = vector.shape_cast %swap3A_65 : vector<1x16xf32> to vector<16xf32>
      %swap3A_67 = vector.shape_cast %broadcast_in_dim3A_62 : vector<16xf32> to vector<1x16xf32>
      tpu.vector_store %arg8[%swap3A_63, %swap3A_64], %swap3A_67 {strides = array<i32>} : memref<128x128xf32, #tpu.memory_space<vmem>>, vector<1x16xf32>,
      %broadcast_in_dim3A_68 = arith.constant 0.000000e+00 : f32
      %broadcast_in_dim3A_69 = vector.broadcast %broadcast_in_dim3A_68 : f32 to vector<16xf32>
      %swap3A_70 = arith.index_cast %scan3A_41 : i32 to index
      %swap3A_71 = arith.constant 64 : index
      %swap3A_72 = tpu.vector_load %arg8[%swap3A_70, %swap3A_71] {strides = array<i32>} : memref<128x128xf32, #tpu.memory_space<vmem>>, vector<1x16xf32>,
      %swap3A_73 = vector.shape_cast %swap3A_72 : vector<1x16xf32> to vector<16xf32>
      %swap3A_74 = vector.shape_cast %broadcast_in_dim3A_69 : vector<16xf32> to vector<1x16xf32>
      tpu.vector_store %arg8[%swap3A_70, %swap3A_71], %swap3A_74 {strides = array<i32>} : memref<128x128xf32, #tpu.memory_space<vmem>>, vector<1x16xf32>,
      %broadcast_in_dim3A_75 = arith.constant 0.000000e+00 : f32
      %broadcast_in_dim3A_76 = vector.broadcast %broadcast_in_dim3A_75 : f32 to vector<16xf32>
      %swap3A_77 = arith.index_cast %scan3A_41 : i32 to index
      %swap3A_78 = arith.constant 80 : index
      %swap3A_79 = tpu.vector_load %arg8[%swap3A_77, %swap3A_78] {strides = array<i32>} : memref<128x128xf32, #tpu.memory_space<vmem>>, vector<1x16xf32>,
      %swap3A_80 = vector.shape_cast %swap3A_79 : vector<1x16xf32> to vector<16xf32>
      %swap3A_81 = vector.shape_cast %broadcast_in_dim3A_76 : vector<16xf32> to vector<1x16xf32>
      tpu.vector_store %arg8[%swap3A_77, %swap3A_78], %swap3A_81 {strides = array<i32>} : memref<128x128xf32, #tpu.memory_space<vmem>>, vector<1x16xf32>,
      %broadcast_in_dim3A_82 = arith.constant 0.000000e+00 : f32
      %broadcast_in_dim3A_83 = vector.broadcast %broadcast_in_dim3A_82 : f32 to vector<16xf32>
      %swap3A_84 = arith.index_cast %scan3A_41 : i32 to index
      %swap3A_85 = arith.constant 96 : index
      %swap3A_86 = tpu.vector_load %arg8[%swap3A_84, %swap3A_85] {strides = array<i32>} : memref<128x128xf32, #tpu.memory_space<vmem>>, vector<1x16xf32>,
      %swap3A_87 = vector.shape_cast %swap3A_86 : vector<1x16xf32> to vector<16xf32>
      %swap3A_88 = vector.shape_cast %broadcast_in_dim3A_83 : vector<16xf32> to vector<1x16xf32>
      tpu.vector_store %arg8[%swap3A_84, %swap3A_85], %swap3A_88 {strides = array<i32>} : memref<128x128xf32, #tpu.memory_space<vmem>>, vector<1x16xf32>,
      %broadcast_in_dim3A_89 = arith.constant 0.000000e+00 : f32
      %broadcast_in_dim3A_90 = vector.broadcast %broadcast_in_dim3A_89 : f32 to vector<16xf32>
      %swap3A_91 = arith.index_cast %scan3A_41 : i32 to index
      %swap3A_92 = arith.constant 112 : index
      %swap3A_93 = tpu.vector_load %arg8[%swap3A_91, %swap3A_92] {strides = array<i32>} : memref<128x128xf32, #tpu.memory_space<vmem>>, vector<1x16xf32>,
      %swap3A_94 = vector.shape_cast %swap3A_93 : vector<1x16xf32> to vector<16xf32>
      %swap3A_95 = vector.shape_cast %broadcast_in_dim3A_90 : vector<16xf32> to vector<1x16xf32>
      tpu.vector_store %arg8[%swap3A_91, %swap3A_92], %swap3A_95 {strides = array<i32>} : memref<128x128xf32, #tpu.memory_space<vmem>>, vector<1x16xf32>,
    }
    %scan3A_5 = arith.constant 128 : i32
    %mul3A_6 = arith.constant 768 : i32
    %mul3A_7 = arith.muli %arg1, %mul3A_6 : i32
    %add3A_8 = arith.constant 0 : i32
    %add3A_9 = arith.addi %mul3A_7, %add3A_8 : i32
    "tpu.region"() ({
      %run_scoped3A = tpu.sem_alloc : memref<!tpu.dma_semaphore, #tpu.memory_space<semaphore_mem>>
      %dma_start3A = arith.constant 0 : i32
      %dma_start3A_41 = tpu.memref_slice %arg9[%add3A_9, %dma_start3A] : memref<12288x128xf32, #tpu.memory_space<vmem_shared>> -> memref<128x128xf32, #tpu.memory_space<vmem_shared>>
      %dma_start3A_42 = arith.constant 0 : i32
      %dma_start3A_43 = tpu.memref_slice %arg9[%add3A_9, %dma_start3A_42] : memref<12288x128xf32, #tpu.memory_space<vmem_shared>> -> memref<128x128xf32, #tpu.memory_space<vmem_shared>>
      tpu.enqueue_dma source(%arg8 : memref<128x128xf32, #tpu.memory_space<vmem>>) target(%dma_start3A_43 : memref<128x128xf32, #tpu.memory_space<vmem_shared>>) target_semaphore(%run_scoped3A : memref<!tpu.dma_semaphore, #tpu.memory_space<semaphore_mem>>)
      %dma_wait3A = arith.constant 0 : i32
      %dma_wait3A_44 = tpu.memref_slice %arg9[%add3A_9, %dma_wait3A] : memref<12288x128xf32, #tpu.memory_space<vmem_shared>> -> memref<128x128xf32, #tpu.memory_space<vmem_shared>>
      %dma_wait3A_45 = arith.constant 0 : i32
      %dma_wait3A_46 = tpu.memref_slice %arg9[%add3A_9, %dma_wait3A_45] : memref<12288x128xf32, #tpu.memory_space<vmem_shared>> -> memref<128x128xf32, #tpu.memory_space<vmem_shared>>
      tpu.wait_dma2 semaphore(%run_scoped3A : memref<!tpu.dma_semaphore, #tpu.memory_space<semaphore_mem>>) src(%arg8 : memref<128x128xf32, #tpu.memory_space<vmem>>) dst(%dma_wait3A_46 : memref<128x128xf32, #tpu.memory_space<vmem_shared>>)
      tpu.yield
    }) : () -> ()
    %mul3A_10 = arith.constant 768 : i32
    %mul3A_11 = arith.muli %arg1, %mul3A_10 : i32
    %add3A_12 = arith.constant 128 : i32
    %add3A_13 = arith.addi %mul3A_11, %add3A_12 : i32
    "tpu.region"() ({
      %run_scoped3A = tpu.sem_alloc : memref<!tpu.dma_semaphore, #tpu.memory_space<semaphore_mem>>
      %dma_start3A = arith.constant 0 : i32
      %dma_start3A_41 = tpu.memref_slice %arg9[%add3A_13, %dma_start3A] : memref<12288x128xf32, #tpu.memory_space<vmem_shared>> -> memref<128x128xf32, #tpu.memory_space<vmem_shared>>
      %dma_start3A_42 = arith.constant 0 : i32
      %dma_start3A_43 = tpu.memref_slice %arg9[%add3A_13, %dma_start3A_42] : memref<12288x128xf32, #tpu.memory_space<vmem_shared>> -> memref<128x128xf32, #tpu.memory_space<vmem_shared>>
      tpu.enqueue_dma source(%arg8 : memref<128x128xf32, #tpu.memory_space<vmem>>) target(%dma_start3A_43 : memref<128x128xf32, #tpu.memory_space<vmem_shared>>) target_semaphore(%run_scoped3A : memref<!tpu.dma_semaphore, #tpu.memory_space<semaphore_mem>>)
      %dma_wait3A = arith.constant 0 : i32
      %dma_wait3A_44 = tpu.memref_slice %arg9[%add3A_13, %dma_wait3A] : memref<12288x128xf32, #tpu.memory_space<vmem_shared>> -> memref<128x128xf32, #tpu.memory_space<vmem_shared>>
      %dma_wait3A_45 = arith.constant 0 : i32
      %dma_wait3A_46 = tpu.memref_slice %arg9[%add3A_13, %dma_wait3A_45] : memref<12288x128xf32, #tpu.memory_space<vmem_shared>> -> memref<128x128xf32, #tpu.memory_space<vmem_shared>>
      tpu.wait_dma2 semaphore(%run_scoped3A : memref<!tpu.dma_semaphore, #tpu.memory_space<semaphore_mem>>) src(%arg8 : memref<128x128xf32, #tpu.memory_space<vmem>>) dst(%dma_wait3A_46 : memref<128x128xf32, #tpu.memory_space<vmem_shared>>)
      tpu.yield
    }) : () -> ()
    %mul3A_14 = arith.constant 768 : i32
    %mul3A_15 = arith.muli %arg1, %mul3A_14 : i32
    %add3A_16 = arith.constant 256 : i32
    %add3A_17 = arith.addi %mul3A_15, %add3A_16 : i32
    "tpu.region"() ({
      %run_scoped3A = tpu.sem_alloc : memref<!tpu.dma_semaphore, #tpu.memory_space<semaphore_mem>>
      %dma_start3A = arith.constant 0 : i32
      %dma_start3A_41 = tpu.memref_slice %arg9[%add3A_17, %dma_start3A] : memref<12288x128xf32, #tpu.memory_space<vmem_shared>> -> memref<128x128xf32, #tpu.memory_space<vmem_shared>>
      %dma_start3A_42 = arith.constant 0 : i32
      %dma_start3A_43 = tpu.memref_slice %arg9[%add3A_17, %dma_start3A_42] : memref<12288x128xf32, #tpu.memory_space<vmem_shared>> -> memref<128x128xf32, #tpu.memory_space<vmem_shared>>
      tpu.enqueue_dma source(%arg8 : memref<128x128xf32, #tpu.memory_space<vmem>>) target(%dma_start3A_43 : memref<128x128xf32, #tpu.memory_space<vmem_shared>>) target_semaphore(%run_scoped3A : memref<!tpu.dma_semaphore, #tpu.memory_space<semaphore_mem>>)
      %dma_wait3A = arith.constant 0 : i32
      %dma_wait3A_44 = tpu.memref_slice %arg9[%add3A_17, %dma_wait3A] : memref<12288x128xf32, #tpu.memory_space<vmem_shared>> -> memref<128x128xf32, #tpu.memory_space<vmem_shared>>
      %dma_wait3A_45 = arith.constant 0 : i32
      %dma_wait3A_46 = tpu.memref_slice %arg9[%add3A_17, %dma_wait3A_45] : memref<12288x128xf32, #tpu.memory_space<vmem_shared>> -> memref<128x128xf32, #tpu.memory_space<vmem_shared>>
      tpu.wait_dma2 semaphore(%run_scoped3A : memref<!tpu.dma_semaphore, #tpu.memory_space<semaphore_mem>>) src(%arg8 : memref<128x128xf32, #tpu.memory_space<vmem>>) dst(%dma_wait3A_46 : memref<128x128xf32, #tpu.memory_space<vmem_shared>>)
      tpu.yield
    }) : () -> ()
    %mul3A_18 = arith.constant 768 : i32
    %mul3A_19 = arith.muli %arg1, %mul3A_18 : i32
    %add3A_20 = arith.constant 384 : i32
    %add3A_21 = arith.addi %mul3A_19, %add3A_20 : i32
    "tpu.region"() ({
      %run_scoped3A = tpu.sem_alloc : memref<!tpu.dma_semaphore, #tpu.memory_space<semaphore_mem>>
      %dma_start3A = arith.constant 0 : i32
      %dma_start3A_41 = tpu.memref_slice %arg9[%add3A_21, %dma_start3A] : memref<12288x128xf32, #tpu.memory_space<vmem_shared>> -> memref<128x128xf32, #tpu.memory_space<vmem_shared>>
      %dma_start3A_42 = arith.constant 0 : i32
      %dma_start3A_43 = tpu.memref_slice %arg9[%add3A_21, %dma_start3A_42] : memref<12288x128xf32, #tpu.memory_space<vmem_shared>> -> memref<128x128xf32, #tpu.memory_space<vmem_shared>>
      tpu.enqueue_dma source(%arg8 : memref<128x128xf32, #tpu.memory_space<vmem>>) target(%dma_start3A_43 : memref<128x128xf32, #tpu.memory_space<vmem_shared>>) target_semaphore(%run_scoped3A : memref<!tpu.dma_semaphore, #tpu.memory_space<semaphore_mem>>)
      %dma_wait3A = arith.constant 0 : i32
      %dma_wait3A_44 = tpu.memref_slice %arg9[%add3A_21, %dma_wait3A] : memref<12288x128xf32, #tpu.memory_space<vmem_shared>> -> memref<128x128xf32, #tpu.memory_space<vmem_shared>>
      %dma_wait3A_45 = arith.constant 0 : i32
      %dma_wait3A_46 = tpu.memref_slice %arg9[%add3A_21, %dma_wait3A_45] : memref<12288x128xf32, #tpu.memory_space<vmem_shared>> -> memref<128x128xf32, #tpu.memory_space<vmem_shared>>
      tpu.wait_dma2 semaphore(%run_scoped3A : memref<!tpu.dma_semaphore, #tpu.memory_space<semaphore_mem>>) src(%arg8 : memref<128x128xf32, #tpu.memory_space<vmem>>) dst(%dma_wait3A_46 : memref<128x128xf32, #tpu.memory_space<vmem_shared>>)
      tpu.yield
    }) : () -> ()
    %mul3A_22 = arith.constant 768 : i32
    %mul3A_23 = arith.muli %arg1, %mul3A_22 : i32
    %add3A_24 = arith.constant 512 : i32
    %add3A_25 = arith.addi %mul3A_23, %add3A_24 : i32
    "tpu.region"() ({
      %run_scoped3A = tpu.sem_alloc : memref<!tpu.dma_semaphore, #tpu.memory_space<semaphore_mem>>
      %dma_start3A = arith.constant 0 : i32
      %dma_start3A_41 = tpu.memref_slice %arg9[%add3A_25, %dma_start3A] : memref<12288x128xf32, #tpu.memory_space<vmem_shared>> -> memref<128x128xf32, #tpu.memory_space<vmem_shared>>
      %dma_start3A_42 = arith.constant 0 : i32
      %dma_start3A_43 = tpu.memref_slice %arg9[%add3A_25, %dma_start3A_42] : memref<12288x128xf32, #tpu.memory_space<vmem_shared>> -> memref<128x128xf32, #tpu.memory_space<vmem_shared>>
      tpu.enqueue_dma source(%arg8 : memref<128x128xf32, #tpu.memory_space<vmem>>) target(%dma_start3A_43 : memref<128x128xf32, #tpu.memory_space<vmem_shared>>) target_semaphore(%run_scoped3A : memref<!tpu.dma_semaphore, #tpu.memory_space<semaphore_mem>>)
      %dma_wait3A = arith.constant 0 : i32
      %dma_wait3A_44 = tpu.memref_slice %arg9[%add3A_25, %dma_wait3A] : memref<12288x128xf32, #tpu.memory_space<vmem_shared>> -> memref<128x128xf32, #tpu.memory_space<vmem_shared>>
      %dma_wait3A_45 = arith.constant 0 : i32
      %dma_wait3A_46 = tpu.memref_slice %arg9[%add3A_25, %dma_wait3A_45] : memref<12288x128xf32, #tpu.memory_space<vmem_shared>> -> memref<128x128xf32, #tpu.memory_space<vmem_shared>>
      tpu.wait_dma2 semaphore(%run_scoped3A : memref<!tpu.dma_semaphore, #tpu.memory_space<semaphore_mem>>) src(%arg8 : memref<128x128xf32, #tpu.memory_space<vmem>>) dst(%dma_wait3A_46 : memref<128x128xf32, #tpu.memory_space<vmem_shared>>)
      tpu.yield
    }) : () -> ()
    %mul3A_26 = arith.constant 768 : i32
    %mul3A_27 = arith.muli %arg1, %mul3A_26 : i32
    %add3A_28 = arith.constant 640 : i32
    %add3A_29 = arith.addi %mul3A_27, %add3A_28 : i32
    "tpu.region"() ({
      %run_scoped3A = tpu.sem_alloc : memref<!tpu.dma_semaphore, #tpu.memory_space<semaphore_mem>>
      %dma_start3A = arith.constant 0 : i32
      %dma_start3A_41 = tpu.memref_slice %arg9[%add3A_29, %dma_start3A] : memref<12288x128xf32, #tpu.memory_space<vmem_shared>> -> memref<128x128xf32, #tpu.memory_space<vmem_shared>>
      %dma_start3A_42 = arith.constant 0 : i32
      %dma_start3A_43 = tpu.memref_slice %arg9[%add3A_29, %dma_start3A_42] : memref<12288x128xf32, #tpu.memory_space<vmem_shared>> -> memref<128x128xf32, #tpu.memory_space<vmem_shared>>
      tpu.enqueue_dma source(%arg8 : memref<128x128xf32, #tpu.memory_space<vmem>>) target(%dma_start3A_43 : memref<128x128xf32, #tpu.memory_space<vmem_shared>>) target_semaphore(%run_scoped3A : memref<!tpu.dma_semaphore, #tpu.memory_space<semaphore_mem>>)
      %dma_wait3A = arith.constant 0 : i32
      %dma_wait3A_44 = tpu.memref_slice %arg9[%add3A_29, %dma_wait3A] : memref<12288x128xf32, #tpu.memory_space<vmem_shared>> -> memref<128x128xf32, #tpu.memory_space<vmem_shared>>
      %dma_wait3A_45 = arith.constant 0 : i32
      %dma_wait3A_46 = tpu.memref_slice %arg9[%add3A_29, %dma_wait3A_45] : memref<12288x128xf32, #tpu.memory_space<vmem_shared>> -> memref<128x128xf32, #tpu.memory_space<vmem_shared>>
      tpu.wait_dma2 semaphore(%run_scoped3A : memref<!tpu.dma_semaphore, #tpu.memory_space<semaphore_mem>>) src(%arg8 : memref<128x128xf32, #tpu.memory_space<vmem>>) dst(%dma_wait3A_46 : memref<128x128xf32, #tpu.memory_space<vmem_shared>>)
      tpu.yield
    }) : () -> ()
    %barrier3A = arith.constant 0 : index
    tpu.barrier barrier_id(%barrier3A)
    %scan3A_30 = arith.constant 0 : i32
    %scan3A_31 = arith.constant 0 : i32
    %scan3A_32 = arith.constant 79 : i32
    %scan3A_33 = arith.addi %scan3A_31, %scan3A_32 : i32
    %scan3A_34 = arith.constant 1 : i32
    scf.for %scan3A_41 = %scan3A_31 to %scan3A_33 step %scan3A_34  : i32 {
      "tpu.region"() ({
        %run_scoped3A = tpu.sem_alloc : memref<!tpu.dma_semaphore, #tpu.memory_space<semaphore_mem>>
        %dma_start3A_46 = arith.constant 0 : i32
        %dma_start3A_47 = arith.constant 0 : i32
        %dma_start3A_48 = tpu.memref_slice %arg3[%add3A, %dma_start3A_46, %dma_start3A_47] : memref<32x79x128xi32, #tpu.memory_space<hbm>> -> memref<1x79x128xi32, #tpu.memory_space<hbm>>
        %dma_start3A_49 = tpu.memref_squeeze %dma_start3A_48 : memref<1x79x128xi32, #tpu.memory_space<hbm>> -> memref<79x128xi32, #tpu.memory_space<hbm>>
        %dma_start3A_50 = arith.constant 0 : i32
        %dma_start3A_51 = tpu.memref_slice %dma_start3A_49[%scan3A_41, %dma_start3A_50] : memref<79x128xi32, #tpu.memory_space<hbm>> -> memref<1x128xi32, #tpu.memory_space<hbm>>
        %dma_start3A_52 = tpu.memref_squeeze %dma_start3A_51 : memref<1x128xi32, #tpu.memory_space<hbm>> -> memref<128xi32, #tpu.memory_space<hbm>>
        %dma_start3A_53 = arith.constant 0 : i32
        %dma_start3A_54 = arith.constant 0 : i32
        %dma_start3A_55 = tpu.memref_slice %arg3[%add3A, %dma_start3A_53, %dma_start3A_54] : memref<32x79x128xi32, #tpu.memory_space<hbm>> -> memref<1x79x128xi32, #tpu.memory_space<hbm>>
        %dma_start3A_56 = tpu.memref_squeeze %dma_start3A_55 : memref<1x79x128xi32, #tpu.memory_space<hbm>> -> memref<79x128xi32, #tpu.memory_space<hbm>>
        %dma_start3A_57 = arith.constant 0 : i32
        %dma_start3A_58 = tpu.memref_slice %dma_start3A_56[%scan3A_41, %dma_start3A_57] : memref<79x128xi32, #tpu.memory_space<hbm>> -> memref<1x128xi32, #tpu.memory_space<hbm>>
        %dma_start3A_59 = tpu.memref_squeeze %dma_start3A_58 : memref<1x128xi32, #tpu.memory_space<hbm>> -> memref<128xi32, #tpu.memory_space<hbm>>
        tpu.enqueue_dma source(%dma_start3A_59 : memref<128xi32, #tpu.memory_space<hbm>>) target(%arg6 : memref<128xi32, #tpu.memory_space<vmem>>) target_semaphore(%run_scoped3A : memref<!tpu.dma_semaphore, #tpu.memory_space<semaphore_mem>>)
        %dma_wait3A_60 = arith.constant 0 : i32
        %dma_wait3A_61 = arith.constant 0 : i32
        %dma_wait3A_62 = tpu.memref_slice %arg3[%add3A, %dma_wait3A_60, %dma_wait3A_61] : memref<32x79x128xi32, #tpu.memory_space<hbm>> -> memref<1x79x128xi32, #tpu.memory_space<hbm>>
        %dma_wait3A_63 = tpu.memref_squeeze %dma_wait3A_62 : memref<1x79x128xi32, #tpu.memory_space<hbm>> -> memref<79x128xi32, #tpu.memory_space<hbm>>
        %dma_wait3A_64 = arith.constant 0 : i32
        %dma_wait3A_65 = tpu.memref_slice %dma_wait3A_63[%scan3A_41, %dma_wait3A_64] : memref<79x128xi32, #tpu.memory_space<hbm>> -> memref<1x128xi32, #tpu.memory_space<hbm>>
        %dma_wait3A_66 = tpu.memref_squeeze %dma_wait3A_65 : memref<1x128xi32, #tpu.memory_space<hbm>> -> memref<128xi32, #tpu.memory_space<hbm>>
        %dma_wait3A_67 = arith.constant 0 : i32
        %dma_wait3A_68 = arith.constant 0 : i32
        %dma_wait3A_69 = tpu.memref_slice %arg3[%add3A, %dma_wait3A_67, %dma_wait3A_68] : memref<32x79x128xi32, #tpu.memory_space<hbm>> -> memref<1x79x128xi32, #tpu.memory_space<hbm>>
        %dma_wait3A_70 = tpu.memref_squeeze %dma_wait3A_69 : memref<1x79x128xi32, #tpu.memory_space<hbm>> -> memref<79x128xi32, #tpu.memory_space<hbm>>
        %dma_wait3A_71 = arith.constant 0 : i32
        %dma_wait3A_72 = tpu.memref_slice %dma_wait3A_70[%scan3A_41, %dma_wait3A_71] : memref<79x128xi32, #tpu.memory_space<hbm>> -> memref<1x128xi32, #tpu.memory_space<hbm>>
        %dma_wait3A_73 = tpu.memref_squeeze %dma_wait3A_72 : memref<1x128xi32, #tpu.memory_space<hbm>> -> memref<128xi32, #tpu.memory_space<hbm>>
        tpu.wait_dma2 semaphore(%run_scoped3A : memref<!tpu.dma_semaphore, #tpu.memory_space<semaphore_mem>>) src(%dma_wait3A_73 : memref<128xi32, #tpu.memory_space<hbm>>) dst(%arg6 : memref<128xi32, #tpu.memory_space<vmem>>)
        tpu.yield
      }) : () -> ()
      "tpu.region"() ({
        %run_scoped3A = tpu.sem_alloc : memref<!tpu.dma_semaphore, #tpu.memory_space<semaphore_mem>>
        %dma_start3A_46 = arith.constant 0 : i32
        %dma_start3A_47 = arith.constant 0 : i32
        %dma_start3A_48 = tpu.memref_slice %arg4[%add3A, %dma_start3A_46, %dma_start3A_47] : memref<32x79x128xi32, #tpu.memory_space<hbm>> -> memref<1x79x128xi32, #tpu.memory_space<hbm>>
        %dma_start3A_49 = tpu.memref_squeeze %dma_start3A_48 : memref<1x79x128xi32, #tpu.memory_space<hbm>> -> memref<79x128xi32, #tpu.memory_space<hbm>>
        %dma_start3A_50 = arith.constant 0 : i32
        %dma_start3A_51 = tpu.memref_slice %dma_start3A_49[%scan3A_41, %dma_start3A_50] : memref<79x128xi32, #tpu.memory_space<hbm>> -> memref<1x128xi32, #tpu.memory_space<hbm>>
        %dma_start3A_52 = tpu.memref_squeeze %dma_start3A_51 : memref<1x128xi32, #tpu.memory_space<hbm>> -> memref<128xi32, #tpu.memory_space<hbm>>
        %dma_start3A_53 = arith.constant 0 : i32
        %dma_start3A_54 = arith.constant 0 : i32
        %dma_start3A_55 = tpu.memref_slice %arg4[%add3A, %dma_start3A_53, %dma_start3A_54] : memref<32x79x128xi32, #tpu.memory_space<hbm>> -> memref<1x79x128xi32, #tpu.memory_space<hbm>>
        %dma_start3A_56 = tpu.memref_squeeze %dma_start3A_55 : memref<1x79x128xi32, #tpu.memory_space<hbm>> -> memref<79x128xi32, #tpu.memory_space<hbm>>
        %dma_start3A_57 = arith.constant 0 : i32
        %dma_start3A_58 = tpu.memref_slice %dma_start3A_56[%scan3A_41, %dma_start3A_57] : memref<79x128xi32, #tpu.memory_space<hbm>> -> memref<1x128xi32, #tpu.memory_space<hbm>>
        %dma_start3A_59 = tpu.memref_squeeze %dma_start3A_58 : memref<1x128xi32, #tpu.memory_space<hbm>> -> memref<128xi32, #tpu.memory_space<hbm>>
        tpu.enqueue_dma source(%dma_start3A_59 : memref<128xi32, #tpu.memory_space<hbm>>) target(%arg7 : memref<128xi32, #tpu.memory_space<vmem>>) target_semaphore(%run_scoped3A : memref<!tpu.dma_semaphore, #tpu.memory_space<semaphore_mem>>)
        %dma_wait3A_60 = arith.constant 0 : i32
        %dma_wait3A_61 = arith.constant 0 : i32
        %dma_wait3A_62 = tpu.memref_slice %arg4[%add3A, %dma_wait3A_60, %dma_wait3A_61] : memref<32x79x128xi32, #tpu.memory_space<hbm>> -> memref<1x79x128xi32, #tpu.memory_space<hbm>>
        %dma_wait3A_63 = tpu.memref_squeeze %dma_wait3A_62 : memref<1x79x128xi32, #tpu.memory_space<hbm>> -> memref<79x128xi32, #tpu.memory_space<hbm>>
        %dma_wait3A_64 = arith.constant 0 : i32
        %dma_wait3A_65 = tpu.memref_slice %dma_wait3A_63[%scan3A_41, %dma_wait3A_64] : memref<79x128xi32, #tpu.memory_space<hbm>> -> memref<1x128xi32, #tpu.memory_space<hbm>>
        %dma_wait3A_66 = tpu.memref_squeeze %dma_wait3A_65 : memref<1x128xi32, #tpu.memory_space<hbm>> -> memref<128xi32, #tpu.memory_space<hbm>>
        %dma_wait3A_67 = arith.constant 0 : i32
        %dma_wait3A_68 = arith.constant 0 : i32
        %dma_wait3A_69 = tpu.memref_slice %arg4[%add3A, %dma_wait3A_67, %dma_wait3A_68] : memref<32x79x128xi32, #tpu.memory_space<hbm>> -> memref<1x79x128xi32, #tpu.memory_space<hbm>>
        %dma_wait3A_70 = tpu.memref_squeeze %dma_wait3A_69 : memref<1x79x128xi32, #tpu.memory_space<hbm>> -> memref<79x128xi32, #tpu.memory_space<hbm>>
        %dma_wait3A_71 = arith.constant 0 : i32
        %dma_wait3A_72 = tpu.memref_slice %dma_wait3A_70[%scan3A_41, %dma_wait3A_71] : memref<79x128xi32, #tpu.memory_space<hbm>> -> memref<1x128xi32, #tpu.memory_space<hbm>>
        %dma_wait3A_73 = tpu.memref_squeeze %dma_wait3A_72 : memref<1x128xi32, #tpu.memory_space<hbm>> -> memref<128xi32, #tpu.memory_space<hbm>>
        tpu.wait_dma2 semaphore(%run_scoped3A : memref<!tpu.dma_semaphore, #tpu.memory_space<semaphore_mem>>) src(%dma_wait3A_73 : memref<128xi32, #tpu.memory_space<hbm>>) dst(%arg7 : memref<128xi32, #tpu.memory_space<vmem>>)
        tpu.yield
      }) : () -> ()
      %dma_start3A = arith.constant 0 : i32
      %dma_start3A_42 = arith.constant 0 : i32
      %dma_start3A_43 = tpu.memref_slice %arg2[%dma_start3A, %dma_start3A_42] : memref<10000x128xf32, #tpu.memory_space<hbm>> -> memref<10000x128xf32, #tpu.memory_space<hbm>>
      tpu.enqueue_indirect_dma source(%dma_start3A_43 : memref<10000x128xf32, #tpu.memory_space<hbm>>) target(%arg8 : memref<128x128xf32, #tpu.memory_space<vmem>>) offsets(%arg6 : memref<128xi32, #tpu.memory_space<vmem>>) semaphore(%arg10 : memref<!tpu.dma_semaphore, #tpu.memory_space<semaphore_mem>>)
      %dma_wait3A = arith.constant 0 : i32
      %dma_wait3A_44 = arith.constant 0 : i32
      %dma_wait3A_45 = tpu.memref_slice %arg2[%dma_wait3A, %dma_wait3A_44] : memref<10000x128xf32, #tpu.memory_space<hbm>> -> memref<10000x128xf32, #tpu.memory_space<hbm>>
      tpu.wait_indirect_dma semaphore(%arg10 : memref<!tpu.dma_semaphore, #tpu.memory_space<semaphore_mem>>) src(%dma_wait3A_45 : memref<10000x128xf32, #tpu.memory_space<hbm>>) dst(%arg8 : memref<128x128xf32, #tpu.memory_space<vmem>>)
      "tpu.region"() ({
        %run_scoped3A = tpu.sem_alloc : memref<!tpu.dma_semaphore, #tpu.memory_space<semaphore_mem>>
        %dma_start3A_46 = arith.constant 0 : i32
        %dma_start3A_47 = arith.constant 0 : i32
        %dma_start3A_48 = tpu.memref_slice %arg9[%dma_start3A_46, %dma_start3A_47] : memref<12288x128xf32, #tpu.memory_space<vmem_shared>> -> memref<12288x128xf32, #tpu.memory_space<vmem_shared>>
        tpu.enqueue_indirect_dma source(%arg8 : memref<128x128xf32, #tpu.memory_space<vmem>>) target(%dma_start3A_48 : memref<12288x128xf32, #tpu.memory_space<vmem_shared>>) offsets(%arg7 : memref<128xi32, #tpu.memory_space<vmem>>) semaphore(%run_scoped3A : memref<!tpu.dma_semaphore, #tpu.memory_space<semaphore_mem>>) {add = true}
        %dma_wait3A_49 = arith.constant 0 : i32
        %dma_wait3A_50 = arith.constant 0 : i32
        %dma_wait3A_51 = tpu.memref_slice %arg9[%dma_wait3A_49, %dma_wait3A_50] : memref<12288x128xf32, #tpu.memory_space<vmem_shared>> -> memref<12288x128xf32, #tpu.memory_space<vmem_shared>>
        tpu.wait_indirect_dma semaphore(%run_scoped3A : memref<!tpu.dma_semaphore, #tpu.memory_space<semaphore_mem>>) src(%arg8 : memref<128x128xf32, #tpu.memory_space<vmem>>) dst(%dma_wait3A_51 : memref<12288x128xf32, #tpu.memory_space<vmem_shared>>)
        tpu.yield
      }) : () -> ()
    }
    %scan3A_35 = arith.constant 79 : i32
    %barrier3A_36 = arith.constant 0 : index
    tpu.barrier barrier_id(%barrier3A_36)
    %mul3A_37 = arith.constant 768 : i32
    %mul3A_38 = arith.muli %arg1, %mul3A_37 : i32
    %mul3A_39 = arith.constant 768 : i32
    %mul3A_40 = arith.muli %arg1, %mul3A_39 : i32
    "tpu.region"() ({
      %run_scoped3A = tpu.sem_alloc : memref<!tpu.dma_semaphore, #tpu.memory_space<semaphore_mem>>
      %dma_start3A = arith.constant 0 : i32
      %dma_start3A_41 = arith.constant 0 : i32
      %dma_start3A_42 = tpu.memref_slice %arg5[%arg0, %dma_start3A, %dma_start3A_41] : memref<2x12288x128xf32, #tpu.memory_space<hbm>> -> memref<1x12288x128xf32, #tpu.memory_space<hbm>>
      %dma_start3A_43 = tpu.memref_squeeze %dma_start3A_42 : memref<1x12288x128xf32, #tpu.memory_space<hbm>> -> memref<12288x128xf32, #tpu.memory_space<hbm>>
      %dma_start3A_44 = arith.constant 0 : i32
      %dma_start3A_45 = tpu.memref_slice %dma_start3A_43[%mul3A_40, %dma_start3A_44] : memref<12288x128xf32, #tpu.memory_space<hbm>> -> memref<768x128xf32, #tpu.memory_space<hbm>>
      %dma_start3A_46 = arith.constant 0 : i32
      %dma_start3A_47 = tpu.memref_slice %arg9[%mul3A_38, %dma_start3A_46] : memref<12288x128xf32, #tpu.memory_space<vmem_shared>> -> memref<768x128xf32, #tpu.memory_space<vmem_shared>>
      tpu.enqueue_dma source(%dma_start3A_47 : memref<768x128xf32, #tpu.memory_space<vmem_shared>>) target(%dma_start3A_45 : memref<768x128xf32, #tpu.memory_space<hbm>>) target_semaphore(%run_scoped3A : memref<!tpu.dma_semaphore, #tpu.memory_space<semaphore_mem>>)
      %dma_wait3A = arith.constant 0 : i32
      %dma_wait3A_48 = arith.constant 0 : i32
      %dma_wait3A_49 = tpu.memref_slice %arg5[%arg0, %dma_wait3A, %dma_wait3A_48] : memref<2x12288x128xf32, #tpu.memory_space<hbm>> -> memref<1x12288x128xf32, #tpu.memory_space<hbm>>
      %dma_wait3A_50 = tpu.memref_squeeze %dma_wait3A_49 : memref<1x12288x128xf32, #tpu.memory_space<hbm>> -> memref<12288x128xf32, #tpu.memory_space<hbm>>
      %dma_wait3A_51 = arith.constant 0 : i32
      %dma_wait3A_52 = tpu.memref_slice %dma_wait3A_50[%mul3A_40, %dma_wait3A_51] : memref<12288x128xf32, #tpu.memory_space<hbm>> -> memref<768x128xf32, #tpu.memory_space<hbm>>
      %dma_wait3A_53 = arith.constant 0 : i32
      %dma_wait3A_54 = tpu.memref_slice %arg9[%mul3A_38, %dma_wait3A_53] : memref<12288x128xf32, #tpu.memory_space<vmem_shared>> -> memref<768x128xf32, #tpu.memory_space<vmem_shared>>
      tpu.wait_dma2 semaphore(%run_scoped3A : memref<!tpu.dma_semaphore, #tpu.memory_space<semaphore_mem>>) src(%dma_wait3A_54 : memref<768x128xf32, #tpu.memory_space<vmem_shared>>) dst(%dma_wait3A_52 : memref<768x128xf32, #tpu.memory_space<hbm>>)
      tpu.yield
    }) : () -> ()
    return
  }
}

#map = affine_map<(d0, d1) -> (0, 0)>
#map1 = affine_map<(d0, d1) -> (0, 0, 0)>
module attributes {stable_mosaic.version = 14 : i64} {
  func.func @_agg_body(%arg0: i32, %arg1: i32, %arg2: memref<10000x128xf32, #tpu.memory_space<hbm>>, %arg3: memref<32x79x128xi32, #tpu.memory_space<hbm>>, %arg4: memref<32x79x128xi32, #tpu.memory_space<hbm>>, %arg5: memref<2x12288x128xf32, #tpu.memory_space<hbm>>, %arg6: memref<128xi32, #tpu.memory_space<vmem>>, %arg7: memref<128xi32, #tpu.memory_space<vmem>>, %arg8: memref<128x128xf32, #tpu.memory_space<vmem>>, %arg9: memref<12288x128xf32, #tpu.memory_space<vmem_shared>>, %arg10: memref<!tpu.dma_semaphore, #tpu.memory_space<semaphore_mem>>) attributes {dimension_semantics = [#tpu.dimension_semantics<core_parallel>, #tpu.dimension_semantics<subcore_parallel>], iteration_bounds = array<i64: 2, 16>, scalar_prefetch = 0 : i64, scratch_operands = 5 : i64, tpu.core_type = #tpu.core_type<sc_vector_subcore>, window_params = [{transform_indices = #map}, {transform_indices = #map1}, {transform_indices = #map1}, {transform_indices = #map1}]} {
    %mul3A = arith.constant 2 : i32
    %mul3A_0 = arith.muli %arg1, %mul3A : i32
    %add3A = arith.addi %mul3A_0, %arg0 : i32
    %scan3A = arith.constant 0 : i32
    %scan3A_1 = arith.constant 0 : i32
    %scan3A_2 = arith.constant 128 : i32
    %scan3A_3 = arith.addi %scan3A_1, %scan3A_2 : i32
    %scan3A_4 = arith.constant 1 : i32
    scf.for %scan3A_41 = %scan3A_1 to %scan3A_3 step %scan3A_4  : i32 {
      %broadcast_in_dim3A = arith.constant 0.000000e+00 : f32
      %broadcast_in_dim3A_42 = vector.broadcast %broadcast_in_dim3A : f32 to vector<16xf32>
      %swap3A = arith.index_cast %scan3A_41 : i32 to index
      %swap3A_43 = arith.constant 0 : index
      %swap3A_44 = tpu.vector_load %arg8[%swap3A, %swap3A_43] {strides = array<i32>} : memref<128x128xf32, #tpu.memory_space<vmem>>, vector<1x16xf32>,
      %swap3A_45 = vector.shape_cast %swap3A_44 : vector<1x16xf32> to vector<16xf32>
      %swap3A_46 = vector.shape_cast %broadcast_in_dim3A_42 : vector<16xf32> to vector<1x16xf32>
      tpu.vector_store %arg8[%swap3A, %swap3A_43], %swap3A_46 {strides = array<i32>} : memref<128x128xf32, #tpu.memory_space<vmem>>, vector<1x16xf32>,
      %broadcast_in_dim3A_47 = arith.constant 0.000000e+00 : f32
      %broadcast_in_dim3A_48 = vector.broadcast %broadcast_in_dim3A_47 : f32 to vector<16xf32>
      %swap3A_49 = arith.index_cast %scan3A_41 : i32 to index
      %swap3A_50 = arith.constant 16 : index
      %swap3A_51 = tpu.vector_load %arg8[%swap3A_49, %swap3A_50] {strides = array<i32>} : memref<128x128xf32, #tpu.memory_space<vmem>>, vector<1x16xf32>,
      %swap3A_52 = vector.shape_cast %swap3A_51 : vector<1x16xf32> to vector<16xf32>
      %swap3A_53 = vector.shape_cast %broadcast_in_dim3A_48 : vector<16xf32> to vector<1x16xf32>
      tpu.vector_store %arg8[%swap3A_49, %swap3A_50], %swap3A_53 {strides = array<i32>} : memref<128x128xf32, #tpu.memory_space<vmem>>, vector<1x16xf32>,
      %broadcast_in_dim3A_54 = arith.constant 0.000000e+00 : f32
      %broadcast_in_dim3A_55 = vector.broadcast %broadcast_in_dim3A_54 : f32 to vector<16xf32>
      %swap3A_56 = arith.index_cast %scan3A_41 : i32 to index
      %swap3A_57 = arith.constant 32 : index
      %swap3A_58 = tpu.vector_load %arg8[%swap3A_56, %swap3A_57] {strides = array<i32>} : memref<128x128xf32, #tpu.memory_space<vmem>>, vector<1x16xf32>,
      %swap3A_59 = vector.shape_cast %swap3A_58 : vector<1x16xf32> to vector<16xf32>
      %swap3A_60 = vector.shape_cast %broadcast_in_dim3A_55 : vector<16xf32> to vector<1x16xf32>
      tpu.vector_store %arg8[%swap3A_56, %swap3A_57], %swap3A_60 {strides = array<i32>} : memref<128x128xf32, #tpu.memory_space<vmem>>, vector<1x16xf32>,
      %broadcast_in_dim3A_61 = arith.constant 0.000000e+00 : f32
      %broadcast_in_dim3A_62 = vector.broadcast %broadcast_in_dim3A_61 : f32 to vector<16xf32>
      %swap3A_63 = arith.index_cast %scan3A_41 : i32 to index
      %swap3A_64 = arith.constant 48 : index
      %swap3A_65 = tpu.vector_load %arg8[%swap3A_63, %swap3A_64] {strides = array<i32>} : memref<128x128xf32, #tpu.memory_space<vmem>>, vector<1x16xf32>,
      %swap3A_66 = vector.shape_cast %swap3A_65 : vector<1x16xf32> to vector<16xf32>
      %swap3A_67 = vector.shape_cast %broadcast_in_dim3A_62 : vector<16xf32> to vector<1x16xf32>
      tpu.vector_store %arg8[%swap3A_63, %swap3A_64], %swap3A_67 {strides = array<i32>} : memref<128x128xf32, #tpu.memory_space<vmem>>, vector<1x16xf32>,
      %broadcast_in_dim3A_68 = arith.constant 0.000000e+00 : f32
      %broadcast_in_dim3A_69 = vector.broadcast %broadcast_in_dim3A_68 : f32 to vector<16xf32>
      %swap3A_70 = arith.index_cast %scan3A_41 : i32 to index
      %swap3A_71 = arith.constant 64 : index
      %swap3A_72 = tpu.vector_load %arg8[%swap3A_70, %swap3A_71] {strides = array<i32>} : memref<128x128xf32, #tpu.memory_space<vmem>>, vector<1x16xf32>,
      %swap3A_73 = vector.shape_cast %swap3A_72 : vector<1x16xf32> to vector<16xf32>
      %swap3A_74 = vector.shape_cast %broadcast_in_dim3A_69 : vector<16xf32> to vector<1x16xf32>
      tpu.vector_store %arg8[%swap3A_70, %swap3A_71], %swap3A_74 {strides = array<i32>} : memref<128x128xf32, #tpu.memory_space<vmem>>, vector<1x16xf32>,
      %broadcast_in_dim3A_75 = arith.constant 0.000000e+00 : f32
      %broadcast_in_dim3A_76 = vector.broadcast %broadcast_in_dim3A_75 : f32 to vector<16xf32>
      %swap3A_77 = arith.index_cast %scan3A_41 : i32 to index
      %swap3A_78 = arith.constant 80 : index
      %swap3A_79 = tpu.vector_load %arg8[%swap3A_77, %swap3A_78] {strides = array<i32>} : memref<128x128xf32, #tpu.memory_space<vmem>>, vector<1x16xf32>,
      %swap3A_80 = vector.shape_cast %swap3A_79 : vector<1x16xf32> to vector<16xf32>
      %swap3A_81 = vector.shape_cast %broadcast_in_dim3A_76 : vector<16xf32> to vector<1x16xf32>
      tpu.vector_store %arg8[%swap3A_77, %swap3A_78], %swap3A_81 {strides = array<i32>} : memref<128x128xf32, #tpu.memory_space<vmem>>, vector<1x16xf32>,
      %broadcast_in_dim3A_82 = arith.constant 0.000000e+00 : f32
      %broadcast_in_dim3A_83 = vector.broadcast %broadcast_in_dim3A_82 : f32 to vector<16xf32>
      %swap3A_84 = arith.index_cast %scan3A_41 : i32 to index
      %swap3A_85 = arith.constant 96 : index
      %swap3A_86 = tpu.vector_load %arg8[%swap3A_84, %swap3A_85] {strides = array<i32>} : memref<128x128xf32, #tpu.memory_space<vmem>>, vector<1x16xf32>,
      %swap3A_87 = vector.shape_cast %swap3A_86 : vector<1x16xf32> to vector<16xf32>
      %swap3A_88 = vector.shape_cast %broadcast_in_dim3A_83 : vector<16xf32> to vector<1x16xf32>
      tpu.vector_store %arg8[%swap3A_84, %swap3A_85], %swap3A_88 {strides = array<i32>} : memref<128x128xf32, #tpu.memory_space<vmem>>, vector<1x16xf32>,
      %broadcast_in_dim3A_89 = arith.constant 0.000000e+00 : f32
      %broadcast_in_dim3A_90 = vector.broadcast %broadcast_in_dim3A_89 : f32 to vector<16xf32>
      %swap3A_91 = arith.index_cast %scan3A_41 : i32 to index
      %swap3A_92 = arith.constant 112 : index
      %swap3A_93 = tpu.vector_load %arg8[%swap3A_91, %swap3A_92] {strides = array<i32>} : memref<128x128xf32, #tpu.memory_space<vmem>>, vector<1x16xf32>,
      %swap3A_94 = vector.shape_cast %swap3A_93 : vector<1x16xf32> to vector<16xf32>
      %swap3A_95 = vector.shape_cast %broadcast_in_dim3A_90 : vector<16xf32> to vector<1x16xf32>
      tpu.vector_store %arg8[%swap3A_91, %swap3A_92], %swap3A_95 {strides = array<i32>} : memref<128x128xf32, #tpu.memory_space<vmem>>, vector<1x16xf32>,
    }
    %scan3A_5 = arith.constant 128 : i32
    %mul3A_6 = arith.constant 768 : i32
    %mul3A_7 = arith.muli %arg1, %mul3A_6 : i32
    %add3A_8 = arith.constant 0 : i32
    %add3A_9 = arith.addi %mul3A_7, %add3A_8 : i32
    "tpu.region"() ({
      %run_scoped3A = tpu.sem_alloc : memref<!tpu.dma_semaphore, #tpu.memory_space<semaphore_mem>>
      %dma_start3A = arith.constant 0 : i32
      %dma_start3A_41 = tpu.memref_slice %arg9[%add3A_9, %dma_start3A] : memref<12288x128xf32, #tpu.memory_space<vmem_shared>> -> memref<128x128xf32, #tpu.memory_space<vmem_shared>>
      %dma_start3A_42 = arith.constant 0 : i32
      %dma_start3A_43 = tpu.memref_slice %arg9[%add3A_9, %dma_start3A_42] : memref<12288x128xf32, #tpu.memory_space<vmem_shared>> -> memref<128x128xf32, #tpu.memory_space<vmem_shared>>
      tpu.enqueue_dma source(%arg8 : memref<128x128xf32, #tpu.memory_space<vmem>>) target(%dma_start3A_43 : memref<128x128xf32, #tpu.memory_space<vmem_shared>>) target_semaphore(%run_scoped3A : memref<!tpu.dma_semaphore, #tpu.memory_space<semaphore_mem>>)
      %dma_wait3A = arith.constant 0 : i32
      %dma_wait3A_44 = tpu.memref_slice %arg9[%add3A_9, %dma_wait3A] : memref<12288x128xf32, #tpu.memory_space<vmem_shared>> -> memref<128x128xf32, #tpu.memory_space<vmem_shared>>
      %dma_wait3A_45 = arith.constant 0 : i32
      %dma_wait3A_46 = tpu.memref_slice %arg9[%add3A_9, %dma_wait3A_45] : memref<12288x128xf32, #tpu.memory_space<vmem_shared>> -> memref<128x128xf32, #tpu.memory_space<vmem_shared>>
      tpu.wait_dma2 semaphore(%run_scoped3A : memref<!tpu.dma_semaphore, #tpu.memory_space<semaphore_mem>>) src(%arg8 : memref<128x128xf32, #tpu.memory_space<vmem>>) dst(%dma_wait3A_46 : memref<128x128xf32, #tpu.memory_space<vmem_shared>>)
      tpu.yield
    }) : () -> ()
    %mul3A_10 = arith.constant 768 : i32
    %mul3A_11 = arith.muli %arg1, %mul3A_10 : i32
    %add3A_12 = arith.constant 128 : i32
    %add3A_13 = arith.addi %mul3A_11, %add3A_12 : i32
    "tpu.region"() ({
      %run_scoped3A = tpu.sem_alloc : memref<!tpu.dma_semaphore, #tpu.memory_space<semaphore_mem>>
      %dma_start3A = arith.constant 0 : i32
      %dma_start3A_41 = tpu.memref_slice %arg9[%add3A_13, %dma_start3A] : memref<12288x128xf32, #tpu.memory_space<vmem_shared>> -> memref<128x128xf32, #tpu.memory_space<vmem_shared>>
      %dma_start3A_42 = arith.constant 0 : i32
      %dma_start3A_43 = tpu.memref_slice %arg9[%add3A_13, %dma_start3A_42] : memref<12288x128xf32, #tpu.memory_space<vmem_shared>> -> memref<128x128xf32, #tpu.memory_space<vmem_shared>>
      tpu.enqueue_dma source(%arg8 : memref<128x128xf32, #tpu.memory_space<vmem>>) target(%dma_start3A_43 : memref<128x128xf32, #tpu.memory_space<vmem_shared>>) target_semaphore(%run_scoped3A : memref<!tpu.dma_semaphore, #tpu.memory_space<semaphore_mem>>)
      %dma_wait3A = arith.constant 0 : i32
      %dma_wait3A_44 = tpu.memref_slice %arg9[%add3A_13, %dma_wait3A] : memref<12288x128xf32, #tpu.memory_space<vmem_shared>> -> memref<128x128xf32, #tpu.memory_space<vmem_shared>>
      %dma_wait3A_45 = arith.constant 0 : i32
      %dma_wait3A_46 = tpu.memref_slice %arg9[%add3A_13, %dma_wait3A_45] : memref<12288x128xf32, #tpu.memory_space<vmem_shared>> -> memref<128x128xf32, #tpu.memory_space<vmem_shared>>
      tpu.wait_dma2 semaphore(%run_scoped3A : memref<!tpu.dma_semaphore, #tpu.memory_space<semaphore_mem>>) src(%arg8 : memref<128x128xf32, #tpu.memory_space<vmem>>) dst(%dma_wait3A_46 : memref<128x128xf32, #tpu.memory_space<vmem_shared>>)
      tpu.yield
    }) : () -> ()
    %mul3A_14 = arith.constant 768 : i32
    %mul3A_15 = arith.muli %arg1, %mul3A_14 : i32
    %add3A_16 = arith.constant 256 : i32
    %add3A_17 = arith.addi %mul3A_15, %add3A_16 : i32
    "tpu.region"() ({
      %run_scoped3A = tpu.sem_alloc : memref<!tpu.dma_semaphore, #tpu.memory_space<semaphore_mem>>
      %dma_start3A = arith.constant 0 : i32
      %dma_start3A_41 = tpu.memref_slice %arg9[%add3A_17, %dma_start3A] : memref<12288x128xf32, #tpu.memory_space<vmem_shared>> -> memref<128x128xf32, #tpu.memory_space<vmem_shared>>
      %dma_start3A_42 = arith.constant 0 : i32
      %dma_start3A_43 = tpu.memref_slice %arg9[%add3A_17, %dma_start3A_42] : memref<12288x128xf32, #tpu.memory_space<vmem_shared>> -> memref<128x128xf32, #tpu.memory_space<vmem_shared>>
      tpu.enqueue_dma source(%arg8 : memref<128x128xf32, #tpu.memory_space<vmem>>) target(%dma_start3A_43 : memref<128x128xf32, #tpu.memory_space<vmem_shared>>) target_semaphore(%run_scoped3A : memref<!tpu.dma_semaphore, #tpu.memory_space<semaphore_mem>>)
      %dma_wait3A = arith.constant 0 : i32
      %dma_wait3A_44 = tpu.memref_slice %arg9[%add3A_17, %dma_wait3A] : memref<12288x128xf32, #tpu.memory_space<vmem_shared>> -> memref<128x128xf32, #tpu.memory_space<vmem_shared>>
      %dma_wait3A_45 = arith.constant 0 : i32
      %dma_wait3A_46 = tpu.memref_slice %arg9[%add3A_17, %dma_wait3A_45] : memref<12288x128xf32, #tpu.memory_space<vmem_shared>> -> memref<128x128xf32, #tpu.memory_space<vmem_shared>>
      tpu.wait_dma2 semaphore(%run_scoped3A : memref<!tpu.dma_semaphore, #tpu.memory_space<semaphore_mem>>) src(%arg8 : memref<128x128xf32, #tpu.memory_space<vmem>>) dst(%dma_wait3A_46 : memref<128x128xf32, #tpu.memory_space<vmem_shared>>)
      tpu.yield
    }) : () -> ()
    %mul3A_18 = arith.constant 768 : i32
    %mul3A_19 = arith.muli %arg1, %mul3A_18 : i32
    %add3A_20 = arith.constant 384 : i32
    %add3A_21 = arith.addi %mul3A_19, %add3A_20 : i32
    "tpu.region"() ({
      %run_scoped3A = tpu.sem_alloc : memref<!tpu.dma_semaphore, #tpu.memory_space<semaphore_mem>>
      %dma_start3A = arith.constant 0 : i32
      %dma_start3A_41 = tpu.memref_slice %arg9[%add3A_21, %dma_start3A] : memref<12288x128xf32, #tpu.memory_space<vmem_shared>> -> memref<128x128xf32, #tpu.memory_space<vmem_shared>>
      %dma_start3A_42 = arith.constant 0 : i32
      %dma_start3A_43 = tpu.memref_slice %arg9[%add3A_21, %dma_start3A_42] : memref<12288x128xf32, #tpu.memory_space<vmem_shared>> -> memref<128x128xf32, #tpu.memory_space<vmem_shared>>
      tpu.enqueue_dma source(%arg8 : memref<128x128xf32, #tpu.memory_space<vmem>>) target(%dma_start3A_43 : memref<128x128xf32, #tpu.memory_space<vmem_shared>>) target_semaphore(%run_scoped3A : memref<!tpu.dma_semaphore, #tpu.memory_space<semaphore_mem>>)
      %dma_wait3A = arith.constant 0 : i32
      %dma_wait3A_44 = tpu.memref_slice %arg9[%add3A_21, %dma_wait3A] : memref<12288x128xf32, #tpu.memory_space<vmem_shared>> -> memref<128x128xf32, #tpu.memory_space<vmem_shared>>
      %dma_wait3A_45 = arith.constant 0 : i32
      %dma_wait3A_46 = tpu.memref_slice %arg9[%add3A_21, %dma_wait3A_45] : memref<12288x128xf32, #tpu.memory_space<vmem_shared>> -> memref<128x128xf32, #tpu.memory_space<vmem_shared>>
      tpu.wait_dma2 semaphore(%run_scoped3A : memref<!tpu.dma_semaphore, #tpu.memory_space<semaphore_mem>>) src(%arg8 : memref<128x128xf32, #tpu.memory_space<vmem>>) dst(%dma_wait3A_46 : memref<128x128xf32, #tpu.memory_space<vmem_shared>>)
      tpu.yield
    }) : () -> ()
    %mul3A_22 = arith.constant 768 : i32
    %mul3A_23 = arith.muli %arg1, %mul3A_22 : i32
    %add3A_24 = arith.constant 512 : i32
    %add3A_25 = arith.addi %mul3A_23, %add3A_24 : i32
    "tpu.region"() ({
      %run_scoped3A = tpu.sem_alloc : memref<!tpu.dma_semaphore, #tpu.memory_space<semaphore_mem>>
      %dma_start3A = arith.constant 0 : i32
      %dma_start3A_41 = tpu.memref_slice %arg9[%add3A_25, %dma_start3A] : memref<12288x128xf32, #tpu.memory_space<vmem_shared>> -> memref<128x128xf32, #tpu.memory_space<vmem_shared>>
      %dma_start3A_42 = arith.constant 0 : i32
      %dma_start3A_43 = tpu.memref_slice %arg9[%add3A_25, %dma_start3A_42] : memref<12288x128xf32, #tpu.memory_space<vmem_shared>> -> memref<128x128xf32, #tpu.memory_space<vmem_shared>>
      tpu.enqueue_dma source(%arg8 : memref<128x128xf32, #tpu.memory_space<vmem>>) target(%dma_start3A_43 : memref<128x128xf32, #tpu.memory_space<vmem_shared>>) target_semaphore(%run_scoped3A : memref<!tpu.dma_semaphore, #tpu.memory_space<semaphore_mem>>)
      %dma_wait3A = arith.constant 0 : i32
      %dma_wait3A_44 = tpu.memref_slice %arg9[%add3A_25, %dma_wait3A] : memref<12288x128xf32, #tpu.memory_space<vmem_shared>> -> memref<128x128xf32, #tpu.memory_space<vmem_shared>>
      %dma_wait3A_45 = arith.constant 0 : i32
      %dma_wait3A_46 = tpu.memref_slice %arg9[%add3A_25, %dma_wait3A_45] : memref<12288x128xf32, #tpu.memory_space<vmem_shared>> -> memref<128x128xf32, #tpu.memory_space<vmem_shared>>
      tpu.wait_dma2 semaphore(%run_scoped3A : memref<!tpu.dma_semaphore, #tpu.memory_space<semaphore_mem>>) src(%arg8 : memref<128x128xf32, #tpu.memory_space<vmem>>) dst(%dma_wait3A_46 : memref<128x128xf32, #tpu.memory_space<vmem_shared>>)
      tpu.yield
    }) : () -> ()
    %mul3A_26 = arith.constant 768 : i32
    %mul3A_27 = arith.muli %arg1, %mul3A_26 : i32
    %add3A_28 = arith.constant 640 : i32
    %add3A_29 = arith.addi %mul3A_27, %add3A_28 : i32
    "tpu.region"() ({
      %run_scoped3A = tpu.sem_alloc : memref<!tpu.dma_semaphore, #tpu.memory_space<semaphore_mem>>
      %dma_start3A = arith.constant 0 : i32
      %dma_start3A_41 = tpu.memref_slice %arg9[%add3A_29, %dma_start3A] : memref<12288x128xf32, #tpu.memory_space<vmem_shared>> -> memref<128x128xf32, #tpu.memory_space<vmem_shared>>
      %dma_start3A_42 = arith.constant 0 : i32
      %dma_start3A_43 = tpu.memref_slice %arg9[%add3A_29, %dma_start3A_42] : memref<12288x128xf32, #tpu.memory_space<vmem_shared>> -> memref<128x128xf32, #tpu.memory_space<vmem_shared>>
      tpu.enqueue_dma source(%arg8 : memref<128x128xf32, #tpu.memory_space<vmem>>) target(%dma_start3A_43 : memref<128x128xf32, #tpu.memory_space<vmem_shared>>) target_semaphore(%run_scoped3A : memref<!tpu.dma_semaphore, #tpu.memory_space<semaphore_mem>>)
      %dma_wait3A = arith.constant 0 : i32
      %dma_wait3A_44 = tpu.memref_slice %arg9[%add3A_29, %dma_wait3A] : memref<12288x128xf32, #tpu.memory_space<vmem_shared>> -> memref<128x128xf32, #tpu.memory_space<vmem_shared>>
      %dma_wait3A_45 = arith.constant 0 : i32
      %dma_wait3A_46 = tpu.memref_slice %arg9[%add3A_29, %dma_wait3A_45] : memref<12288x128xf32, #tpu.memory_space<vmem_shared>> -> memref<128x128xf32, #tpu.memory_space<vmem_shared>>
      tpu.wait_dma2 semaphore(%run_scoped3A : memref<!tpu.dma_semaphore, #tpu.memory_space<semaphore_mem>>) src(%arg8 : memref<128x128xf32, #tpu.memory_space<vmem>>) dst(%dma_wait3A_46 : memref<128x128xf32, #tpu.memory_space<vmem_shared>>)
      tpu.yield
    }) : () -> ()
    %barrier3A = arith.constant 0 : index
    tpu.barrier barrier_id(%barrier3A)
    %scan3A_30 = arith.constant 0 : i32
    %scan3A_31 = arith.constant 0 : i32
    %scan3A_32 = arith.constant 79 : i32
    %scan3A_33 = arith.addi %scan3A_31, %scan3A_32 : i32
    %scan3A_34 = arith.constant 1 : i32
    scf.for %scan3A_41 = %scan3A_31 to %scan3A_33 step %scan3A_34  : i32 {
      "tpu.region"() ({
        %run_scoped3A = tpu.sem_alloc : memref<!tpu.dma_semaphore, #tpu.memory_space<semaphore_mem>>
        %dma_start3A_46 = arith.constant 0 : i32
        %dma_start3A_47 = arith.constant 0 : i32
        %dma_start3A_48 = tpu.memref_slice %arg3[%add3A, %dma_start3A_46, %dma_start3A_47] : memref<32x79x128xi32, #tpu.memory_space<hbm>> -> memref<1x79x128xi32, #tpu.memory_space<hbm>>
        %dma_start3A_49 = tpu.memref_squeeze %dma_start3A_48 : memref<1x79x128xi32, #tpu.memory_space<hbm>> -> memref<79x128xi32, #tpu.memory_space<hbm>>
        %dma_start3A_50 = arith.constant 0 : i32
        %dma_start3A_51 = tpu.memref_slice %dma_start3A_49[%scan3A_41, %dma_start3A_50] : memref<79x128xi32, #tpu.memory_space<hbm>> -> memref<1x128xi32, #tpu.memory_space<hbm>>
        %dma_start3A_52 = tpu.memref_squeeze %dma_start3A_51 : memref<1x128xi32, #tpu.memory_space<hbm>> -> memref<128xi32, #tpu.memory_space<hbm>>
        %dma_start3A_53 = arith.constant 0 : i32
        %dma_start3A_54 = arith.constant 0 : i32
        %dma_start3A_55 = tpu.memref_slice %arg3[%add3A, %dma_start3A_53, %dma_start3A_54] : memref<32x79x128xi32, #tpu.memory_space<hbm>> -> memref<1x79x128xi32, #tpu.memory_space<hbm>>
        %dma_start3A_56 = tpu.memref_squeeze %dma_start3A_55 : memref<1x79x128xi32, #tpu.memory_space<hbm>> -> memref<79x128xi32, #tpu.memory_space<hbm>>
        %dma_start3A_57 = arith.constant 0 : i32
        %dma_start3A_58 = tpu.memref_slice %dma_start3A_56[%scan3A_41, %dma_start3A_57] : memref<79x128xi32, #tpu.memory_space<hbm>> -> memref<1x128xi32, #tpu.memory_space<hbm>>
        %dma_start3A_59 = tpu.memref_squeeze %dma_start3A_58 : memref<1x128xi32, #tpu.memory_space<hbm>> -> memref<128xi32, #tpu.memory_space<hbm>>
        tpu.enqueue_dma source(%dma_start3A_59 : memref<128xi32, #tpu.memory_space<hbm>>) target(%arg6 : memref<128xi32, #tpu.memory_space<vmem>>) target_semaphore(%run_scoped3A : memref<!tpu.dma_semaphore, #tpu.memory_space<semaphore_mem>>)
        %dma_wait3A_60 = arith.constant 0 : i32
        %dma_wait3A_61 = arith.constant 0 : i32
        %dma_wait3A_62 = tpu.memref_slice %arg3[%add3A, %dma_wait3A_60, %dma_wait3A_61] : memref<32x79x128xi32, #tpu.memory_space<hbm>> -> memref<1x79x128xi32, #tpu.memory_space<hbm>>
        %dma_wait3A_63 = tpu.memref_squeeze %dma_wait3A_62 : memref<1x79x128xi32, #tpu.memory_space<hbm>> -> memref<79x128xi32, #tpu.memory_space<hbm>>
        %dma_wait3A_64 = arith.constant 0 : i32
        %dma_wait3A_65 = tpu.memref_slice %dma_wait3A_63[%scan3A_41, %dma_wait3A_64] : memref<79x128xi32, #tpu.memory_space<hbm>> -> memref<1x128xi32, #tpu.memory_space<hbm>>
        %dma_wait3A_66 = tpu.memref_squeeze %dma_wait3A_65 : memref<1x128xi32, #tpu.memory_space<hbm>> -> memref<128xi32, #tpu.memory_space<hbm>>
        %dma_wait3A_67 = arith.constant 0 : i32
        %dma_wait3A_68 = arith.constant 0 : i32
        %dma_wait3A_69 = tpu.memref_slice %arg3[%add3A, %dma_wait3A_67, %dma_wait3A_68] : memref<32x79x128xi32, #tpu.memory_space<hbm>> -> memref<1x79x128xi32, #tpu.memory_space<hbm>>
        %dma_wait3A_70 = tpu.memref_squeeze %dma_wait3A_69 : memref<1x79x128xi32, #tpu.memory_space<hbm>> -> memref<79x128xi32, #tpu.memory_space<hbm>>
        %dma_wait3A_71 = arith.constant 0 : i32
        %dma_wait3A_72 = tpu.memref_slice %dma_wait3A_70[%scan3A_41, %dma_wait3A_71] : memref<79x128xi32, #tpu.memory_space<hbm>> -> memref<1x128xi32, #tpu.memory_space<hbm>>
        %dma_wait3A_73 = tpu.memref_squeeze %dma_wait3A_72 : memref<1x128xi32, #tpu.memory_space<hbm>> -> memref<128xi32, #tpu.memory_space<hbm>>
        tpu.wait_dma2 semaphore(%run_scoped3A : memref<!tpu.dma_semaphore, #tpu.memory_space<semaphore_mem>>) src(%dma_wait3A_73 : memref<128xi32, #tpu.memory_space<hbm>>) dst(%arg6 : memref<128xi32, #tpu.memory_space<vmem>>)
        tpu.yield
      }) : () -> ()
      "tpu.region"() ({
        %run_scoped3A = tpu.sem_alloc : memref<!tpu.dma_semaphore, #tpu.memory_space<semaphore_mem>>
        %dma_start3A_46 = arith.constant 0 : i32
        %dma_start3A_47 = arith.constant 0 : i32
        %dma_start3A_48 = tpu.memref_slice %arg4[%add3A, %dma_start3A_46, %dma_start3A_47] : memref<32x79x128xi32, #tpu.memory_space<hbm>> -> memref<1x79x128xi32, #tpu.memory_space<hbm>>
        %dma_start3A_49 = tpu.memref_squeeze %dma_start3A_48 : memref<1x79x128xi32, #tpu.memory_space<hbm>> -> memref<79x128xi32, #tpu.memory_space<hbm>>
        %dma_start3A_50 = arith.constant 0 : i32
        %dma_start3A_51 = tpu.memref_slice %dma_start3A_49[%scan3A_41, %dma_start3A_50] : memref<79x128xi32, #tpu.memory_space<hbm>> -> memref<1x128xi32, #tpu.memory_space<hbm>>
        %dma_start3A_52 = tpu.memref_squeeze %dma_start3A_51 : memref<1x128xi32, #tpu.memory_space<hbm>> -> memref<128xi32, #tpu.memory_space<hbm>>
        %dma_start3A_53 = arith.constant 0 : i32
        %dma_start3A_54 = arith.constant 0 : i32
        %dma_start3A_55 = tpu.memref_slice %arg4[%add3A, %dma_start3A_53, %dma_start3A_54] : memref<32x79x128xi32, #tpu.memory_space<hbm>> -> memref<1x79x128xi32, #tpu.memory_space<hbm>>
        %dma_start3A_56 = tpu.memref_squeeze %dma_start3A_55 : memref<1x79x128xi32, #tpu.memory_space<hbm>> -> memref<79x128xi32, #tpu.memory_space<hbm>>
        %dma_start3A_57 = arith.constant 0 : i32
        %dma_start3A_58 = tpu.memref_slice %dma_start3A_56[%scan3A_41, %dma_start3A_57] : memref<79x128xi32, #tpu.memory_space<hbm>> -> memref<1x128xi32, #tpu.memory_space<hbm>>
        %dma_start3A_59 = tpu.memref_squeeze %dma_start3A_58 : memref<1x128xi32, #tpu.memory_space<hbm>> -> memref<128xi32, #tpu.memory_space<hbm>>
        tpu.enqueue_dma source(%dma_start3A_59 : memref<128xi32, #tpu.memory_space<hbm>>) target(%arg7 : memref<128xi32, #tpu.memory_space<vmem>>) target_semaphore(%run_scoped3A : memref<!tpu.dma_semaphore, #tpu.memory_space<semaphore_mem>>)
        %dma_wait3A_60 = arith.constant 0 : i32
        %dma_wait3A_61 = arith.constant 0 : i32
        %dma_wait3A_62 = tpu.memref_slice %arg4[%add3A, %dma_wait3A_60, %dma_wait3A_61] : memref<32x79x128xi32, #tpu.memory_space<hbm>> -> memref<1x79x128xi32, #tpu.memory_space<hbm>>
        %dma_wait3A_63 = tpu.memref_squeeze %dma_wait3A_62 : memref<1x79x128xi32, #tpu.memory_space<hbm>> -> memref<79x128xi32, #tpu.memory_space<hbm>>
        %dma_wait3A_64 = arith.constant 0 : i32
        %dma_wait3A_65 = tpu.memref_slice %dma_wait3A_63[%scan3A_41, %dma_wait3A_64] : memref<79x128xi32, #tpu.memory_space<hbm>> -> memref<1x128xi32, #tpu.memory_space<hbm>>
        %dma_wait3A_66 = tpu.memref_squeeze %dma_wait3A_65 : memref<1x128xi32, #tpu.memory_space<hbm>> -> memref<128xi32, #tpu.memory_space<hbm>>
        %dma_wait3A_67 = arith.constant 0 : i32
        %dma_wait3A_68 = arith.constant 0 : i32
        %dma_wait3A_69 = tpu.memref_slice %arg4[%add3A, %dma_wait3A_67, %dma_wait3A_68] : memref<32x79x128xi32, #tpu.memory_space<hbm>> -> memref<1x79x128xi32, #tpu.memory_space<hbm>>
        %dma_wait3A_70 = tpu.memref_squeeze %dma_wait3A_69 : memref<1x79x128xi32, #tpu.memory_space<hbm>> -> memref<79x128xi32, #tpu.memory_space<hbm>>
        %dma_wait3A_71 = arith.constant 0 : i32
        %dma_wait3A_72 = tpu.memref_slice %dma_wait3A_70[%scan3A_41, %dma_wait3A_71] : memref<79x128xi32, #tpu.memory_space<hbm>> -> memref<1x128xi32, #tpu.memory_space<hbm>>
        %dma_wait3A_73 = tpu.memref_squeeze %dma_wait3A_72 : memref<1x128xi32, #tpu.memory_space<hbm>> -> memref<128xi32, #tpu.memory_space<hbm>>
        tpu.wait_dma2 semaphore(%run_scoped3A : memref<!tpu.dma_semaphore, #tpu.memory_space<semaphore_mem>>) src(%dma_wait3A_73 : memref<128xi32, #tpu.memory_space<hbm>>) dst(%arg7 : memref<128xi32, #tpu.memory_space<vmem>>)
        tpu.yield
      }) : () -> ()
      %dma_start3A = arith.constant 0 : i32
      %dma_start3A_42 = arith.constant 0 : i32
      %dma_start3A_43 = tpu.memref_slice %arg2[%dma_start3A, %dma_start3A_42] : memref<10000x128xf32, #tpu.memory_space<hbm>> -> memref<10000x128xf32, #tpu.memory_space<hbm>>
      tpu.enqueue_indirect_dma source(%dma_start3A_43 : memref<10000x128xf32, #tpu.memory_space<hbm>>) target(%arg8 : memref<128x128xf32, #tpu.memory_space<vmem>>) offsets(%arg6 : memref<128xi32, #tpu.memory_space<vmem>>) semaphore(%arg10 : memref<!tpu.dma_semaphore, #tpu.memory_space<semaphore_mem>>)
      %dma_wait3A = arith.constant 0 : i32
      %dma_wait3A_44 = arith.constant 0 : i32
      %dma_wait3A_45 = tpu.memref_slice %arg2[%dma_wait3A, %dma_wait3A_44] : memref<10000x128xf32, #tpu.memory_space<hbm>> -> memref<10000x128xf32, #tpu.memory_space<hbm>>
      tpu.wait_indirect_dma semaphore(%arg10 : memref<!tpu.dma_semaphore, #tpu.memory_space<semaphore_mem>>) src(%dma_wait3A_45 : memref<10000x128xf32, #tpu.memory_space<hbm>>) dst(%arg8 : memref<128x128xf32, #tpu.memory_space<vmem>>)
      "tpu.region"() ({
        %run_scoped3A = tpu.sem_alloc : memref<!tpu.dma_semaphore, #tpu.memory_space<semaphore_mem>>
        %dma_start3A_46 = arith.constant 0 : i32
        %dma_start3A_47 = arith.constant 0 : i32
        %dma_start3A_48 = tpu.memref_slice %arg9[%dma_start3A_46, %dma_start3A_47] : memref<12288x128xf32, #tpu.memory_space<vmem_shared>> -> memref<12288x128xf32, #tpu.memory_space<vmem_shared>>
        tpu.enqueue_indirect_dma source(%arg8 : memref<128x128xf32, #tpu.memory_space<vmem>>) target(%dma_start3A_48 : memref<12288x128xf32, #tpu.memory_space<vmem_shared>>) offsets(%arg7 : memref<128xi32, #tpu.memory_space<vmem>>) semaphore(%run_scoped3A : memref<!tpu.dma_semaphore, #tpu.memory_space<semaphore_mem>>) {add = true}
        %dma_wait3A_49 = arith.constant 0 : i32
        %dma_wait3A_50 = arith.constant 0 : i32
        %dma_wait3A_51 = tpu.memref_slice %arg9[%dma_wait3A_49, %dma_wait3A_50] : memref<12288x128xf32, #tpu.memory_space<vmem_shared>> -> memref<12288x128xf32, #tpu.memory_space<vmem_shared>>
        tpu.wait_indirect_dma semaphore(%run_scoped3A : memref<!tpu.dma_semaphore, #tpu.memory_space<semaphore_mem>>) src(%arg8 : memref<128x128xf32, #tpu.memory_space<vmem>>) dst(%dma_wait3A_51 : memref<12288x128xf32, #tpu.memory_space<vmem_shared>>)
        tpu.yield
      }) : () -> ()
    }
    %scan3A_35 = arith.constant 79 : i32
    %barrier3A_36 = arith.constant 0 : index
    tpu.barrier barrier_id(%barrier3A_36)
    %mul3A_37 = arith.constant 768 : i32
    %mul3A_38 = arith.muli %arg1, %mul3A_37 : i32
    %mul3A_39 = arith.constant 768 : i32
    %mul3A_40 = arith.muli %arg1, %mul3A_39 : i32
    "tpu.region"() ({
      %run_scoped3A = tpu.sem_alloc : memref<!tpu.dma_semaphore, #tpu.memory_space<semaphore_mem>>
      %dma_start3A = arith.constant 0 : i32
      %dma_start3A_41 = arith.constant 0 : i32
      %dma_start3A_42 = tpu.memref_slice %arg5[%arg0, %dma_start3A, %dma_start3A_41] : memref<2x12288x128xf32, #tpu.memory_space<hbm>> -> memref<1x12288x128xf32, #tpu.memory_space<hbm>>
      %dma_start3A_43 = tpu.memref_squeeze %dma_start3A_42 : memref<1x12288x128xf32, #tpu.memory_space<hbm>> -> memref<12288x128xf32, #tpu.memory_space<hbm>>
      %dma_start3A_44 = arith.constant 0 : i32
      %dma_start3A_45 = tpu.memref_slice %dma_start3A_43[%mul3A_40, %dma_start3A_44] : memref<12288x128xf32, #tpu.memory_space<hbm>> -> memref<768x128xf32, #tpu.memory_space<hbm>>
      %dma_start3A_46 = arith.constant 0 : i32
      %dma_start3A_47 = tpu.memref_slice %arg9[%mul3A_38, %dma_start3A_46] : memref<12288x128xf32, #tpu.memory_space<vmem_shared>> -> memref<768x128xf32, #tpu.memory_space<vmem_shared>>
      tpu.enqueue_dma source(%dma_start3A_47 : memref<768x128xf32, #tpu.memory_space<vmem_shared>>) target(%dma_start3A_45 : memref<768x128xf32, #tpu.memory_space<hbm>>) target_semaphore(%run_scoped3A : memref<!tpu.dma_semaphore, #tpu.memory_space<semaphore_mem>>)
      %dma_wait3A = arith.constant 0 : i32
      %dma_wait3A_48 = arith.constant 0 : i32
      %dma_wait3A_49 = tpu.memref_slice %arg5[%arg0, %dma_wait3A, %dma_wait3A_48] : memref<2x12288x128xf32, #tpu.memory_space<hbm>> -> memref<1x12288x128xf32, #tpu.memory_space<hbm>>
      %dma_wait3A_50 = tpu.memref_squeeze %dma_wait3A_49 : memref<1x12288x128xf32, #tpu.memory_space<hbm>> -> memref<12288x128xf32, #tpu.memory_space<hbm>>
      %dma_wait3A_51 = arith.constant 0 : i32
      %dma_wait3A_52 = tpu.memref_slice %dma_wait3A_50[%mul3A_40, %dma_wait3A_51] : memref<12288x128xf32, #tpu.memory_space<hbm>> -> memref<768x128xf32, #tpu.memory_space<hbm>>
      %dma_wait3A_53 = arith.constant 0 : i32
      %dma_wait3A_54 = tpu.memref_slice %arg9[%mul3A_38, %dma_wait3A_53] : memref<12288x128xf32, #tpu.memory_space<vmem_shared>> -> memref<768x128xf32, #tpu.memory_space<vmem_shared>>
      tpu.wait_dma2 semaphore(%run_scoped3A : memref<!tpu.dma_semaphore, #tpu.memory_space<semaphore_mem>>) src(%dma_wait3A_54 : memref<768x128xf32, #tpu.memory_space<vmem_shared>>) dst(%dma_wait3A_52 : memref<768x128xf32, #tpu.memory_space<hbm>>)
      tpu.yield
    }) : () -> ()
    return
  }
}

#map = affine_map<(d0, d1) -> (0, 0, 0)>
#map1 = affine_map<(d0, d1) -> (0, 0)>
module attributes {stable_mosaic.version = 14 : i64} {
  func.func @_deg_body(%arg0: i32, %arg1: i32, %arg2: memref<32x79x128xi32, #tpu.memory_space<hbm>>, %arg3: memref<2x12288xf32, #tpu.memory_space<hbm>>, %arg4: memref<79x128xi32, #tpu.memory_space<vmem>>, %arg5: memref<128xf32, #tpu.memory_space<vmem>>, %arg6: memref<768xf32, #tpu.memory_space<vmem>>, %arg7: memref<12288xf32, #tpu.memory_space<vmem_shared>>, %arg8: memref<!tpu.dma_semaphore, #tpu.memory_space<semaphore_mem>>) attributes {dimension_semantics = [#tpu.dimension_semantics<core_parallel>, #tpu.dimension_semantics<subcore_parallel>], iteration_bounds = array<i64: 2, 16>, scalar_prefetch = 0 : i64, scratch_operands = 5 : i64, tpu.core_type = #tpu.core_type<sc_vector_subcore>, window_params = [{transform_indices = #map}, {transform_indices = #map1}]} {
    %mul3A = arith.constant 2 : i32
    %mul3A_0 = arith.muli %arg1, %mul3A : i32
    %add3A = arith.addi %mul3A_0, %arg0 : i32
    "tpu.region"() ({
      %run_scoped3A = tpu.sem_alloc : memref<!tpu.dma_semaphore, #tpu.memory_space<semaphore_mem>>
      %dma_start3A = arith.constant 0 : i32
      %dma_start3A_354 = arith.constant 0 : i32
      %dma_start3A_355 = tpu.memref_slice %arg2[%add3A, %dma_start3A, %dma_start3A_354] : memref<32x79x128xi32, #tpu.memory_space<hbm>> -> memref<1x79x128xi32, #tpu.memory_space<hbm>>
      %dma_start3A_356 = tpu.memref_squeeze %dma_start3A_355 : memref<1x79x128xi32, #tpu.memory_space<hbm>> -> memref<79x128xi32, #tpu.memory_space<hbm>>
      %dma_start3A_357 = arith.constant 0 : i32
      %dma_start3A_358 = arith.constant 0 : i32
      %dma_start3A_359 = tpu.memref_slice %arg2[%add3A, %dma_start3A_357, %dma_start3A_358] : memref<32x79x128xi32, #tpu.memory_space<hbm>> -> memref<1x79x128xi32, #tpu.memory_space<hbm>>
      %dma_start3A_360 = tpu.memref_squeeze %dma_start3A_359 : memref<1x79x128xi32, #tpu.memory_space<hbm>> -> memref<79x128xi32, #tpu.memory_space<hbm>>
      tpu.enqueue_dma source(%dma_start3A_360 : memref<79x128xi32, #tpu.memory_space<hbm>>) target(%arg4 : memref<79x128xi32, #tpu.memory_space<vmem>>) target_semaphore(%run_scoped3A : memref<!tpu.dma_semaphore, #tpu.memory_space<semaphore_mem>>)
      %dma_wait3A_361 = arith.constant 0 : i32
      %dma_wait3A_362 = arith.constant 0 : i32
      %dma_wait3A_363 = tpu.memref_slice %arg2[%add3A, %dma_wait3A_361, %dma_wait3A_362] : memref<32x79x128xi32, #tpu.memory_space<hbm>> -> memref<1x79x128xi32, #tpu.memory_space<hbm>>
      %dma_wait3A_364 = tpu.memref_squeeze %dma_wait3A_363 : memref<1x79x128xi32, #tpu.memory_space<hbm>> -> memref<79x128xi32, #tpu.memory_space<hbm>>
      %dma_wait3A_365 = arith.constant 0 : i32
      %dma_wait3A_366 = arith.constant 0 : i32
      %dma_wait3A_367 = tpu.memref_slice %arg2[%add3A, %dma_wait3A_365, %dma_wait3A_366] : memref<32x79x128xi32, #tpu.memory_space<hbm>> -> memref<1x79x128xi32, #tpu.memory_space<hbm>>
      %dma_wait3A_368 = tpu.memref_squeeze %dma_wait3A_367 : memref<1x79x128xi32, #tpu.memory_space<hbm>> -> memref<79x128xi32, #tpu.memory_space<hbm>>
      tpu.wait_dma2 semaphore(%run_scoped3A : memref<!tpu.dma_semaphore, #tpu.memory_space<semaphore_mem>>) src(%dma_wait3A_368 : memref<79x128xi32, #tpu.memory_space<hbm>>) dst(%arg4 : memref<79x128xi32, #tpu.memory_space<vmem>>)
      tpu.yield
    }) : () -> ()
    %broadcast_in_dim3A = arith.constant 1.000000e+00 : f32
    %broadcast_in_dim3A_1 = vector.broadcast %broadcast_in_dim3A : f32 to vector<16xf32>
    %swap3A = arith.constant 0 : index
    %swap3A_2 = tpu.vector_load %arg5[%swap3A] {strides = array<i32>} : memref<128xf32, #tpu.memory_space<vmem>>, vector<16xf32>,
    %swap3A_3 = vector.shape_cast %swap3A_2 : vector<16xf32> to vector<16xf32>
    %swap3A_4 = vector.shape_cast %broadcast_in_dim3A_1 : vector<16xf32> to vector<16xf32>
    tpu.vector_store %arg5[%swap3A], %swap3A_4 {strides = array<i32>} : memref<128xf32, #tpu.memory_space<vmem>>, vector<16xf32>,
    %broadcast_in_dim3A_5 = arith.constant 1.000000e+00 : f32
    %broadcast_in_dim3A_6 = vector.broadcast %broadcast_in_dim3A_5 : f32 to vector<16xf32>
    %swap3A_7 = arith.constant 16 : index
    %swap3A_8 = tpu.vector_load %arg5[%swap3A_7] {strides = array<i32>} : memref<128xf32, #tpu.memory_space<vmem>>, vector<16xf32>,
    %swap3A_9 = vector.shape_cast %swap3A_8 : vector<16xf32> to vector<16xf32>
    %swap3A_10 = vector.shape_cast %broadcast_in_dim3A_6 : vector<16xf32> to vector<16xf32>
    tpu.vector_store %arg5[%swap3A_7], %swap3A_10 {strides = array<i32>} : memref<128xf32, #tpu.memory_space<vmem>>, vector<16xf32>,
    %broadcast_in_dim3A_11 = arith.constant 1.000000e+00 : f32
    %broadcast_in_dim3A_12 = vector.broadcast %broadcast_in_dim3A_11 : f32 to vector<16xf32>
    %swap3A_13 = arith.constant 32 : index
    %swap3A_14 = tpu.vector_load %arg5[%swap3A_13] {strides = array<i32>} : memref<128xf32, #tpu.memory_space<vmem>>, vector<16xf32>,
    %swap3A_15 = vector.shape_cast %swap3A_14 : vector<16xf32> to vector<16xf32>
    %swap3A_16 = vector.shape_cast %broadcast_in_dim3A_12 : vector<16xf32> to vector<16xf32>
    tpu.vector_store %arg5[%swap3A_13], %swap3A_16 {strides = array<i32>} : memref<128xf32, #tpu.memory_space<vmem>>, vector<16xf32>,
    %broadcast_in_dim3A_17 = arith.constant 1.000000e+00 : f32
    %broadcast_in_dim3A_18 = vector.broadcast %broadcast_in_dim3A_17 : f32 to vector<16xf32>
    %swap3A_19 = arith.constant 48 : index
    %swap3A_20 = tpu.vector_load %arg5[%swap3A_19] {strides = array<i32>} : memref<128xf32, #tpu.memory_space<vmem>>, vector<16xf32>,
    %swap3A_21 = vector.shape_cast %swap3A_20 : vector<16xf32> to vector<16xf32>
    %swap3A_22 = vector.shape_cast %broadcast_in_dim3A_18 : vector<16xf32> to vector<16xf32>
    tpu.vector_store %arg5[%swap3A_19], %swap3A_22 {strides = array<i32>} : memref<128xf32, #tpu.memory_space<vmem>>, vector<16xf32>,
    %broadcast_in_dim3A_23 = arith.constant 1.000000e+00 : f32
    %broadcast_in_dim3A_24 = vector.broadcast %broadcast_in_dim3A_23 : f32 to vector<16xf32>
    %swap3A_25 = arith.constant 64 : index
    %swap3A_26 = tpu.vector_load %arg5[%swap3A_25] {strides = array<i32>} : memref<128xf32, #tpu.memory_space<vmem>>, vector<16xf32>,
    %swap3A_27 = vector.shape_cast %swap3A_26 : vector<16xf32> to vector<16xf32>
    %swap3A_28 = vector.shape_cast %broadcast_in_dim3A_24 : vector<16xf32> to vector<16xf32>
    tpu.vector_store %arg5[%swap3A_25], %swap3A_28 {strides = array<i32>} : memref<128xf32, #tpu.memory_space<vmem>>, vector<16xf32>,
    %broadcast_in_dim3A_29 = arith.constant 1.000000e+00 : f32
    %broadcast_in_dim3A_30 = vector.broadcast %broadcast_in_dim3A_29 : f32 to vector<16xf32>
    %swap3A_31 = arith.constant 80 : index
    %swap3A_32 = tpu.vector_load %arg5[%swap3A_31] {strides = array<i32>} : memref<128xf32, #tpu.memory_space<vmem>>, vector<16xf32>,
    %swap3A_33 = vector.shape_cast %swap3A_32 : vector<16xf32> to vector<16xf32>
    %swap3A_34 = vector.shape_cast %broadcast_in_dim3A_30 : vector<16xf32> to vector<16xf32>
    tpu.vector_store %arg5[%swap3A_31], %swap3A_34 {strides = array<i32>} : memref<128xf32, #tpu.memory_space<vmem>>, vector<16xf32>,
    %broadcast_in_dim3A_35 = arith.constant 1.000000e+00 : f32
    %broadcast_in_dim3A_36 = vector.broadcast %broadcast_in_dim3A_35 : f32 to vector<16xf32>
    %swap3A_37 = arith.constant 96 : index
    %swap3A_38 = tpu.vector_load %arg5[%swap3A_37] {strides = array<i32>} : memref<128xf32, #tpu.memory_space<vmem>>, vector<16xf32>,
    %swap3A_39 = vector.shape_cast %swap3A_38 : vector<16xf32> to vector<16xf32>
    %swap3A_40 = vector.shape_cast %broadcast_in_dim3A_36 : vector<16xf32> to vector<16xf32>
    tpu.vector_store %arg5[%swap3A_37], %swap3A_40 {strides = array<i32>} : memref<128xf32, #tpu.memory_space<vmem>>, vector<16xf32>,
    %broadcast_in_dim3A_41 = arith.constant 1.000000e+00 : f32
    %broadcast_in_dim3A_42 = vector.broadcast %broadcast_in_dim3A_41 : f32 to vector<16xf32>
    %swap3A_43 = arith.constant 112 : index
    %swap3A_44 = tpu.vector_load %arg5[%swap3A_43] {strides = array<i32>} : memref<128xf32, #tpu.memory_space<vmem>>, vector<16xf32>,
    %swap3A_45 = vector.shape_cast %swap3A_44 : vector<16xf32> to vector<16xf32>
    %swap3A_46 = vector.shape_cast %broadcast_in_dim3A_42 : vector<16xf32> to vector<16xf32>
    tpu.vector_store %arg5[%swap3A_43], %swap3A_46 {strides = array<i32>} : memref<128xf32, #tpu.memory_space<vmem>>, vector<16xf32>,
    %broadcast_in_dim3A_47 = arith.constant 0.000000e+00 : f32
    %broadcast_in_dim3A_48 = vector.broadcast %broadcast_in_dim3A_47 : f32 to vector<16xf32>
    %swap3A_49 = arith.constant 0 : index
    %swap3A_50 = tpu.vector_load %arg6[%swap3A_49] {strides = array<i32>} : memref<768xf32, #tpu.memory_space<vmem>>, vector<16xf32>,
    %swap3A_51 = vector.shape_cast %swap3A_50 : vector<16xf32> to vector<16xf32>
    %swap3A_52 = vector.shape_cast %broadcast_in_dim3A_48 : vector<16xf32> to vector<16xf32>
    tpu.vector_store %arg6[%swap3A_49], %swap3A_52 {strides = array<i32>} : memref<768xf32, #tpu.memory_space<vmem>>, vector<16xf32>,
    %broadcast_in_dim3A_53 = arith.constant 0.000000e+00 : f32
    %broadcast_in_dim3A_54 = vector.broadcast %broadcast_in_dim3A_53 : f32 to vector<16xf32>
    %swap3A_55 = arith.constant 16 : index
    %swap3A_56 = tpu.vector_load %arg6[%swap3A_55] {strides = array<i32>} : memref<768xf32, #tpu.memory_space<vmem>>, vector<16xf32>,
    %swap3A_57 = vector.shape_cast %swap3A_56 : vector<16xf32> to vector<16xf32>
    %swap3A_58 = vector.shape_cast %broadcast_in_dim3A_54 : vector<16xf32> to vector<16xf32>
    tpu.vector_store %arg6[%swap3A_55], %swap3A_58 {strides = array<i32>} : memref<768xf32, #tpu.memory_space<vmem>>, vector<16xf32>,
    %broadcast_in_dim3A_59 = arith.constant 0.000000e+00 : f32
    %broadcast_in_dim3A_60 = vector.broadcast %broadcast_in_dim3A_59 : f32 to vector<16xf32>
    %swap3A_61 = arith.constant 32 : index
    %swap3A_62 = tpu.vector_load %arg6[%swap3A_61] {strides = array<i32>} : memref<768xf32, #tpu.memory_space<vmem>>, vector<16xf32>,
    %swap3A_63 = vector.shape_cast %swap3A_62 : vector<16xf32> to vector<16xf32>
    %swap3A_64 = vector.shape_cast %broadcast_in_dim3A_60 : vector<16xf32> to vector<16xf32>
    tpu.vector_store %arg6[%swap3A_61], %swap3A_64 {strides = array<i32>} : memref<768xf32, #tpu.memory_space<vmem>>, vector<16xf32>,
    %broadcast_in_dim3A_65 = arith.constant 0.000000e+00 : f32
    %broadcast_in_dim3A_66 = vector.broadcast %broadcast_in_dim3A_65 : f32 to vector<16xf32>
    %swap3A_67 = arith.constant 48 : index
    %swap3A_68 = tpu.vector_load %arg6[%swap3A_67] {strides = array<i32>} : memref<768xf32, #tpu.memory_space<vmem>>, vector<16xf32>,
    %swap3A_69 = vector.shape_cast %swap3A_68 : vector<16xf32> to vector<16xf32>
    %swap3A_70 = vector.shape_cast %broadcast_in_dim3A_66 : vector<16xf32> to vector<16xf32>
    tpu.vector_store %arg6[%swap3A_67], %swap3A_70 {strides = array<i32>} : memref<768xf32, #tpu.memory_space<vmem>>, vector<16xf32>,
    %broadcast_in_dim3A_71 = arith.constant 0.000000e+00 : f32
    %broadcast_in_dim3A_72 = vector.broadcast %broadcast_in_dim3A_71 : f32 to vector<16xf32>
    %swap3A_73 = arith.constant 64 : index
    %swap3A_74 = tpu.vector_load %arg6[%swap3A_73] {strides = array<i32>} : memref<768xf32, #tpu.memory_space<vmem>>, vector<16xf32>,
    %swap3A_75 = vector.shape_cast %swap3A_74 : vector<16xf32> to vector<16xf32>
    %swap3A_76 = vector.shape_cast %broadcast_in_dim3A_72 : vector<16xf32> to vector<16xf32>
    tpu.vector_store %arg6[%swap3A_73], %swap3A_76 {strides = array<i32>} : memref<768xf32, #tpu.memory_space<vmem>>, vector<16xf32>,
    %broadcast_in_dim3A_77 = arith.constant 0.000000e+00 : f32
    %broadcast_in_dim3A_78 = vector.broadcast %broadcast_in_dim3A_77 : f32 to vector<16xf32>
    %swap3A_79 = arith.constant 80 : index
    %swap3A_80 = tpu.vector_load %arg6[%swap3A_79] {strides = array<i32>} : memref<768xf32, #tpu.memory_space<vmem>>, vector<16xf32>,
    %swap3A_81 = vector.shape_cast %swap3A_80 : vector<16xf32> to vector<16xf32>
    %swap3A_82 = vector.shape_cast %broadcast_in_dim3A_78 : vector<16xf32> to vector<16xf32>
    tpu.vector_store %arg6[%swap3A_79], %swap3A_82 {strides = array<i32>} : memref<768xf32, #tpu.memory_space<vmem>>, vector<16xf32>,
    %broadcast_in_dim3A_83 = arith.constant 0.000000e+00 : f32
    %broadcast_in_dim3A_84 = vector.broadcast %broadcast_in_dim3A_83 : f32 to vector<16xf32>
    %swap3A_85 = arith.constant 96 : index
    %swap3A_86 = tpu.vector_load %arg6[%swap3A_85] {strides = array<i32>} : memref<768xf32, #tpu.memory_space<vmem>>, vector<16xf32>,
    %swap3A_87 = vector.shape_cast %swap3A_86 : vector<16xf32> to vector<16xf32>
    %swap3A_88 = vector.shape_cast %broadcast_in_dim3A_84 : vector<16xf32> to vector<16xf32>
    tpu.vector_store %arg6[%swap3A_85], %swap3A_88 {strides = array<i32>} : memref<768xf32, #tpu.memory_space<vmem>>, vector<16xf32>,
    %broadcast_in_dim3A_89 = arith.constant 0.000000e+00 : f32
    %broadcast_in_dim3A_90 = vector.broadcast %broadcast_in_dim3A_89 : f32 to vector<16xf32>
    %swap3A_91 = arith.constant 112 : index
    %swap3A_92 = tpu.vector_load %arg6[%swap3A_91] {strides = array<i32>} : memref<768xf32, #tpu.memory_space<vmem>>, vector<16xf32>,
    %swap3A_93 = vector.shape_cast %swap3A_92 : vector<16xf32> to vector<16xf32>
    %swap3A_94 = vector.shape_cast %broadcast_in_dim3A_90 : vector<16xf32> to vector<16xf32>
    tpu.vector_store %arg6[%swap3A_91], %swap3A_94 {strides = array<i32>} : memref<768xf32, #tpu.memory_space<vmem>>, vector<16xf32>,
    %broadcast_in_dim3A_95 = arith.constant 0.000000e+00 : f32
    %broadcast_in_dim3A_96 = vector.broadcast %broadcast_in_dim3A_95 : f32 to vector<16xf32>
    %swap3A_97 = arith.constant 128 : index
    %swap3A_98 = tpu.vector_load %arg6[%swap3A_97] {strides = array<i32>} : memref<768xf32, #tpu.memory_space<vmem>>, vector<16xf32>,
    %swap3A_99 = vector.shape_cast %swap3A_98 : vector<16xf32> to vector<16xf32>
    %swap3A_100 = vector.shape_cast %broadcast_in_dim3A_96 : vector<16xf32> to vector<16xf32>
    tpu.vector_store %arg6[%swap3A_97], %swap3A_100 {strides = array<i32>} : memref<768xf32, #tpu.memory_space<vmem>>, vector<16xf32>,
    %broadcast_in_dim3A_101 = arith.constant 0.000000e+00 : f32
    %broadcast_in_dim3A_102 = vector.broadcast %broadcast_in_dim3A_101 : f32 to vector<16xf32>
    %swap3A_103 = arith.constant 144 : index
    %swap3A_104 = tpu.vector_load %arg6[%swap3A_103] {strides = array<i32>} : memref<768xf32, #tpu.memory_space<vmem>>, vector<16xf32>,
    %swap3A_105 = vector.shape_cast %swap3A_104 : vector<16xf32> to vector<16xf32>
    %swap3A_106 = vector.shape_cast %broadcast_in_dim3A_102 : vector<16xf32> to vector<16xf32>
    tpu.vector_store %arg6[%swap3A_103], %swap3A_106 {strides = array<i32>} : memref<768xf32, #tpu.memory_space<vmem>>, vector<16xf32>,
    %broadcast_in_dim3A_107 = arith.constant 0.000000e+00 : f32
    %broadcast_in_dim3A_108 = vector.broadcast %broadcast_in_dim3A_107 : f32 to vector<16xf32>
    %swap3A_109 = arith.constant 160 : index
    %swap3A_110 = tpu.vector_load %arg6[%swap3A_109] {strides = array<i32>} : memref<768xf32, #tpu.memory_space<vmem>>, vector<16xf32>,
    %swap3A_111 = vector.shape_cast %swap3A_110 : vector<16xf32> to vector<16xf32>
    %swap3A_112 = vector.shape_cast %broadcast_in_dim3A_108 : vector<16xf32> to vector<16xf32>
    tpu.vector_store %arg6[%swap3A_109], %swap3A_112 {strides = array<i32>} : memref<768xf32, #tpu.memory_space<vmem>>, vector<16xf32>,
    %broadcast_in_dim3A_113 = arith.constant 0.000000e+00 : f32
    %broadcast_in_dim3A_114 = vector.broadcast %broadcast_in_dim3A_113 : f32 to vector<16xf32>
    %swap3A_115 = arith.constant 176 : index
    %swap3A_116 = tpu.vector_load %arg6[%swap3A_115] {strides = array<i32>} : memref<768xf32, #tpu.memory_space<vmem>>, vector<16xf32>,
    %swap3A_117 = vector.shape_cast %swap3A_116 : vector<16xf32> to vector<16xf32>
    %swap3A_118 = vector.shape_cast %broadcast_in_dim3A_114 : vector<16xf32> to vector<16xf32>
    tpu.vector_store %arg6[%swap3A_115], %swap3A_118 {strides = array<i32>} : memref<768xf32, #tpu.memory_space<vmem>>, vector<16xf32>,
    %broadcast_in_dim3A_119 = arith.constant 0.000000e+00 : f32
    %broadcast_in_dim3A_120 = vector.broadcast %broadcast_in_dim3A_119 : f32 to vector<16xf32>
    %swap3A_121 = arith.constant 192 : index
    %swap3A_122 = tpu.vector_load %arg6[%swap3A_121] {strides = array<i32>} : memref<768xf32, #tpu.memory_space<vmem>>, vector<16xf32>,
    %swap3A_123 = vector.shape_cast %swap3A_122 : vector<16xf32> to vector<16xf32>
    %swap3A_124 = vector.shape_cast %broadcast_in_dim3A_120 : vector<16xf32> to vector<16xf32>
    tpu.vector_store %arg6[%swap3A_121], %swap3A_124 {strides = array<i32>} : memref<768xf32, #tpu.memory_space<vmem>>, vector<16xf32>,
    %broadcast_in_dim3A_125 = arith.constant 0.000000e+00 : f32
    %broadcast_in_dim3A_126 = vector.broadcast %broadcast_in_dim3A_125 : f32 to vector<16xf32>
    %swap3A_127 = arith.constant 208 : index
    %swap3A_128 = tpu.vector_load %arg6[%swap3A_127] {strides = array<i32>} : memref<768xf32, #tpu.memory_space<vmem>>, vector<16xf32>,
    %swap3A_129 = vector.shape_cast %swap3A_128 : vector<16xf32> to vector<16xf32>
    %swap3A_130 = vector.shape_cast %broadcast_in_dim3A_126 : vector<16xf32> to vector<16xf32>
    tpu.vector_store %arg6[%swap3A_127], %swap3A_130 {strides = array<i32>} : memref<768xf32, #tpu.memory_space<vmem>>, vector<16xf32>,
    %broadcast_in_dim3A_131 = arith.constant 0.000000e+00 : f32
    %broadcast_in_dim3A_132 = vector.broadcast %broadcast_in_dim3A_131 : f32 to vector<16xf32>
    %swap3A_133 = arith.constant 224 : index
    %swap3A_134 = tpu.vector_load %arg6[%swap3A_133] {strides = array<i32>} : memref<768xf32, #tpu.memory_space<vmem>>, vector<16xf32>,
    %swap3A_135 = vector.shape_cast %swap3A_134 : vector<16xf32> to vector<16xf32>
    %swap3A_136 = vector.shape_cast %broadcast_in_dim3A_132 : vector<16xf32> to vector<16xf32>
    tpu.vector_store %arg6[%swap3A_133], %swap3A_136 {strides = array<i32>} : memref<768xf32, #tpu.memory_space<vmem>>, vector<16xf32>,
    %broadcast_in_dim3A_137 = arith.constant 0.000000e+00 : f32
    %broadcast_in_dim3A_138 = vector.broadcast %broadcast_in_dim3A_137 : f32 to vector<16xf32>
    %swap3A_139 = arith.constant 240 : index
    %swap3A_140 = tpu.vector_load %arg6[%swap3A_139] {strides = array<i32>} : memref<768xf32, #tpu.memory_space<vmem>>, vector<16xf32>,
    %swap3A_141 = vector.shape_cast %swap3A_140 : vector<16xf32> to vector<16xf32>
    %swap3A_142 = vector.shape_cast %broadcast_in_dim3A_138 : vector<16xf32> to vector<16xf32>
    tpu.vector_store %arg6[%swap3A_139], %swap3A_142 {strides = array<i32>} : memref<768xf32, #tpu.memory_space<vmem>>, vector<16xf32>,
    %broadcast_in_dim3A_143 = arith.constant 0.000000e+00 : f32
    %broadcast_in_dim3A_144 = vector.broadcast %broadcast_in_dim3A_143 : f32 to vector<16xf32>
    %swap3A_145 = arith.constant 256 : index
    %swap3A_146 = tpu.vector_load %arg6[%swap3A_145] {strides = array<i32>} : memref<768xf32, #tpu.memory_space<vmem>>, vector<16xf32>,
    %swap3A_147 = vector.shape_cast %swap3A_146 : vector<16xf32> to vector<16xf32>
    %swap3A_148 = vector.shape_cast %broadcast_in_dim3A_144 : vector<16xf32> to vector<16xf32>
    tpu.vector_store %arg6[%swap3A_145], %swap3A_148 {strides = array<i32>} : memref<768xf32, #tpu.memory_space<vmem>>, vector<16xf32>,
    %broadcast_in_dim3A_149 = arith.constant 0.000000e+00 : f32
    %broadcast_in_dim3A_150 = vector.broadcast %broadcast_in_dim3A_149 : f32 to vector<16xf32>
    %swap3A_151 = arith.constant 272 : index
    %swap3A_152 = tpu.vector_load %arg6[%swap3A_151] {strides = array<i32>} : memref<768xf32, #tpu.memory_space<vmem>>, vector<16xf32>,
    %swap3A_153 = vector.shape_cast %swap3A_152 : vector<16xf32> to vector<16xf32>
    %swap3A_154 = vector.shape_cast %broadcast_in_dim3A_150 : vector<16xf32> to vector<16xf32>
    tpu.vector_store %arg6[%swap3A_151], %swap3A_154 {strides = array<i32>} : memref<768xf32, #tpu.memory_space<vmem>>, vector<16xf32>,
    %broadcast_in_dim3A_155 = arith.constant 0.000000e+00 : f32
    %broadcast_in_dim3A_156 = vector.broadcast %broadcast_in_dim3A_155 : f32 to vector<16xf32>
    %swap3A_157 = arith.constant 288 : index
    %swap3A_158 = tpu.vector_load %arg6[%swap3A_157] {strides = array<i32>} : memref<768xf32, #tpu.memory_space<vmem>>, vector<16xf32>,
    %swap3A_159 = vector.shape_cast %swap3A_158 : vector<16xf32> to vector<16xf32>
    %swap3A_160 = vector.shape_cast %broadcast_in_dim3A_156 : vector<16xf32> to vector<16xf32>
    tpu.vector_store %arg6[%swap3A_157], %swap3A_160 {strides = array<i32>} : memref<768xf32, #tpu.memory_space<vmem>>, vector<16xf32>,
    %broadcast_in_dim3A_161 = arith.constant 0.000000e+00 : f32
    %broadcast_in_dim3A_162 = vector.broadcast %broadcast_in_dim3A_161 : f32 to vector<16xf32>
    %swap3A_163 = arith.constant 304 : index
    %swap3A_164 = tpu.vector_load %arg6[%swap3A_163] {strides = array<i32>} : memref<768xf32, #tpu.memory_space<vmem>>, vector<16xf32>,
    %swap3A_165 = vector.shape_cast %swap3A_164 : vector<16xf32> to vector<16xf32>
    %swap3A_166 = vector.shape_cast %broadcast_in_dim3A_162 : vector<16xf32> to vector<16xf32>
    tpu.vector_store %arg6[%swap3A_163], %swap3A_166 {strides = array<i32>} : memref<768xf32, #tpu.memory_space<vmem>>, vector<16xf32>,
    %broadcast_in_dim3A_167 = arith.constant 0.000000e+00 : f32
    %broadcast_in_dim3A_168 = vector.broadcast %broadcast_in_dim3A_167 : f32 to vector<16xf32>
    %swap3A_169 = arith.constant 320 : index
    %swap3A_170 = tpu.vector_load %arg6[%swap3A_169] {strides = array<i32>} : memref<768xf32, #tpu.memory_space<vmem>>, vector<16xf32>,
    %swap3A_171 = vector.shape_cast %swap3A_170 : vector<16xf32> to vector<16xf32>
    %swap3A_172 = vector.shape_cast %broadcast_in_dim3A_168 : vector<16xf32> to vector<16xf32>
    tpu.vector_store %arg6[%swap3A_169], %swap3A_172 {strides = array<i32>} : memref<768xf32, #tpu.memory_space<vmem>>, vector<16xf32>,
    %broadcast_in_dim3A_173 = arith.constant 0.000000e+00 : f32
    %broadcast_in_dim3A_174 = vector.broadcast %broadcast_in_dim3A_173 : f32 to vector<16xf32>
    %swap3A_175 = arith.constant 336 : index
    %swap3A_176 = tpu.vector_load %arg6[%swap3A_175] {strides = array<i32>} : memref<768xf32, #tpu.memory_space<vmem>>, vector<16xf32>,
    %swap3A_177 = vector.shape_cast %swap3A_176 : vector<16xf32> to vector<16xf32>
    %swap3A_178 = vector.shape_cast %broadcast_in_dim3A_174 : vector<16xf32> to vector<16xf32>
    tpu.vector_store %arg6[%swap3A_175], %swap3A_178 {strides = array<i32>} : memref<768xf32, #tpu.memory_space<vmem>>, vector<16xf32>,
    %broadcast_in_dim3A_179 = arith.constant 0.000000e+00 : f32
    %broadcast_in_dim3A_180 = vector.broadcast %broadcast_in_dim3A_179 : f32 to vector<16xf32>
    %swap3A_181 = arith.constant 352 : index
    %swap3A_182 = tpu.vector_load %arg6[%swap3A_181] {strides = array<i32>} : memref<768xf32, #tpu.memory_space<vmem>>, vector<16xf32>,
    %swap3A_183 = vector.shape_cast %swap3A_182 : vector<16xf32> to vector<16xf32>
    %swap3A_184 = vector.shape_cast %broadcast_in_dim3A_180 : vector<16xf32> to vector<16xf32>
    tpu.vector_store %arg6[%swap3A_181], %swap3A_184 {strides = array<i32>} : memref<768xf32, #tpu.memory_space<vmem>>, vector<16xf32>,
    %broadcast_in_dim3A_185 = arith.constant 0.000000e+00 : f32
    %broadcast_in_dim3A_186 = vector.broadcast %broadcast_in_dim3A_185 : f32 to vector<16xf32>
    %swap3A_187 = arith.constant 368 : index
    %swap3A_188 = tpu.vector_load %arg6[%swap3A_187] {strides = array<i32>} : memref<768xf32, #tpu.memory_space<vmem>>, vector<16xf32>,
    %swap3A_189 = vector.shape_cast %swap3A_188 : vector<16xf32> to vector<16xf32>
    %swap3A_190 = vector.shape_cast %broadcast_in_dim3A_186 : vector<16xf32> to vector<16xf32>
    tpu.vector_store %arg6[%swap3A_187], %swap3A_190 {strides = array<i32>} : memref<768xf32, #tpu.memory_space<vmem>>, vector<16xf32>,
    %broadcast_in_dim3A_191 = arith.constant 0.000000e+00 : f32
    %broadcast_in_dim3A_192 = vector.broadcast %broadcast_in_dim3A_191 : f32 to vector<16xf32>
    %swap3A_193 = arith.constant 384 : index
    %swap3A_194 = tpu.vector_load %arg6[%swap3A_193] {strides = array<i32>} : memref<768xf32, #tpu.memory_space<vmem>>, vector<16xf32>,
    %swap3A_195 = vector.shape_cast %swap3A_194 : vector<16xf32> to vector<16xf32>
    %swap3A_196 = vector.shape_cast %broadcast_in_dim3A_192 : vector<16xf32> to vector<16xf32>
    tpu.vector_store %arg6[%swap3A_193], %swap3A_196 {strides = array<i32>} : memref<768xf32, #tpu.memory_space<vmem>>, vector<16xf32>,
    %broadcast_in_dim3A_197 = arith.constant 0.000000e+00 : f32
    %broadcast_in_dim3A_198 = vector.broadcast %broadcast_in_dim3A_197 : f32 to vector<16xf32>
    %swap3A_199 = arith.constant 400 : index
    %swap3A_200 = tpu.vector_load %arg6[%swap3A_199] {strides = array<i32>} : memref<768xf32, #tpu.memory_space<vmem>>, vector<16xf32>,
    %swap3A_201 = vector.shape_cast %swap3A_200 : vector<16xf32> to vector<16xf32>
    %swap3A_202 = vector.shape_cast %broadcast_in_dim3A_198 : vector<16xf32> to vector<16xf32>
    tpu.vector_store %arg6[%swap3A_199], %swap3A_202 {strides = array<i32>} : memref<768xf32, #tpu.memory_space<vmem>>, vector<16xf32>,
    %broadcast_in_dim3A_203 = arith.constant 0.000000e+00 : f32
    %broadcast_in_dim3A_204 = vector.broadcast %broadcast_in_dim3A_203 : f32 to vector<16xf32>
    %swap3A_205 = arith.constant 416 : index
    %swap3A_206 = tpu.vector_load %arg6[%swap3A_205] {strides = array<i32>} : memref<768xf32, #tpu.memory_space<vmem>>, vector<16xf32>,
    %swap3A_207 = vector.shape_cast %swap3A_206 : vector<16xf32> to vector<16xf32>
    %swap3A_208 = vector.shape_cast %broadcast_in_dim3A_204 : vector<16xf32> to vector<16xf32>
    tpu.vector_store %arg6[%swap3A_205], %swap3A_208 {strides = array<i32>} : memref<768xf32, #tpu.memory_space<vmem>>, vector<16xf32>,
    %broadcast_in_dim3A_209 = arith.constant 0.000000e+00 : f32
    %broadcast_in_dim3A_210 = vector.broadcast %broadcast_in_dim3A_209 : f32 to vector<16xf32>
    %swap3A_211 = arith.constant 432 : index
    %swap3A_212 = tpu.vector_load %arg6[%swap3A_211] {strides = array<i32>} : memref<768xf32, #tpu.memory_space<vmem>>, vector<16xf32>,
    %swap3A_213 = vector.shape_cast %swap3A_212 : vector<16xf32> to vector<16xf32>
    %swap3A_214 = vector.shape_cast %broadcast_in_dim3A_210 : vector<16xf32> to vector<16xf32>
    tpu.vector_store %arg6[%swap3A_211], %swap3A_214 {strides = array<i32>} : memref<768xf32, #tpu.memory_space<vmem>>, vector<16xf32>,
    %broadcast_in_dim3A_215 = arith.constant 0.000000e+00 : f32
    %broadcast_in_dim3A_216 = vector.broadcast %broadcast_in_dim3A_215 : f32 to vector<16xf32>
    %swap3A_217 = arith.constant 448 : index
    %swap3A_218 = tpu.vector_load %arg6[%swap3A_217] {strides = array<i32>} : memref<768xf32, #tpu.memory_space<vmem>>, vector<16xf32>,
    %swap3A_219 = vector.shape_cast %swap3A_218 : vector<16xf32> to vector<16xf32>
    %swap3A_220 = vector.shape_cast %broadcast_in_dim3A_216 : vector<16xf32> to vector<16xf32>
    tpu.vector_store %arg6[%swap3A_217], %swap3A_220 {strides = array<i32>} : memref<768xf32, #tpu.memory_space<vmem>>, vector<16xf32>,
    %broadcast_in_dim3A_221 = arith.constant 0.000000e+00 : f32
    %broadcast_in_dim3A_222 = vector.broadcast %broadcast_in_dim3A_221 : f32 to vector<16xf32>
    %swap3A_223 = arith.constant 464 : index
    %swap3A_224 = tpu.vector_load %arg6[%swap3A_223] {strides = array<i32>} : memref<768xf32, #tpu.memory_space<vmem>>, vector<16xf32>,
    %swap3A_225 = vector.shape_cast %swap3A_224 : vector<16xf32> to vector<16xf32>
    %swap3A_226 = vector.shape_cast %broadcast_in_dim3A_222 : vector<16xf32> to vector<16xf32>
    tpu.vector_store %arg6[%swap3A_223], %swap3A_226 {strides = array<i32>} : memref<768xf32, #tpu.memory_space<vmem>>, vector<16xf32>,
    %broadcast_in_dim3A_227 = arith.constant 0.000000e+00 : f32
    %broadcast_in_dim3A_228 = vector.broadcast %broadcast_in_dim3A_227 : f32 to vector<16xf32>
    %swap3A_229 = arith.constant 480 : index
    %swap3A_230 = tpu.vector_load %arg6[%swap3A_229] {strides = array<i32>} : memref<768xf32, #tpu.memory_space<vmem>>, vector<16xf32>,
    %swap3A_231 = vector.shape_cast %swap3A_230 : vector<16xf32> to vector<16xf32>
    %swap3A_232 = vector.shape_cast %broadcast_in_dim3A_228 : vector<16xf32> to vector<16xf32>
    tpu.vector_store %arg6[%swap3A_229], %swap3A_232 {strides = array<i32>} : memref<768xf32, #tpu.memory_space<vmem>>, vector<16xf32>,
    %broadcast_in_dim3A_233 = arith.constant 0.000000e+00 : f32
    %broadcast_in_dim3A_234 = vector.broadcast %broadcast_in_dim3A_233 : f32 to vector<16xf32>
    %swap3A_235 = arith.constant 496 : index
    %swap3A_236 = tpu.vector_load %arg6[%swap3A_235] {strides = array<i32>} : memref<768xf32, #tpu.memory_space<vmem>>, vector<16xf32>,
    %swap3A_237 = vector.shape_cast %swap3A_236 : vector<16xf32> to vector<16xf32>
    %swap3A_238 = vector.shape_cast %broadcast_in_dim3A_234 : vector<16xf32> to vector<16xf32>
    tpu.vector_store %arg6[%swap3A_235], %swap3A_238 {strides = array<i32>} : memref<768xf32, #tpu.memory_space<vmem>>, vector<16xf32>,
    %broadcast_in_dim3A_239 = arith.constant 0.000000e+00 : f32
    %broadcast_in_dim3A_240 = vector.broadcast %broadcast_in_dim3A_239 : f32 to vector<16xf32>
    %swap3A_241 = arith.constant 512 : index
    %swap3A_242 = tpu.vector_load %arg6[%swap3A_241] {strides = array<i32>} : memref<768xf32, #tpu.memory_space<vmem>>, vector<16xf32>,
    %swap3A_243 = vector.shape_cast %swap3A_242 : vector<16xf32> to vector<16xf32>
    %swap3A_244 = vector.shape_cast %broadcast_in_dim3A_240 : vector<16xf32> to vector<16xf32>
    tpu.vector_store %arg6[%swap3A_241], %swap3A_244 {strides = array<i32>} : memref<768xf32, #tpu.memory_space<vmem>>, vector<16xf32>,
    %broadcast_in_dim3A_245 = arith.constant 0.000000e+00 : f32
    %broadcast_in_dim3A_246 = vector.broadcast %broadcast_in_dim3A_245 : f32 to vector<16xf32>
    %swap3A_247 = arith.constant 528 : index
    %swap3A_248 = tpu.vector_load %arg6[%swap3A_247] {strides = array<i32>} : memref<768xf32, #tpu.memory_space<vmem>>, vector<16xf32>,
    %swap3A_249 = vector.shape_cast %swap3A_248 : vector<16xf32> to vector<16xf32>
    %swap3A_250 = vector.shape_cast %broadcast_in_dim3A_246 : vector<16xf32> to vector<16xf32>
    tpu.vector_store %arg6[%swap3A_247], %swap3A_250 {strides = array<i32>} : memref<768xf32, #tpu.memory_space<vmem>>, vector<16xf32>,
    %broadcast_in_dim3A_251 = arith.constant 0.000000e+00 : f32
    %broadcast_in_dim3A_252 = vector.broadcast %broadcast_in_dim3A_251 : f32 to vector<16xf32>
    %swap3A_253 = arith.constant 544 : index
    %swap3A_254 = tpu.vector_load %arg6[%swap3A_253] {strides = array<i32>} : memref<768xf32, #tpu.memory_space<vmem>>, vector<16xf32>,
    %swap3A_255 = vector.shape_cast %swap3A_254 : vector<16xf32> to vector<16xf32>
    %swap3A_256 = vector.shape_cast %broadcast_in_dim3A_252 : vector<16xf32> to vector<16xf32>
    tpu.vector_store %arg6[%swap3A_253], %swap3A_256 {strides = array<i32>} : memref<768xf32, #tpu.memory_space<vmem>>, vector<16xf32>,
    %broadcast_in_dim3A_257 = arith.constant 0.000000e+00 : f32
    %broadcast_in_dim3A_258 = vector.broadcast %broadcast_in_dim3A_257 : f32 to vector<16xf32>
    %swap3A_259 = arith.constant 560 : index
    %swap3A_260 = tpu.vector_load %arg6[%swap3A_259] {strides = array<i32>} : memref<768xf32, #tpu.memory_space<vmem>>, vector<16xf32>,
    %swap3A_261 = vector.shape_cast %swap3A_260 : vector<16xf32> to vector<16xf32>
    %swap3A_262 = vector.shape_cast %broadcast_in_dim3A_258 : vector<16xf32> to vector<16xf32>
    tpu.vector_store %arg6[%swap3A_259], %swap3A_262 {strides = array<i32>} : memref<768xf32, #tpu.memory_space<vmem>>, vector<16xf32>,
    %broadcast_in_dim3A_263 = arith.constant 0.000000e+00 : f32
    %broadcast_in_dim3A_264 = vector.broadcast %broadcast_in_dim3A_263 : f32 to vector<16xf32>
    %swap3A_265 = arith.constant 576 : index
    %swap3A_266 = tpu.vector_load %arg6[%swap3A_265] {strides = array<i32>} : memref<768xf32, #tpu.memory_space<vmem>>, vector<16xf32>,
    %swap3A_267 = vector.shape_cast %swap3A_266 : vector<16xf32> to vector<16xf32>
    %swap3A_268 = vector.shape_cast %broadcast_in_dim3A_264 : vector<16xf32> to vector<16xf32>
    tpu.vector_store %arg6[%swap3A_265], %swap3A_268 {strides = array<i32>} : memref<768xf32, #tpu.memory_space<vmem>>, vector<16xf32>,
    %broadcast_in_dim3A_269 = arith.constant 0.000000e+00 : f32
    %broadcast_in_dim3A_270 = vector.broadcast %broadcast_in_dim3A_269 : f32 to vector<16xf32>
    %swap3A_271 = arith.constant 592 : index
    %swap3A_272 = tpu.vector_load %arg6[%swap3A_271] {strides = array<i32>} : memref<768xf32, #tpu.memory_space<vmem>>, vector<16xf32>,
    %swap3A_273 = vector.shape_cast %swap3A_272 : vector<16xf32> to vector<16xf32>
    %swap3A_274 = vector.shape_cast %broadcast_in_dim3A_270 : vector<16xf32> to vector<16xf32>
    tpu.vector_store %arg6[%swap3A_271], %swap3A_274 {strides = array<i32>} : memref<768xf32, #tpu.memory_space<vmem>>, vector<16xf32>,
    %broadcast_in_dim3A_275 = arith.constant 0.000000e+00 : f32
    %broadcast_in_dim3A_276 = vector.broadcast %broadcast_in_dim3A_275 : f32 to vector<16xf32>
    %swap3A_277 = arith.constant 608 : index
    %swap3A_278 = tpu.vector_load %arg6[%swap3A_277] {strides = array<i32>} : memref<768xf32, #tpu.memory_space<vmem>>, vector<16xf32>,
    %swap3A_279 = vector.shape_cast %swap3A_278 : vector<16xf32> to vector<16xf32>
    %swap3A_280 = vector.shape_cast %broadcast_in_dim3A_276 : vector<16xf32> to vector<16xf32>
    tpu.vector_store %arg6[%swap3A_277], %swap3A_280 {strides = array<i32>} : memref<768xf32, #tpu.memory_space<vmem>>, vector<16xf32>,
    %broadcast_in_dim3A_281 = arith.constant 0.000000e+00 : f32
    %broadcast_in_dim3A_282 = vector.broadcast %broadcast_in_dim3A_281 : f32 to vector<16xf32>
    %swap3A_283 = arith.constant 624 : index
    %swap3A_284 = tpu.vector_load %arg6[%swap3A_283] {strides = array<i32>} : memref<768xf32, #tpu.memory_space<vmem>>, vector<16xf32>,
    %swap3A_285 = vector.shape_cast %swap3A_284 : vector<16xf32> to vector<16xf32>
    %swap3A_286 = vector.shape_cast %broadcast_in_dim3A_282 : vector<16xf32> to vector<16xf32>
    tpu.vector_store %arg6[%swap3A_283], %swap3A_286 {strides = array<i32>} : memref<768xf32, #tpu.memory_space<vmem>>, vector<16xf32>,
    %broadcast_in_dim3A_287 = arith.constant 0.000000e+00 : f32
    %broadcast_in_dim3A_288 = vector.broadcast %broadcast_in_dim3A_287 : f32 to vector<16xf32>
    %swap3A_289 = arith.constant 640 : index
    %swap3A_290 = tpu.vector_load %arg6[%swap3A_289] {strides = array<i32>} : memref<768xf32, #tpu.memory_space<vmem>>, vector<16xf32>,
    %swap3A_291 = vector.shape_cast %swap3A_290 : vector<16xf32> to vector<16xf32>
    %swap3A_292 = vector.shape_cast %broadcast_in_dim3A_288 : vector<16xf32> to vector<16xf32>
    tpu.vector_store %arg6[%swap3A_289], %swap3A_292 {strides = array<i32>} : memref<768xf32, #tpu.memory_space<vmem>>, vector<16xf32>,
    %broadcast_in_dim3A_293 = arith.constant 0.000000e+00 : f32
    %broadcast_in_dim3A_294 = vector.broadcast %broadcast_in_dim3A_293 : f32 to vector<16xf32>
    %swap3A_295 = arith.constant 656 : index
    %swap3A_296 = tpu.vector_load %arg6[%swap3A_295] {strides = array<i32>} : memref<768xf32, #tpu.memory_space<vmem>>, vector<16xf32>,
    %swap3A_297 = vector.shape_cast %swap3A_296 : vector<16xf32> to vector<16xf32>
    %swap3A_298 = vector.shape_cast %broadcast_in_dim3A_294 : vector<16xf32> to vector<16xf32>
    tpu.vector_store %arg6[%swap3A_295], %swap3A_298 {strides = array<i32>} : memref<768xf32, #tpu.memory_space<vmem>>, vector<16xf32>,
    %broadcast_in_dim3A_299 = arith.constant 0.000000e+00 : f32
    %broadcast_in_dim3A_300 = vector.broadcast %broadcast_in_dim3A_299 : f32 to vector<16xf32>
    %swap3A_301 = arith.constant 672 : index
    %swap3A_302 = tpu.vector_load %arg6[%swap3A_301] {strides = array<i32>} : memref<768xf32, #tpu.memory_space<vmem>>, vector<16xf32>,
    %swap3A_303 = vector.shape_cast %swap3A_302 : vector<16xf32> to vector<16xf32>
    %swap3A_304 = vector.shape_cast %broadcast_in_dim3A_300 : vector<16xf32> to vector<16xf32>
    tpu.vector_store %arg6[%swap3A_301], %swap3A_304 {strides = array<i32>} : memref<768xf32, #tpu.memory_space<vmem>>, vector<16xf32>,
    %broadcast_in_dim3A_305 = arith.constant 0.000000e+00 : f32
    %broadcast_in_dim3A_306 = vector.broadcast %broadcast_in_dim3A_305 : f32 to vector<16xf32>
    %swap3A_307 = arith.constant 688 : index
    %swap3A_308 = tpu.vector_load %arg6[%swap3A_307] {strides = array<i32>} : memref<768xf32, #tpu.memory_space<vmem>>, vector<16xf32>,
    %swap3A_309 = vector.shape_cast %swap3A_308 : vector<16xf32> to vector<16xf32>
    %swap3A_310 = vector.shape_cast %broadcast_in_dim3A_306 : vector<16xf32> to vector<16xf32>
    tpu.vector_store %arg6[%swap3A_307], %swap3A_310 {strides = array<i32>} : memref<768xf32, #tpu.memory_space<vmem>>, vector<16xf32>,
    %broadcast_in_dim3A_311 = arith.constant 0.000000e+00 : f32
    %broadcast_in_dim3A_312 = vector.broadcast %broadcast_in_dim3A_311 : f32 to vector<16xf32>
    %swap3A_313 = arith.constant 704 : index
    %swap3A_314 = tpu.vector_load %arg6[%swap3A_313] {strides = array<i32>} : memref<768xf32, #tpu.memory_space<vmem>>, vector<16xf32>,
    %swap3A_315 = vector.shape_cast %swap3A_314 : vector<16xf32> to vector<16xf32>
    %swap3A_316 = vector.shape_cast %broadcast_in_dim3A_312 : vector<16xf32> to vector<16xf32>
    tpu.vector_store %arg6[%swap3A_313], %swap3A_316 {strides = array<i32>} : memref<768xf32, #tpu.memory_space<vmem>>, vector<16xf32>,
    %broadcast_in_dim3A_317 = arith.constant 0.000000e+00 : f32
    %broadcast_in_dim3A_318 = vector.broadcast %broadcast_in_dim3A_317 : f32 to vector<16xf32>
    %swap3A_319 = arith.constant 720 : index
    %swap3A_320 = tpu.vector_load %arg6[%swap3A_319] {strides = array<i32>} : memref<768xf32, #tpu.memory_space<vmem>>, vector<16xf32>,
    %swap3A_321 = vector.shape_cast %swap3A_320 : vector<16xf32> to vector<16xf32>
    %swap3A_322 = vector.shape_cast %broadcast_in_dim3A_318 : vector<16xf32> to vector<16xf32>
    tpu.vector_store %arg6[%swap3A_319], %swap3A_322 {strides = array<i32>} : memref<768xf32, #tpu.memory_space<vmem>>, vector<16xf32>,
    %broadcast_in_dim3A_323 = arith.constant 0.000000e+00 : f32
    %broadcast_in_dim3A_324 = vector.broadcast %broadcast_in_dim3A_323 : f32 to vector<16xf32>
    %swap3A_325 = arith.constant 736 : index
    %swap3A_326 = tpu.vector_load %arg6[%swap3A_325] {strides = array<i32>} : memref<768xf32, #tpu.memory_space<vmem>>, vector<16xf32>,
    %swap3A_327 = vector.shape_cast %swap3A_326 : vector<16xf32> to vector<16xf32>
    %swap3A_328 = vector.shape_cast %broadcast_in_dim3A_324 : vector<16xf32> to vector<16xf32>
    tpu.vector_store %arg6[%swap3A_325], %swap3A_328 {strides = array<i32>} : memref<768xf32, #tpu.memory_space<vmem>>, vector<16xf32>,
    %broadcast_in_dim3A_329 = arith.constant 0.000000e+00 : f32
    %broadcast_in_dim3A_330 = vector.broadcast %broadcast_in_dim3A_329 : f32 to vector<16xf32>
    %swap3A_331 = arith.constant 752 : index
    %swap3A_332 = tpu.vector_load %arg6[%swap3A_331] {strides = array<i32>} : memref<768xf32, #tpu.memory_space<vmem>>, vector<16xf32>,
    %swap3A_333 = vector.shape_cast %swap3A_332 : vector<16xf32> to vector<16xf32>
    %swap3A_334 = vector.shape_cast %broadcast_in_dim3A_330 : vector<16xf32> to vector<16xf32>
    tpu.vector_store %arg6[%swap3A_331], %swap3A_334 {strides = array<i32>} : memref<768xf32, #tpu.memory_space<vmem>>, vector<16xf32>,
    %mul3A_335 = arith.constant 768 : i32
    %mul3A_336 = arith.muli %arg1, %mul3A_335 : i32
    "tpu.region"() ({
      %run_scoped3A = tpu.sem_alloc : memref<!tpu.dma_semaphore, #tpu.memory_space<semaphore_mem>>
      %dma_start3A = tpu.memref_slice %arg7[%mul3A_336] : memref<12288xf32, #tpu.memory_space<vmem_shared>> -> memref<768xf32, #tpu.memory_space<vmem_shared>>
      %dma_start3A_354 = tpu.memref_slice %arg7[%mul3A_336] : memref<12288xf32, #tpu.memory_space<vmem_shared>> -> memref<768xf32, #tpu.memory_space<vmem_shared>>
      tpu.enqueue_dma source(%arg6 : memref<768xf32, #tpu.memory_space<vmem>>) target(%dma_start3A_354 : memref<768xf32, #tpu.memory_space<vmem_shared>>) target_semaphore(%run_scoped3A : memref<!tpu.dma_semaphore, #tpu.memory_space<semaphore_mem>>)
      %dma_wait3A_355 = tpu.memref_slice %arg7[%mul3A_336] : memref<12288xf32, #tpu.memory_space<vmem_shared>> -> memref<768xf32, #tpu.memory_space<vmem_shared>>
      %dma_wait3A_356 = tpu.memref_slice %arg7[%mul3A_336] : memref<12288xf32, #tpu.memory_space<vmem_shared>> -> memref<768xf32, #tpu.memory_space<vmem_shared>>
      tpu.wait_dma2 semaphore(%run_scoped3A : memref<!tpu.dma_semaphore, #tpu.memory_space<semaphore_mem>>) src(%arg6 : memref<768xf32, #tpu.memory_space<vmem>>) dst(%dma_wait3A_356 : memref<768xf32, #tpu.memory_space<vmem_shared>>)
      tpu.yield
    }) : () -> ()
    %barrier3A = arith.constant 0 : index
    tpu.barrier barrier_id(%barrier3A)
    %scan3A = arith.constant 0 : i32
    %scan3A_337 = arith.constant 0 : i32
    %scan3A_338 = arith.constant 79 : i32
    %scan3A_339 = arith.addi %scan3A_337, %scan3A_338 : i32
    %scan3A_340 = arith.constant 1 : i32
    scf.for %scan3A_354 = %scan3A_337 to %scan3A_339 step %scan3A_340  : i32 {
      %dma_start3A = arith.constant 0 : i32
      %dma_start3A_355 = tpu.memref_slice %arg4[%scan3A_354, %dma_start3A] : memref<79x128xi32, #tpu.memory_space<vmem>> -> memref<1x128xi32, #tpu.memory_space<vmem>>
      %dma_start3A_356 = tpu.memref_squeeze %dma_start3A_355 : memref<1x128xi32, #tpu.memory_space<vmem>> -> memref<128xi32, #tpu.memory_space<vmem>>
      %dma_start3A_357 = arith.constant 0 : i32
      %dma_start3A_358 = tpu.memref_slice %arg7[%dma_start3A_357] : memref<12288xf32, #tpu.memory_space<vmem_shared>> -> memref<12288xf32, #tpu.memory_space<vmem_shared>>
      tpu.enqueue_indirect_dma source(%arg5 : memref<128xf32, #tpu.memory_space<vmem>>) target(%dma_start3A_358 : memref<12288xf32, #tpu.memory_space<vmem_shared>>) offsets(%dma_start3A_356 : memref<128xi32, #tpu.memory_space<vmem>>) semaphore(%arg8 : memref<!tpu.dma_semaphore, #tpu.memory_space<semaphore_mem>>) {add = true}
    }
    %scan3A_341 = arith.constant 79 : i32
    %dma_wait3A = arith.constant 0 : i32
    %dma_wait3A_342 = arith.constant 0 : i32
    %dma_wait3A_343 = tpu.memref_slice %arg2[%add3A, %dma_wait3A, %dma_wait3A_342] : memref<32x79x128xi32, #tpu.memory_space<hbm>> -> memref<1x79x128xi32, #tpu.memory_space<hbm>>
    %dma_wait3A_344 = tpu.memref_squeeze %dma_wait3A_343 : memref<1x79x128xi32, #tpu.memory_space<hbm>> -> memref<79x128xi32, #tpu.memory_space<hbm>>
    %dma_wait3A_345 = arith.constant 0 : i32
    %dma_wait3A_346 = arith.constant 0 : i32
    %dma_wait3A_347 = tpu.memref_slice %arg2[%add3A, %dma_wait3A_345, %dma_wait3A_346] : memref<32x79x128xi32, #tpu.memory_space<hbm>> -> memref<1x79x128xi32, #tpu.memory_space<hbm>>
    %dma_wait3A_348 = tpu.memref_squeeze %dma_wait3A_347 : memref<1x79x128xi32, #tpu.memory_space<hbm>> -> memref<79x128xi32, #tpu.memory_space<hbm>>
    tpu.wait_dma2 semaphore(%arg8 : memref<!tpu.dma_semaphore, #tpu.memory_space<semaphore_mem>>) src(%dma_wait3A_348 : memref<79x128xi32, #tpu.memory_space<hbm>>) dst(%arg4 : memref<79x128xi32, #tpu.memory_space<vmem>>)
    %barrier3A_349 = arith.constant 0 : index
    tpu.barrier barrier_id(%barrier3A_349)
    %mul3A_350 = arith.constant 768 : i32
    %mul3A_351 = arith.muli %arg1, %mul3A_350 : i32
    %mul3A_352 = arith.constant 768 : i32
    %mul3A_353 = arith.muli %arg1, %mul3A_352 : i32
    "tpu.region"() ({
      %run_scoped3A = tpu.sem_alloc : memref<!tpu.dma_semaphore, #tpu.memory_space<semaphore_mem>>
      %dma_start3A = arith.constant 0 : i32
      %dma_start3A_354 = tpu.memref_slice %arg3[%arg0, %dma_start3A] : memref<2x12288xf32, #tpu.memory_space<hbm>> -> memref<1x12288xf32, #tpu.memory_space<hbm>>
      %dma_start3A_355 = tpu.memref_squeeze %dma_start3A_354 : memref<1x12288xf32, #tpu.memory_space<hbm>> -> memref<12288xf32, #tpu.memory_space<hbm>>
      %dma_start3A_356 = tpu.memref_slice %dma_start3A_355[%mul3A_353] : memref<12288xf32, #tpu.memory_space<hbm>> -> memref<768xf32, #tpu.memory_space<hbm>>
      %dma_start3A_357 = tpu.memref_slice %arg7[%mul3A_351] : memref<12288xf32, #tpu.memory_space<vmem_shared>> -> memref<768xf32, #tpu.memory_space<vmem_shared>>
      tpu.enqueue_dma source(%dma_start3A_357 : memref<768xf32, #tpu.memory_space<vmem_shared>>) target(%dma_start3A_356 : memref<768xf32, #tpu.memory_space<hbm>>) target_semaphore(%run_scoped3A : memref<!tpu.dma_semaphore, #tpu.memory_space<semaphore_mem>>)
      %dma_wait3A_358 = arith.constant 0 : i32
      %dma_wait3A_359 = tpu.memref_slice %arg3[%arg0, %dma_wait3A_358] : memref<2x12288xf32, #tpu.memory_space<hbm>> -> memref<1x12288xf32, #tpu.memory_space<hbm>>
      %dma_wait3A_360 = tpu.memref_squeeze %dma_wait3A_359 : memref<1x12288xf32, #tpu.memory_space<hbm>> -> memref<12288xf32, #tpu.memory_space<hbm>>
      %dma_wait3A_361 = tpu.memref_slice %dma_wait3A_360[%mul3A_353] : memref<12288xf32, #tpu.memory_space<hbm>> -> memref<768xf32, #tpu.memory_space<hbm>>
      %dma_wait3A_362 = tpu.memref_slice %arg7[%mul3A_351] : memref<12288xf32, #tpu.memory_space<vmem_shared>> -> memref<768xf32, #tpu.memory_space<vmem_shared>>
      tpu.wait_dma2 semaphore(%run_scoped3A : memref<!tpu.dma_semaphore, #tpu.memory_space<semaphore_mem>>) src(%dma_wait3A_362 : memref<768xf32, #tpu.memory_space<vmem_shared>>) dst(%dma_wait3A_361 : memref<768xf32, #tpu.memory_space<hbm>>)
      tpu.yield
    }) : () -> ()
    return
  }
}

#map = affine_map<(d0, d1) -> (0, 0)>
#map1 = affine_map<(d0, d1) -> (0)>
module attributes {stable_mosaic.version = 14 : i64} {
  func.func @_dis_body(%arg0: i32, %arg1: i32, %arg2: memref<2x12288xf32, #tpu.memory_space<hbm>>, %arg3: memref<12288xf32, #tpu.memory_space<hbm>>, %arg4: memref<384xf32, #tpu.memory_space<vmem>>, %arg5: memref<384xf32, #tpu.memory_space<vmem>>) attributes {dimension_semantics = [#tpu.dimension_semantics<core_parallel>, #tpu.dimension_semantics<subcore_parallel>], iteration_bounds = array<i64: 2, 16>, scalar_prefetch = 0 : i64, scratch_operands = 2 : i64, tpu.core_type = #tpu.core_type<sc_vector_subcore>, window_params = [{transform_indices = #map}, {transform_indices = #map1}]} {
    %mul3A = arith.constant 2 : i32
    %mul3A_0 = arith.muli %arg1, %mul3A : i32
    %add3A = arith.addi %mul3A_0, %arg0 : i32
    %mul3A_1 = arith.constant 384 : i32
    %mul3A_2 = arith.muli %add3A, %mul3A_1 : i32
    %run_scoped3A = arith.constant 0 : i32
    "tpu.region"() ({
      %run_scoped3A_1179 = tpu.sem_alloc : memref<!tpu.dma_semaphore, #tpu.memory_space<semaphore_mem>>
      %dma_start3A = arith.constant 0 : i32
      %dma_start3A_1180 = tpu.memref_slice %arg2[%run_scoped3A, %dma_start3A] : memref<2x12288xf32, #tpu.memory_space<hbm>> -> memref<1x12288xf32, #tpu.memory_space<hbm>>
      %dma_start3A_1181 = tpu.memref_squeeze %dma_start3A_1180 : memref<1x12288xf32, #tpu.memory_space<hbm>> -> memref<12288xf32, #tpu.memory_space<hbm>>
      %dma_start3A_1182 = tpu.memref_slice %dma_start3A_1181[%mul3A_2] : memref<12288xf32, #tpu.memory_space<hbm>> -> memref<384xf32, #tpu.memory_space<hbm>>
      %dma_start3A_1183 = arith.constant 0 : i32
      %dma_start3A_1184 = tpu.memref_slice %arg2[%run_scoped3A, %dma_start3A_1183] : memref<2x12288xf32, #tpu.memory_space<hbm>> -> memref<1x12288xf32, #tpu.memory_space<hbm>>
      %dma_start3A_1185 = tpu.memref_squeeze %dma_start3A_1184 : memref<1x12288xf32, #tpu.memory_space<hbm>> -> memref<12288xf32, #tpu.memory_space<hbm>>
      %dma_start3A_1186 = tpu.memref_slice %dma_start3A_1185[%mul3A_2] : memref<12288xf32, #tpu.memory_space<hbm>> -> memref<384xf32, #tpu.memory_space<hbm>>
      tpu.enqueue_dma source(%dma_start3A_1186 : memref<384xf32, #tpu.memory_space<hbm>>) target(%arg4 : memref<384xf32, #tpu.memory_space<vmem>>) target_semaphore(%run_scoped3A_1179 : memref<!tpu.dma_semaphore, #tpu.memory_space<semaphore_mem>>)
      %dma_wait3A = arith.constant 0 : i32
      %dma_wait3A_1187 = tpu.memref_slice %arg2[%run_scoped3A, %dma_wait3A] : memref<2x12288xf32, #tpu.memory_space<hbm>> -> memref<1x12288xf32, #tpu.memory_space<hbm>>
      %dma_wait3A_1188 = tpu.memref_squeeze %dma_wait3A_1187 : memref<1x12288xf32, #tpu.memory_space<hbm>> -> memref<12288xf32, #tpu.memory_space<hbm>>
      %dma_wait3A_1189 = tpu.memref_slice %dma_wait3A_1188[%mul3A_2] : memref<12288xf32, #tpu.memory_space<hbm>> -> memref<384xf32, #tpu.memory_space<hbm>>
      %dma_wait3A_1190 = arith.constant 0 : i32
      %dma_wait3A_1191 = tpu.memref_slice %arg2[%run_scoped3A, %dma_wait3A_1190] : memref<2x12288xf32, #tpu.memory_space<hbm>> -> memref<1x12288xf32, #tpu.memory_space<hbm>>
      %dma_wait3A_1192 = tpu.memref_squeeze %dma_wait3A_1191 : memref<1x12288xf32, #tpu.memory_space<hbm>> -> memref<12288xf32, #tpu.memory_space<hbm>>
      %dma_wait3A_1193 = tpu.memref_slice %dma_wait3A_1192[%mul3A_2] : memref<12288xf32, #tpu.memory_space<hbm>> -> memref<384xf32, #tpu.memory_space<hbm>>
      tpu.wait_dma2 semaphore(%run_scoped3A_1179 : memref<!tpu.dma_semaphore, #tpu.memory_space<semaphore_mem>>) src(%dma_wait3A_1193 : memref<384xf32, #tpu.memory_space<hbm>>) dst(%arg4 : memref<384xf32, #tpu.memory_space<vmem>>)
      tpu.yield
    }) : () -> ()
    %mul3A_3 = arith.constant 384 : i32
    %mul3A_4 = arith.muli %add3A, %mul3A_3 : i32
    %run_scoped3A_5 = arith.constant 1 : i32
    "tpu.region"() ({
      %run_scoped3A_1179 = tpu.sem_alloc : memref<!tpu.dma_semaphore, #tpu.memory_space<semaphore_mem>>
      %dma_start3A = arith.constant 0 : i32
      %dma_start3A_1180 = tpu.memref_slice %arg2[%run_scoped3A_5, %dma_start3A] : memref<2x12288xf32, #tpu.memory_space<hbm>> -> memref<1x12288xf32, #tpu.memory_space<hbm>>
      %dma_start3A_1181 = tpu.memref_squeeze %dma_start3A_1180 : memref<1x12288xf32, #tpu.memory_space<hbm>> -> memref<12288xf32, #tpu.memory_space<hbm>>
      %dma_start3A_1182 = tpu.memref_slice %dma_start3A_1181[%mul3A_4] : memref<12288xf32, #tpu.memory_space<hbm>> -> memref<384xf32, #tpu.memory_space<hbm>>
      %dma_start3A_1183 = arith.constant 0 : i32
      %dma_start3A_1184 = tpu.memref_slice %arg2[%run_scoped3A_5, %dma_start3A_1183] : memref<2x12288xf32, #tpu.memory_space<hbm>> -> memref<1x12288xf32, #tpu.memory_space<hbm>>
      %dma_start3A_1185 = tpu.memref_squeeze %dma_start3A_1184 : memref<1x12288xf32, #tpu.memory_space<hbm>> -> memref<12288xf32, #tpu.memory_space<hbm>>
      %dma_start3A_1186 = tpu.memref_slice %dma_start3A_1185[%mul3A_4] : memref<12288xf32, #tpu.memory_space<hbm>> -> memref<384xf32, #tpu.memory_space<hbm>>
      tpu.enqueue_dma source(%dma_start3A_1186 : memref<384xf32, #tpu.memory_space<hbm>>) target(%arg5 : memref<384xf32, #tpu.memory_space<vmem>>) target_semaphore(%run_scoped3A_1179 : memref<!tpu.dma_semaphore, #tpu.memory_space<semaphore_mem>>)
      %dma_wait3A = arith.constant 0 : i32
      %dma_wait3A_1187 = tpu.memref_slice %arg2[%run_scoped3A_5, %dma_wait3A] : memref<2x12288xf32, #tpu.memory_space<hbm>> -> memref<1x12288xf32, #tpu.memory_space<hbm>>
      %dma_wait3A_1188 = tpu.memref_squeeze %dma_wait3A_1187 : memref<1x12288xf32, #tpu.memory_space<hbm>> -> memref<12288xf32, #tpu.memory_space<hbm>>
      %dma_wait3A_1189 = tpu.memref_slice %dma_wait3A_1188[%mul3A_4] : memref<12288xf32, #tpu.memory_space<hbm>> -> memref<384xf32, #tpu.memory_space<hbm>>
      %dma_wait3A_1190 = arith.constant 0 : i32
      %dma_wait3A_1191 = tpu.memref_slice %arg2[%run_scoped3A_5, %dma_wait3A_1190] : memref<2x12288xf32, #tpu.memory_space<hbm>> -> memref<1x12288xf32, #tpu.memory_space<hbm>>
      %dma_wait3A_1192 = tpu.memref_squeeze %dma_wait3A_1191 : memref<1x12288xf32, #tpu.memory_space<hbm>> -> memref<12288xf32, #tpu.memory_space<hbm>>
      %dma_wait3A_1193 = tpu.memref_slice %dma_wait3A_1192[%mul3A_4] : memref<12288xf32, #tpu.memory_space<hbm>> -> memref<384xf32, #tpu.memory_space<hbm>>
      tpu.wait_dma2 semaphore(%run_scoped3A_1179 : memref<!tpu.dma_semaphore, #tpu.memory_space<semaphore_mem>>) src(%dma_wait3A_1193 : memref<384xf32, #tpu.memory_space<hbm>>) dst(%arg5 : memref<384xf32, #tpu.memory_space<vmem>>)
      tpu.yield
    }) : () -> ()
    %get3A = arith.constant 0 : index
    %get3A_6 = tpu.vector_load %arg4[%get3A] {strides = array<i32>} : memref<384xf32, #tpu.memory_space<vmem>>, vector<16xf32>,
    %get3A_7 = vector.shape_cast %get3A_6 : vector<16xf32> to vector<16xf32>
    %get3A_8 = arith.constant 0 : index
    %get3A_9 = tpu.vector_load %arg5[%get3A_8] {strides = array<i32>} : memref<384xf32, #tpu.memory_space<vmem>>, vector<16xf32>,
    %get3A_10 = vector.shape_cast %get3A_9 : vector<16xf32> to vector<16xf32>
    %add3A_11 = arith.addf %get3A_7, %get3A_10 : vector<16xf32>
    %add3A_12 = arith.constant 1.000000e+00 : f32
    %add3A_13 = vector.broadcast %add3A_12 : f32 to vector<16xf32>
    %add3A_14 = arith.addf %add3A_11, %add3A_13 : vector<16xf32>
    %bitcast_convert_type3A = tpu.bitcast %add3A_14 : vector<16xf32> -> vector<16xi32>
    %shift_right_arithmetic3A = arith.constant 1 : i32
    %shift_right_arithmetic3A_15 = vector.broadcast %shift_right_arithmetic3A : i32 to vector<16xi32>
    %shift_right_arithmetic3A_16 = arith.shrsi %bitcast_convert_type3A, %shift_right_arithmetic3A_15 : vector<16xi32>
    %sub3A = arith.constant 1597463007 : i32
    %sub3A_17 = vector.broadcast %sub3A : i32 to vector<16xi32>
    %sub3A_18 = arith.subi %sub3A_17, %shift_right_arithmetic3A_16 : vector<16xi32>
    %bitcast_convert_type3A_19 = tpu.bitcast %sub3A_18 : vector<16xi32> -> vector<16xf32>
    %mul3A_20 = arith.constant 5.000000e-01 : f32
    %mul3A_21 = vector.broadcast %mul3A_20 : f32 to vector<16xf32>
    %mul3A_22 = arith.mulf %mul3A_21, %add3A_14 : vector<16xf32>
    %mul3A_23 = arith.mulf %mul3A_22, %bitcast_convert_type3A_19 : vector<16xf32>
    %mul3A_24 = arith.mulf %mul3A_23, %bitcast_convert_type3A_19 : vector<16xf32>
    %sub3A_25 = arith.constant 1.500000e+00 : f32
    %sub3A_26 = vector.broadcast %sub3A_25 : f32 to vector<16xf32>
    %sub3A_27 = arith.subf %sub3A_26, %mul3A_24 : vector<16xf32>
    %mul3A_28 = arith.mulf %bitcast_convert_type3A_19, %sub3A_27 : vector<16xf32>
    %mul3A_29 = arith.constant 5.000000e-01 : f32
    %mul3A_30 = vector.broadcast %mul3A_29 : f32 to vector<16xf32>
    %mul3A_31 = arith.mulf %mul3A_30, %add3A_14 : vector<16xf32>
    %mul3A_32 = arith.mulf %mul3A_31, %mul3A_28 : vector<16xf32>
    %mul3A_33 = arith.mulf %mul3A_32, %mul3A_28 : vector<16xf32>
    %sub3A_34 = arith.constant 1.500000e+00 : f32
    %sub3A_35 = vector.broadcast %sub3A_34 : f32 to vector<16xf32>
    %sub3A_36 = arith.subf %sub3A_35, %mul3A_33 : vector<16xf32>
    %mul3A_37 = arith.mulf %mul3A_28, %sub3A_36 : vector<16xf32>
    %mul3A_38 = arith.constant 5.000000e-01 : f32
    %mul3A_39 = vector.broadcast %mul3A_38 : f32 to vector<16xf32>
    %mul3A_40 = arith.mulf %mul3A_39, %add3A_14 : vector<16xf32>
    %mul3A_41 = arith.mulf %mul3A_40, %mul3A_37 : vector<16xf32>
    %mul3A_42 = arith.mulf %mul3A_41, %mul3A_37 : vector<16xf32>
    %sub3A_43 = arith.constant 1.500000e+00 : f32
    %sub3A_44 = vector.broadcast %sub3A_43 : f32 to vector<16xf32>
    %sub3A_45 = arith.subf %sub3A_44, %mul3A_42 : vector<16xf32>
    %mul3A_46 = arith.mulf %mul3A_37, %sub3A_45 : vector<16xf32>
    %swap3A = arith.constant 0 : index
    %swap3A_47 = tpu.vector_load %arg4[%swap3A] {strides = array<i32>} : memref<384xf32, #tpu.memory_space<vmem>>, vector<16xf32>,
    %swap3A_48 = vector.shape_cast %swap3A_47 : vector<16xf32> to vector<16xf32>
    %swap3A_49 = vector.shape_cast %mul3A_46 : vector<16xf32> to vector<16xf32>
    tpu.vector_store %arg4[%swap3A], %swap3A_49 {strides = array<i32>} : memref<384xf32, #tpu.memory_space<vmem>>, vector<16xf32>,
    %get3A_50 = arith.constant 16 : index
    %get3A_51 = tpu.vector_load %arg4[%get3A_50] {strides = array<i32>} : memref<384xf32, #tpu.memory_space<vmem>>, vector<16xf32>,
    %get3A_52 = vector.shape_cast %get3A_51 : vector<16xf32> to vector<16xf32>
    %get3A_53 = arith.constant 16 : index
    %get3A_54 = tpu.vector_load %arg5[%get3A_53] {strides = array<i32>} : memref<384xf32, #tpu.memory_space<vmem>>, vector<16xf32>,
    %get3A_55 = vector.shape_cast %get3A_54 : vector<16xf32> to vector<16xf32>
    %add3A_56 = arith.addf %get3A_52, %get3A_55 : vector<16xf32>
    %add3A_57 = arith.constant 1.000000e+00 : f32
    %add3A_58 = vector.broadcast %add3A_57 : f32 to vector<16xf32>
    %add3A_59 = arith.addf %add3A_56, %add3A_58 : vector<16xf32>
    %bitcast_convert_type3A_60 = tpu.bitcast %add3A_59 : vector<16xf32> -> vector<16xi32>
    %shift_right_arithmetic3A_61 = arith.constant 1 : i32
    %shift_right_arithmetic3A_62 = vector.broadcast %shift_right_arithmetic3A_61 : i32 to vector<16xi32>
    %shift_right_arithmetic3A_63 = arith.shrsi %bitcast_convert_type3A_60, %shift_right_arithmetic3A_62 : vector<16xi32>
    %sub3A_64 = arith.constant 1597463007 : i32
    %sub3A_65 = vector.broadcast %sub3A_64 : i32 to vector<16xi32>
    %sub3A_66 = arith.subi %sub3A_65, %shift_right_arithmetic3A_63 : vector<16xi32>
    %bitcast_convert_type3A_67 = tpu.bitcast %sub3A_66 : vector<16xi32> -> vector<16xf32>
    %mul3A_68 = arith.constant 5.000000e-01 : f32
    %mul3A_69 = vector.broadcast %mul3A_68 : f32 to vector<16xf32>
    %mul3A_70 = arith.mulf %mul3A_69, %add3A_59 : vector<16xf32>
    %mul3A_71 = arith.mulf %mul3A_70, %bitcast_convert_type3A_67 : vector<16xf32>
    %mul3A_72 = arith.mulf %mul3A_71, %bitcast_convert_type3A_67 : vector<16xf32>
    %sub3A_73 = arith.constant 1.500000e+00 : f32
    %sub3A_74 = vector.broadcast %sub3A_73 : f32 to vector<16xf32>
    %sub3A_75 = arith.subf %sub3A_74, %mul3A_72 : vector<16xf32>
    %mul3A_76 = arith.mulf %bitcast_convert_type3A_67, %sub3A_75 : vector<16xf32>
    %mul3A_77 = arith.constant 5.000000e-01 : f32
    %mul3A_78 = vector.broadcast %mul3A_77 : f32 to vector<16xf32>
    %mul3A_79 = arith.mulf %mul3A_78, %add3A_59 : vector<16xf32>
    %mul3A_80 = arith.mulf %mul3A_79, %mul3A_76 : vector<16xf32>
    %mul3A_81 = arith.mulf %mul3A_80, %mul3A_76 : vector<16xf32>
    %sub3A_82 = arith.constant 1.500000e+00 : f32
    %sub3A_83 = vector.broadcast %sub3A_82 : f32 to vector<16xf32>
    %sub3A_84 = arith.subf %sub3A_83, %mul3A_81 : vector<16xf32>
    %mul3A_85 = arith.mulf %mul3A_76, %sub3A_84 : vector<16xf32>
    %mul3A_86 = arith.constant 5.000000e-01 : f32
    %mul3A_87 = vector.broadcast %mul3A_86 : f32 to vector<16xf32>
    %mul3A_88 = arith.mulf %mul3A_87, %add3A_59 : vector<16xf32>
    %mul3A_89 = arith.mulf %mul3A_88, %mul3A_85 : vector<16xf32>
    %mul3A_90 = arith.mulf %mul3A_89, %mul3A_85 : vector<16xf32>
    %sub3A_91 = arith.constant 1.500000e+00 : f32
    %sub3A_92 = vector.broadcast %sub3A_91 : f32 to vector<16xf32>
    %sub3A_93 = arith.subf %sub3A_92, %mul3A_90 : vector<16xf32>
    %mul3A_94 = arith.mulf %mul3A_85, %sub3A_93 : vector<16xf32>
    %swap3A_95 = arith.constant 16 : index
    %swap3A_96 = tpu.vector_load %arg4[%swap3A_95] {strides = array<i32>} : memref<384xf32, #tpu.memory_space<vmem>>, vector<16xf32>,
    %swap3A_97 = vector.shape_cast %swap3A_96 : vector<16xf32> to vector<16xf32>
    %swap3A_98 = vector.shape_cast %mul3A_94 : vector<16xf32> to vector<16xf32>
    tpu.vector_store %arg4[%swap3A_95], %swap3A_98 {strides = array<i32>} : memref<384xf32, #tpu.memory_space<vmem>>, vector<16xf32>,
    %get3A_99 = arith.constant 32 : index
    %get3A_100 = tpu.vector_load %arg4[%get3A_99] {strides = array<i32>} : memref<384xf32, #tpu.memory_space<vmem>>, vector<16xf32>,
    %get3A_101 = vector.shape_cast %get3A_100 : vector<16xf32> to vector<16xf32>
    %get3A_102 = arith.constant 32 : index
    %get3A_103 = tpu.vector_load %arg5[%get3A_102] {strides = array<i32>} : memref<384xf32, #tpu.memory_space<vmem>>, vector<16xf32>,
    %get3A_104 = vector.shape_cast %get3A_103 : vector<16xf32> to vector<16xf32>
    %add3A_105 = arith.addf %get3A_101, %get3A_104 : vector<16xf32>
    %add3A_106 = arith.constant 1.000000e+00 : f32
    %add3A_107 = vector.broadcast %add3A_106 : f32 to vector<16xf32>
    %add3A_108 = arith.addf %add3A_105, %add3A_107 : vector<16xf32>
    %bitcast_convert_type3A_109 = tpu.bitcast %add3A_108 : vector<16xf32> -> vector<16xi32>
    %shift_right_arithmetic3A_110 = arith.constant 1 : i32
    %shift_right_arithmetic3A_111 = vector.broadcast %shift_right_arithmetic3A_110 : i32 to vector<16xi32>
    %shift_right_arithmetic3A_112 = arith.shrsi %bitcast_convert_type3A_109, %shift_right_arithmetic3A_111 : vector<16xi32>
    %sub3A_113 = arith.constant 1597463007 : i32
    %sub3A_114 = vector.broadcast %sub3A_113 : i32 to vector<16xi32>
    %sub3A_115 = arith.subi %sub3A_114, %shift_right_arithmetic3A_112 : vector<16xi32>
    %bitcast_convert_type3A_116 = tpu.bitcast %sub3A_115 : vector<16xi32> -> vector<16xf32>
    %mul3A_117 = arith.constant 5.000000e-01 : f32
    %mul3A_118 = vector.broadcast %mul3A_117 : f32 to vector<16xf32>
    %mul3A_119 = arith.mulf %mul3A_118, %add3A_108 : vector<16xf32>
    %mul3A_120 = arith.mulf %mul3A_119, %bitcast_convert_type3A_116 : vector<16xf32>
    %mul3A_121 = arith.mulf %mul3A_120, %bitcast_convert_type3A_116 : vector<16xf32>
    %sub3A_122 = arith.constant 1.500000e+00 : f32
    %sub3A_123 = vector.broadcast %sub3A_122 : f32 to vector<16xf32>
    %sub3A_124 = arith.subf %sub3A_123, %mul3A_121 : vector<16xf32>
    %mul3A_125 = arith.mulf %bitcast_convert_type3A_116, %sub3A_124 : vector<16xf32>
    %mul3A_126 = arith.constant 5.000000e-01 : f32
    %mul3A_127 = vector.broadcast %mul3A_126 : f32 to vector<16xf32>
    %mul3A_128 = arith.mulf %mul3A_127, %add3A_108 : vector<16xf32>
    %mul3A_129 = arith.mulf %mul3A_128, %mul3A_125 : vector<16xf32>
    %mul3A_130 = arith.mulf %mul3A_129, %mul3A_125 : vector<16xf32>
    %sub3A_131 = arith.constant 1.500000e+00 : f32
    %sub3A_132 = vector.broadcast %sub3A_131 : f32 to vector<16xf32>
    %sub3A_133 = arith.subf %sub3A_132, %mul3A_130 : vector<16xf32>
    %mul3A_134 = arith.mulf %mul3A_125, %sub3A_133 : vector<16xf32>
    %mul3A_135 = arith.constant 5.000000e-01 : f32
    %mul3A_136 = vector.broadcast %mul3A_135 : f32 to vector<16xf32>
    %mul3A_137 = arith.mulf %mul3A_136, %add3A_108 : vector<16xf32>
    %mul3A_138 = arith.mulf %mul3A_137, %mul3A_134 : vector<16xf32>
    %mul3A_139 = arith.mulf %mul3A_138, %mul3A_134 : vector<16xf32>
    %sub3A_140 = arith.constant 1.500000e+00 : f32
    %sub3A_141 = vector.broadcast %sub3A_140 : f32 to vector<16xf32>
    %sub3A_142 = arith.subf %sub3A_141, %mul3A_139 : vector<16xf32>
    %mul3A_143 = arith.mulf %mul3A_134, %sub3A_142 : vector<16xf32>
    %swap3A_144 = arith.constant 32 : index
    %swap3A_145 = tpu.vector_load %arg4[%swap3A_144] {strides = array<i32>} : memref<384xf32, #tpu.memory_space<vmem>>, vector<16xf32>,
    %swap3A_146 = vector.shape_cast %swap3A_145 : vector<16xf32> to vector<16xf32>
    %swap3A_147 = vector.shape_cast %mul3A_143 : vector<16xf32> to vector<16xf32>
    tpu.vector_store %arg4[%swap3A_144], %swap3A_147 {strides = array<i32>} : memref<384xf32, #tpu.memory_space<vmem>>, vector<16xf32>,
    %get3A_148 = arith.constant 48 : index
    %get3A_149 = tpu.vector_load %arg4[%get3A_148] {strides = array<i32>} : memref<384xf32, #tpu.memory_space<vmem>>, vector<16xf32>,
    %get3A_150 = vector.shape_cast %get3A_149 : vector<16xf32> to vector<16xf32>
    %get3A_151 = arith.constant 48 : index
    %get3A_152 = tpu.vector_load %arg5[%get3A_151] {strides = array<i32>} : memref<384xf32, #tpu.memory_space<vmem>>, vector<16xf32>,
    %get3A_153 = vector.shape_cast %get3A_152 : vector<16xf32> to vector<16xf32>
    %add3A_154 = arith.addf %get3A_150, %get3A_153 : vector<16xf32>
    %add3A_155 = arith.constant 1.000000e+00 : f32
    %add3A_156 = vector.broadcast %add3A_155 : f32 to vector<16xf32>
    %add3A_157 = arith.addf %add3A_154, %add3A_156 : vector<16xf32>
    %bitcast_convert_type3A_158 = tpu.bitcast %add3A_157 : vector<16xf32> -> vector<16xi32>
    %shift_right_arithmetic3A_159 = arith.constant 1 : i32
    %shift_right_arithmetic3A_160 = vector.broadcast %shift_right_arithmetic3A_159 : i32 to vector<16xi32>
    %shift_right_arithmetic3A_161 = arith.shrsi %bitcast_convert_type3A_158, %shift_right_arithmetic3A_160 : vector<16xi32>
    %sub3A_162 = arith.constant 1597463007 : i32
    %sub3A_163 = vector.broadcast %sub3A_162 : i32 to vector<16xi32>
    %sub3A_164 = arith.subi %sub3A_163, %shift_right_arithmetic3A_161 : vector<16xi32>
    %bitcast_convert_type3A_165 = tpu.bitcast %sub3A_164 : vector<16xi32> -> vector<16xf32>
    %mul3A_166 = arith.constant 5.000000e-01 : f32
    %mul3A_167 = vector.broadcast %mul3A_166 : f32 to vector<16xf32>
    %mul3A_168 = arith.mulf %mul3A_167, %add3A_157 : vector<16xf32>
    %mul3A_169 = arith.mulf %mul3A_168, %bitcast_convert_type3A_165 : vector<16xf32>
    %mul3A_170 = arith.mulf %mul3A_169, %bitcast_convert_type3A_165 : vector<16xf32>
    %sub3A_171 = arith.constant 1.500000e+00 : f32
    %sub3A_172 = vector.broadcast %sub3A_171 : f32 to vector<16xf32>
    %sub3A_173 = arith.subf %sub3A_172, %mul3A_170 : vector<16xf32>
    %mul3A_174 = arith.mulf %bitcast_convert_type3A_165, %sub3A_173 : vector<16xf32>
    %mul3A_175 = arith.constant 5.000000e-01 : f32
    %mul3A_176 = vector.broadcast %mul3A_175 : f32 to vector<16xf32>
    %mul3A_177 = arith.mulf %mul3A_176, %add3A_157 : vector<16xf32>
    %mul3A_178 = arith.mulf %mul3A_177, %mul3A_174 : vector<16xf32>
    %mul3A_179 = arith.mulf %mul3A_178, %mul3A_174 : vector<16xf32>
    %sub3A_180 = arith.constant 1.500000e+00 : f32
    %sub3A_181 = vector.broadcast %sub3A_180 : f32 to vector<16xf32>
    %sub3A_182 = arith.subf %sub3A_181, %mul3A_179 : vector<16xf32>
    %mul3A_183 = arith.mulf %mul3A_174, %sub3A_182 : vector<16xf32>
    %mul3A_184 = arith.constant 5.000000e-01 : f32
    %mul3A_185 = vector.broadcast %mul3A_184 : f32 to vector<16xf32>
    %mul3A_186 = arith.mulf %mul3A_185, %add3A_157 : vector<16xf32>
    %mul3A_187 = arith.mulf %mul3A_186, %mul3A_183 : vector<16xf32>
    %mul3A_188 = arith.mulf %mul3A_187, %mul3A_183 : vector<16xf32>
    %sub3A_189 = arith.constant 1.500000e+00 : f32
    %sub3A_190 = vector.broadcast %sub3A_189 : f32 to vector<16xf32>
    %sub3A_191 = arith.subf %sub3A_190, %mul3A_188 : vector<16xf32>
    %mul3A_192 = arith.mulf %mul3A_183, %sub3A_191 : vector<16xf32>
    %swap3A_193 = arith.constant 48 : index
    %swap3A_194 = tpu.vector_load %arg4[%swap3A_193] {strides = array<i32>} : memref<384xf32, #tpu.memory_space<vmem>>, vector<16xf32>,
    %swap3A_195 = vector.shape_cast %swap3A_194 : vector<16xf32> to vector<16xf32>
    %swap3A_196 = vector.shape_cast %mul3A_192 : vector<16xf32> to vector<16xf32>
    tpu.vector_store %arg4[%swap3A_193], %swap3A_196 {strides = array<i32>} : memref<384xf32, #tpu.memory_space<vmem>>, vector<16xf32>,
    %get3A_197 = arith.constant 64 : index
    %get3A_198 = tpu.vector_load %arg4[%get3A_197] {strides = array<i32>} : memref<384xf32, #tpu.memory_space<vmem>>, vector<16xf32>,
    %get3A_199 = vector.shape_cast %get3A_198 : vector<16xf32> to vector<16xf32>
    %get3A_200 = arith.constant 64 : index
    %get3A_201 = tpu.vector_load %arg5[%get3A_200] {strides = array<i32>} : memref<384xf32, #tpu.memory_space<vmem>>, vector<16xf32>,
    %get3A_202 = vector.shape_cast %get3A_201 : vector<16xf32> to vector<16xf32>
    %add3A_203 = arith.addf %get3A_199, %get3A_202 : vector<16xf32>
    %add3A_204 = arith.constant 1.000000e+00 : f32
    %add3A_205 = vector.broadcast %add3A_204 : f32 to vector<16xf32>
    %add3A_206 = arith.addf %add3A_203, %add3A_205 : vector<16xf32>
    %bitcast_convert_type3A_207 = tpu.bitcast %add3A_206 : vector<16xf32> -> vector<16xi32>
    %shift_right_arithmetic3A_208 = arith.constant 1 : i32
    %shift_right_arithmetic3A_209 = vector.broadcast %shift_right_arithmetic3A_208 : i32 to vector<16xi32>
    %shift_right_arithmetic3A_210 = arith.shrsi %bitcast_convert_type3A_207, %shift_right_arithmetic3A_209 : vector<16xi32>
    %sub3A_211 = arith.constant 1597463007 : i32
    %sub3A_212 = vector.broadcast %sub3A_211 : i32 to vector<16xi32>
    %sub3A_213 = arith.subi %sub3A_212, %shift_right_arithmetic3A_210 : vector<16xi32>
    %bitcast_convert_type3A_214 = tpu.bitcast %sub3A_213 : vector<16xi32> -> vector<16xf32>
    %mul3A_215 = arith.constant 5.000000e-01 : f32
    %mul3A_216 = vector.broadcast %mul3A_215 : f32 to vector<16xf32>
    %mul3A_217 = arith.mulf %mul3A_216, %add3A_206 : vector<16xf32>
    %mul3A_218 = arith.mulf %mul3A_217, %bitcast_convert_type3A_214 : vector<16xf32>
    %mul3A_219 = arith.mulf %mul3A_218, %bitcast_convert_type3A_214 : vector<16xf32>
    %sub3A_220 = arith.constant 1.500000e+00 : f32
    %sub3A_221 = vector.broadcast %sub3A_220 : f32 to vector<16xf32>
    %sub3A_222 = arith.subf %sub3A_221, %mul3A_219 : vector<16xf32>
    %mul3A_223 = arith.mulf %bitcast_convert_type3A_214, %sub3A_222 : vector<16xf32>
    %mul3A_224 = arith.constant 5.000000e-01 : f32
    %mul3A_225 = vector.broadcast %mul3A_224 : f32 to vector<16xf32>
    %mul3A_226 = arith.mulf %mul3A_225, %add3A_206 : vector<16xf32>
    %mul3A_227 = arith.mulf %mul3A_226, %mul3A_223 : vector<16xf32>
    %mul3A_228 = arith.mulf %mul3A_227, %mul3A_223 : vector<16xf32>
    %sub3A_229 = arith.constant 1.500000e+00 : f32
    %sub3A_230 = vector.broadcast %sub3A_229 : f32 to vector<16xf32>
    %sub3A_231 = arith.subf %sub3A_230, %mul3A_228 : vector<16xf32>
    %mul3A_232 = arith.mulf %mul3A_223, %sub3A_231 : vector<16xf32>
    %mul3A_233 = arith.constant 5.000000e-01 : f32
    %mul3A_234 = vector.broadcast %mul3A_233 : f32 to vector<16xf32>
    %mul3A_235 = arith.mulf %mul3A_234, %add3A_206 : vector<16xf32>
    %mul3A_236 = arith.mulf %mul3A_235, %mul3A_232 : vector<16xf32>
    %mul3A_237 = arith.mulf %mul3A_236, %mul3A_232 : vector<16xf32>
    %sub3A_238 = arith.constant 1.500000e+00 : f32
    %sub3A_239 = vector.broadcast %sub3A_238 : f32 to vector<16xf32>
    %sub3A_240 = arith.subf %sub3A_239, %mul3A_237 : vector<16xf32>
    %mul3A_241 = arith.mulf %mul3A_232, %sub3A_240 : vector<16xf32>
    %swap3A_242 = arith.constant 64 : index
    %swap3A_243 = tpu.vector_load %arg4[%swap3A_242] {strides = array<i32>} : memref<384xf32, #tpu.memory_space<vmem>>, vector<16xf32>,
    %swap3A_244 = vector.shape_cast %swap3A_243 : vector<16xf32> to vector<16xf32>
    %swap3A_245 = vector.shape_cast %mul3A_241 : vector<16xf32> to vector<16xf32>
    tpu.vector_store %arg4[%swap3A_242], %swap3A_245 {strides = array<i32>} : memref<384xf32, #tpu.memory_space<vmem>>, vector<16xf32>,
    %get3A_246 = arith.constant 80 : index
    %get3A_247 = tpu.vector_load %arg4[%get3A_246] {strides = array<i32>} : memref<384xf32, #tpu.memory_space<vmem>>, vector<16xf32>,
    %get3A_248 = vector.shape_cast %get3A_247 : vector<16xf32> to vector<16xf32>
    %get3A_249 = arith.constant 80 : index
    %get3A_250 = tpu.vector_load %arg5[%get3A_249] {strides = array<i32>} : memref<384xf32, #tpu.memory_space<vmem>>, vector<16xf32>,
    %get3A_251 = vector.shape_cast %get3A_250 : vector<16xf32> to vector<16xf32>
    %add3A_252 = arith.addf %get3A_248, %get3A_251 : vector<16xf32>
    %add3A_253 = arith.constant 1.000000e+00 : f32
    %add3A_254 = vector.broadcast %add3A_253 : f32 to vector<16xf32>
    %add3A_255 = arith.addf %add3A_252, %add3A_254 : vector<16xf32>
    %bitcast_convert_type3A_256 = tpu.bitcast %add3A_255 : vector<16xf32> -> vector<16xi32>
    %shift_right_arithmetic3A_257 = arith.constant 1 : i32
    %shift_right_arithmetic3A_258 = vector.broadcast %shift_right_arithmetic3A_257 : i32 to vector<16xi32>
    %shift_right_arithmetic3A_259 = arith.shrsi %bitcast_convert_type3A_256, %shift_right_arithmetic3A_258 : vector<16xi32>
    %sub3A_260 = arith.constant 1597463007 : i32
    %sub3A_261 = vector.broadcast %sub3A_260 : i32 to vector<16xi32>
    %sub3A_262 = arith.subi %sub3A_261, %shift_right_arithmetic3A_259 : vector<16xi32>
    %bitcast_convert_type3A_263 = tpu.bitcast %sub3A_262 : vector<16xi32> -> vector<16xf32>
    %mul3A_264 = arith.constant 5.000000e-01 : f32
    %mul3A_265 = vector.broadcast %mul3A_264 : f32 to vector<16xf32>
    %mul3A_266 = arith.mulf %mul3A_265, %add3A_255 : vector<16xf32>
    %mul3A_267 = arith.mulf %mul3A_266, %bitcast_convert_type3A_263 : vector<16xf32>
    %mul3A_268 = arith.mulf %mul3A_267, %bitcast_convert_type3A_263 : vector<16xf32>
    %sub3A_269 = arith.constant 1.500000e+00 : f32
    %sub3A_270 = vector.broadcast %sub3A_269 : f32 to vector<16xf32>
    %sub3A_271 = arith.subf %sub3A_270, %mul3A_268 : vector<16xf32>
    %mul3A_272 = arith.mulf %bitcast_convert_type3A_263, %sub3A_271 : vector<16xf32>
    %mul3A_273 = arith.constant 5.000000e-01 : f32
    %mul3A_274 = vector.broadcast %mul3A_273 : f32 to vector<16xf32>
    %mul3A_275 = arith.mulf %mul3A_274, %add3A_255 : vector<16xf32>
    %mul3A_276 = arith.mulf %mul3A_275, %mul3A_272 : vector<16xf32>
    %mul3A_277 = arith.mulf %mul3A_276, %mul3A_272 : vector<16xf32>
    %sub3A_278 = arith.constant 1.500000e+00 : f32
    %sub3A_279 = vector.broadcast %sub3A_278 : f32 to vector<16xf32>
    %sub3A_280 = arith.subf %sub3A_279, %mul3A_277 : vector<16xf32>
    %mul3A_281 = arith.mulf %mul3A_272, %sub3A_280 : vector<16xf32>
    %mul3A_282 = arith.constant 5.000000e-01 : f32
    %mul3A_283 = vector.broadcast %mul3A_282 : f32 to vector<16xf32>
    %mul3A_284 = arith.mulf %mul3A_283, %add3A_255 : vector<16xf32>
    %mul3A_285 = arith.mulf %mul3A_284, %mul3A_281 : vector<16xf32>
    %mul3A_286 = arith.mulf %mul3A_285, %mul3A_281 : vector<16xf32>
    %sub3A_287 = arith.constant 1.500000e+00 : f32
    %sub3A_288 = vector.broadcast %sub3A_287 : f32 to vector<16xf32>
    %sub3A_289 = arith.subf %sub3A_288, %mul3A_286 : vector<16xf32>
    %mul3A_290 = arith.mulf %mul3A_281, %sub3A_289 : vector<16xf32>
    %swap3A_291 = arith.constant 80 : index
    %swap3A_292 = tpu.vector_load %arg4[%swap3A_291] {strides = array<i32>} : memref<384xf32, #tpu.memory_space<vmem>>, vector<16xf32>,
    %swap3A_293 = vector.shape_cast %swap3A_292 : vector<16xf32> to vector<16xf32>
    %swap3A_294 = vector.shape_cast %mul3A_290 : vector<16xf32> to vector<16xf32>
    tpu.vector_store %arg4[%swap3A_291], %swap3A_294 {strides = array<i32>} : memref<384xf32, #tpu.memory_space<vmem>>, vector<16xf32>,
    %get3A_295 = arith.constant 96 : index
    %get3A_296 = tpu.vector_load %arg4[%get3A_295] {strides = array<i32>} : memref<384xf32, #tpu.memory_space<vmem>>, vector<16xf32>,
    %get3A_297 = vector.shape_cast %get3A_296 : vector<16xf32> to vector<16xf32>
    %get3A_298 = arith.constant 96 : index
    %get3A_299 = tpu.vector_load %arg5[%get3A_298] {strides = array<i32>} : memref<384xf32, #tpu.memory_space<vmem>>, vector<16xf32>,
    %get3A_300 = vector.shape_cast %get3A_299 : vector<16xf32> to vector<16xf32>
    %add3A_301 = arith.addf %get3A_297, %get3A_300 : vector<16xf32>
    %add3A_302 = arith.constant 1.000000e+00 : f32
    %add3A_303 = vector.broadcast %add3A_302 : f32 to vector<16xf32>
    %add3A_304 = arith.addf %add3A_301, %add3A_303 : vector<16xf32>
    %bitcast_convert_type3A_305 = tpu.bitcast %add3A_304 : vector<16xf32> -> vector<16xi32>
    %shift_right_arithmetic3A_306 = arith.constant 1 : i32
    %shift_right_arithmetic3A_307 = vector.broadcast %shift_right_arithmetic3A_306 : i32 to vector<16xi32>
    %shift_right_arithmetic3A_308 = arith.shrsi %bitcast_convert_type3A_305, %shift_right_arithmetic3A_307 : vector<16xi32>
    %sub3A_309 = arith.constant 1597463007 : i32
    %sub3A_310 = vector.broadcast %sub3A_309 : i32 to vector<16xi32>
    %sub3A_311 = arith.subi %sub3A_310, %shift_right_arithmetic3A_308 : vector<16xi32>
    %bitcast_convert_type3A_312 = tpu.bitcast %sub3A_311 : vector<16xi32> -> vector<16xf32>
    %mul3A_313 = arith.constant 5.000000e-01 : f32
    %mul3A_314 = vector.broadcast %mul3A_313 : f32 to vector<16xf32>
    %mul3A_315 = arith.mulf %mul3A_314, %add3A_304 : vector<16xf32>
    %mul3A_316 = arith.mulf %mul3A_315, %bitcast_convert_type3A_312 : vector<16xf32>
    %mul3A_317 = arith.mulf %mul3A_316, %bitcast_convert_type3A_312 : vector<16xf32>
    %sub3A_318 = arith.constant 1.500000e+00 : f32
    %sub3A_319 = vector.broadcast %sub3A_318 : f32 to vector<16xf32>
    %sub3A_320 = arith.subf %sub3A_319, %mul3A_317 : vector<16xf32>
    %mul3A_321 = arith.mulf %bitcast_convert_type3A_312, %sub3A_320 : vector<16xf32>
    %mul3A_322 = arith.constant 5.000000e-01 : f32
    %mul3A_323 = vector.broadcast %mul3A_322 : f32 to vector<16xf32>
    %mul3A_324 = arith.mulf %mul3A_323, %add3A_304 : vector<16xf32>
    %mul3A_325 = arith.mulf %mul3A_324, %mul3A_321 : vector<16xf32>
    %mul3A_326 = arith.mulf %mul3A_325, %mul3A_321 : vector<16xf32>
    %sub3A_327 = arith.constant 1.500000e+00 : f32
    %sub3A_328 = vector.broadcast %sub3A_327 : f32 to vector<16xf32>
    %sub3A_329 = arith.subf %sub3A_328, %mul3A_326 : vector<16xf32>
    %mul3A_330 = arith.mulf %mul3A_321, %sub3A_329 : vector<16xf32>
    %mul3A_331 = arith.constant 5.000000e-01 : f32
    %mul3A_332 = vector.broadcast %mul3A_331 : f32 to vector<16xf32>
    %mul3A_333 = arith.mulf %mul3A_332, %add3A_304 : vector<16xf32>
    %mul3A_334 = arith.mulf %mul3A_333, %mul3A_330 : vector<16xf32>
    %mul3A_335 = arith.mulf %mul3A_334, %mul3A_330 : vector<16xf32>
    %sub3A_336 = arith.constant 1.500000e+00 : f32
    %sub3A_337 = vector.broadcast %sub3A_336 : f32 to vector<16xf32>
    %sub3A_338 = arith.subf %sub3A_337, %mul3A_335 : vector<16xf32>
    %mul3A_339 = arith.mulf %mul3A_330, %sub3A_338 : vector<16xf32>
    %swap3A_340 = arith.constant 96 : index
    %swap3A_341 = tpu.vector_load %arg4[%swap3A_340] {strides = array<i32>} : memref<384xf32, #tpu.memory_space<vmem>>, vector<16xf32>,
    %swap3A_342 = vector.shape_cast %swap3A_341 : vector<16xf32> to vector<16xf32>
    %swap3A_343 = vector.shape_cast %mul3A_339 : vector<16xf32> to vector<16xf32>
    tpu.vector_store %arg4[%swap3A_340], %swap3A_343 {strides = array<i32>} : memref<384xf32, #tpu.memory_space<vmem>>, vector<16xf32>,
    %get3A_344 = arith.constant 112 : index
    %get3A_345 = tpu.vector_load %arg4[%get3A_344] {strides = array<i32>} : memref<384xf32, #tpu.memory_space<vmem>>, vector<16xf32>,
    %get3A_346 = vector.shape_cast %get3A_345 : vector<16xf32> to vector<16xf32>
    %get3A_347 = arith.constant 112 : index
    %get3A_348 = tpu.vector_load %arg5[%get3A_347] {strides = array<i32>} : memref<384xf32, #tpu.memory_space<vmem>>, vector<16xf32>,
    %get3A_349 = vector.shape_cast %get3A_348 : vector<16xf32> to vector<16xf32>
    %add3A_350 = arith.addf %get3A_346, %get3A_349 : vector<16xf32>
    %add3A_351 = arith.constant 1.000000e+00 : f32
    %add3A_352 = vector.broadcast %add3A_351 : f32 to vector<16xf32>
    %add3A_353 = arith.addf %add3A_350, %add3A_352 : vector<16xf32>
    %bitcast_convert_type3A_354 = tpu.bitcast %add3A_353 : vector<16xf32> -> vector<16xi32>
    %shift_right_arithmetic3A_355 = arith.constant 1 : i32
    %shift_right_arithmetic3A_356 = vector.broadcast %shift_right_arithmetic3A_355 : i32 to vector<16xi32>
    %shift_right_arithmetic3A_357 = arith.shrsi %bitcast_convert_type3A_354, %shift_right_arithmetic3A_356 : vector<16xi32>
    %sub3A_358 = arith.constant 1597463007 : i32
    %sub3A_359 = vector.broadcast %sub3A_358 : i32 to vector<16xi32>
    %sub3A_360 = arith.subi %sub3A_359, %shift_right_arithmetic3A_357 : vector<16xi32>
    %bitcast_convert_type3A_361 = tpu.bitcast %sub3A_360 : vector<16xi32> -> vector<16xf32>
    %mul3A_362 = arith.constant 5.000000e-01 : f32
    %mul3A_363 = vector.broadcast %mul3A_362 : f32 to vector<16xf32>
    %mul3A_364 = arith.mulf %mul3A_363, %add3A_353 : vector<16xf32>
    %mul3A_365 = arith.mulf %mul3A_364, %bitcast_convert_type3A_361 : vector<16xf32>
    %mul3A_366 = arith.mulf %mul3A_365, %bitcast_convert_type3A_361 : vector<16xf32>
    %sub3A_367 = arith.constant 1.500000e+00 : f32
    %sub3A_368 = vector.broadcast %sub3A_367 : f32 to vector<16xf32>
    %sub3A_369 = arith.subf %sub3A_368, %mul3A_366 : vector<16xf32>
    %mul3A_370 = arith.mulf %bitcast_convert_type3A_361, %sub3A_369 : vector<16xf32>
    %mul3A_371 = arith.constant 5.000000e-01 : f32
    %mul3A_372 = vector.broadcast %mul3A_371 : f32 to vector<16xf32>
    %mul3A_373 = arith.mulf %mul3A_372, %add3A_353 : vector<16xf32>
    %mul3A_374 = arith.mulf %mul3A_373, %mul3A_370 : vector<16xf32>
    %mul3A_375 = arith.mulf %mul3A_374, %mul3A_370 : vector<16xf32>
    %sub3A_376 = arith.constant 1.500000e+00 : f32
    %sub3A_377 = vector.broadcast %sub3A_376 : f32 to vector<16xf32>
    %sub3A_378 = arith.subf %sub3A_377, %mul3A_375 : vector<16xf32>
    %mul3A_379 = arith.mulf %mul3A_370, %sub3A_378 : vector<16xf32>
    %mul3A_380 = arith.constant 5.000000e-01 : f32
    %mul3A_381 = vector.broadcast %mul3A_380 : f32 to vector<16xf32>
    %mul3A_382 = arith.mulf %mul3A_381, %add3A_353 : vector<16xf32>
    %mul3A_383 = arith.mulf %mul3A_382, %mul3A_379 : vector<16xf32>
    %mul3A_384 = arith.mulf %mul3A_383, %mul3A_379 : vector<16xf32>
    %sub3A_385 = arith.constant 1.500000e+00 : f32
    %sub3A_386 = vector.broadcast %sub3A_385 : f32 to vector<16xf32>
    %sub3A_387 = arith.subf %sub3A_386, %mul3A_384 : vector<16xf32>
    %mul3A_388 = arith.mulf %mul3A_379, %sub3A_387 : vector<16xf32>
    %swap3A_389 = arith.constant 112 : index
    %swap3A_390 = tpu.vector_load %arg4[%swap3A_389] {strides = array<i32>} : memref<384xf32, #tpu.memory_space<vmem>>, vector<16xf32>,
    %swap3A_391 = vector.shape_cast %swap3A_390 : vector<16xf32> to vector<16xf32>
    %swap3A_392 = vector.shape_cast %mul3A_388 : vector<16xf32> to vector<16xf32>
    tpu.vector_store %arg4[%swap3A_389], %swap3A_392 {strides = array<i32>} : memref<384xf32, #tpu.memory_space<vmem>>, vector<16xf32>,
    %get3A_393 = arith.constant 128 : index
    %get3A_394 = tpu.vector_load %arg4[%get3A_393] {strides = array<i32>} : memref<384xf32, #tpu.memory_space<vmem>>, vector<16xf32>,
    %get3A_395 = vector.shape_cast %get3A_394 : vector<16xf32> to vector<16xf32>
    %get3A_396 = arith.constant 128 : index
    %get3A_397 = tpu.vector_load %arg5[%get3A_396] {strides = array<i32>} : memref<384xf32, #tpu.memory_space<vmem>>, vector<16xf32>,
    %get3A_398 = vector.shape_cast %get3A_397 : vector<16xf32> to vector<16xf32>
    %add3A_399 = arith.addf %get3A_395, %get3A_398 : vector<16xf32>
    %add3A_400 = arith.constant 1.000000e+00 : f32
    %add3A_401 = vector.broadcast %add3A_400 : f32 to vector<16xf32>
    %add3A_402 = arith.addf %add3A_399, %add3A_401 : vector<16xf32>
    %bitcast_convert_type3A_403 = tpu.bitcast %add3A_402 : vector<16xf32> -> vector<16xi32>
    %shift_right_arithmetic3A_404 = arith.constant 1 : i32
    %shift_right_arithmetic3A_405 = vector.broadcast %shift_right_arithmetic3A_404 : i32 to vector<16xi32>
    %shift_right_arithmetic3A_406 = arith.shrsi %bitcast_convert_type3A_403, %shift_right_arithmetic3A_405 : vector<16xi32>
    %sub3A_407 = arith.constant 1597463007 : i32
    %sub3A_408 = vector.broadcast %sub3A_407 : i32 to vector<16xi32>
    %sub3A_409 = arith.subi %sub3A_408, %shift_right_arithmetic3A_406 : vector<16xi32>
    %bitcast_convert_type3A_410 = tpu.bitcast %sub3A_409 : vector<16xi32> -> vector<16xf32>
    %mul3A_411 = arith.constant 5.000000e-01 : f32
    %mul3A_412 = vector.broadcast %mul3A_411 : f32 to vector<16xf32>
    %mul3A_413 = arith.mulf %mul3A_412, %add3A_402 : vector<16xf32>
    %mul3A_414 = arith.mulf %mul3A_413, %bitcast_convert_type3A_410 : vector<16xf32>
    %mul3A_415 = arith.mulf %mul3A_414, %bitcast_convert_type3A_410 : vector<16xf32>
    %sub3A_416 = arith.constant 1.500000e+00 : f32
    %sub3A_417 = vector.broadcast %sub3A_416 : f32 to vector<16xf32>
    %sub3A_418 = arith.subf %sub3A_417, %mul3A_415 : vector<16xf32>
    %mul3A_419 = arith.mulf %bitcast_convert_type3A_410, %sub3A_418 : vector<16xf32>
    %mul3A_420 = arith.constant 5.000000e-01 : f32
    %mul3A_421 = vector.broadcast %mul3A_420 : f32 to vector<16xf32>
    %mul3A_422 = arith.mulf %mul3A_421, %add3A_402 : vector<16xf32>
    %mul3A_423 = arith.mulf %mul3A_422, %mul3A_419 : vector<16xf32>
    %mul3A_424 = arith.mulf %mul3A_423, %mul3A_419 : vector<16xf32>
    %sub3A_425 = arith.constant 1.500000e+00 : f32
    %sub3A_426 = vector.broadcast %sub3A_425 : f32 to vector<16xf32>
    %sub3A_427 = arith.subf %sub3A_426, %mul3A_424 : vector<16xf32>
    %mul3A_428 = arith.mulf %mul3A_419, %sub3A_427 : vector<16xf32>
    %mul3A_429 = arith.constant 5.000000e-01 : f32
    %mul3A_430 = vector.broadcast %mul3A_429 : f32 to vector<16xf32>
    %mul3A_431 = arith.mulf %mul3A_430, %add3A_402 : vector<16xf32>
    %mul3A_432 = arith.mulf %mul3A_431, %mul3A_428 : vector<16xf32>
    %mul3A_433 = arith.mulf %mul3A_432, %mul3A_428 : vector<16xf32>
    %sub3A_434 = arith.constant 1.500000e+00 : f32
    %sub3A_435 = vector.broadcast %sub3A_434 : f32 to vector<16xf32>
    %sub3A_436 = arith.subf %sub3A_435, %mul3A_433 : vector<16xf32>
    %mul3A_437 = arith.mulf %mul3A_428, %sub3A_436 : vector<16xf32>
    %swap3A_438 = arith.constant 128 : index
    %swap3A_439 = tpu.vector_load %arg4[%swap3A_438] {strides = array<i32>} : memref<384xf32, #tpu.memory_space<vmem>>, vector<16xf32>,
    %swap3A_440 = vector.shape_cast %swap3A_439 : vector<16xf32> to vector<16xf32>
    %swap3A_441 = vector.shape_cast %mul3A_437 : vector<16xf32> to vector<16xf32>
    tpu.vector_store %arg4[%swap3A_438], %swap3A_441 {strides = array<i32>} : memref<384xf32, #tpu.memory_space<vmem>>, vector<16xf32>,
    %get3A_442 = arith.constant 144 : index
    %get3A_443 = tpu.vector_load %arg4[%get3A_442] {strides = array<i32>} : memref<384xf32, #tpu.memory_space<vmem>>, vector<16xf32>,
    %get3A_444 = vector.shape_cast %get3A_443 : vector<16xf32> to vector<16xf32>
    %get3A_445 = arith.constant 144 : index
    %get3A_446 = tpu.vector_load %arg5[%get3A_445] {strides = array<i32>} : memref<384xf32, #tpu.memory_space<vmem>>, vector<16xf32>,
    %get3A_447 = vector.shape_cast %get3A_446 : vector<16xf32> to vector<16xf32>
    %add3A_448 = arith.addf %get3A_444, %get3A_447 : vector<16xf32>
    %add3A_449 = arith.constant 1.000000e+00 : f32
    %add3A_450 = vector.broadcast %add3A_449 : f32 to vector<16xf32>
    %add3A_451 = arith.addf %add3A_448, %add3A_450 : vector<16xf32>
    %bitcast_convert_type3A_452 = tpu.bitcast %add3A_451 : vector<16xf32> -> vector<16xi32>
    %shift_right_arithmetic3A_453 = arith.constant 1 : i32
    %shift_right_arithmetic3A_454 = vector.broadcast %shift_right_arithmetic3A_453 : i32 to vector<16xi32>
    %shift_right_arithmetic3A_455 = arith.shrsi %bitcast_convert_type3A_452, %shift_right_arithmetic3A_454 : vector<16xi32>
    %sub3A_456 = arith.constant 1597463007 : i32
    %sub3A_457 = vector.broadcast %sub3A_456 : i32 to vector<16xi32>
    %sub3A_458 = arith.subi %sub3A_457, %shift_right_arithmetic3A_455 : vector<16xi32>
    %bitcast_convert_type3A_459 = tpu.bitcast %sub3A_458 : vector<16xi32> -> vector<16xf32>
    %mul3A_460 = arith.constant 5.000000e-01 : f32
    %mul3A_461 = vector.broadcast %mul3A_460 : f32 to vector<16xf32>
    %mul3A_462 = arith.mulf %mul3A_461, %add3A_451 : vector<16xf32>
    %mul3A_463 = arith.mulf %mul3A_462, %bitcast_convert_type3A_459 : vector<16xf32>
    %mul3A_464 = arith.mulf %mul3A_463, %bitcast_convert_type3A_459 : vector<16xf32>
    %sub3A_465 = arith.constant 1.500000e+00 : f32
    %sub3A_466 = vector.broadcast %sub3A_465 : f32 to vector<16xf32>
    %sub3A_467 = arith.subf %sub3A_466, %mul3A_464 : vector<16xf32>
    %mul3A_468 = arith.mulf %bitcast_convert_type3A_459, %sub3A_467 : vector<16xf32>
    %mul3A_469 = arith.constant 5.000000e-01 : f32
    %mul3A_470 = vector.broadcast %mul3A_469 : f32 to vector<16xf32>
    %mul3A_471 = arith.mulf %mul3A_470, %add3A_451 : vector<16xf32>
    %mul3A_472 = arith.mulf %mul3A_471, %mul3A_468 : vector<16xf32>
    %mul3A_473 = arith.mulf %mul3A_472, %mul3A_468 : vector<16xf32>
    %sub3A_474 = arith.constant 1.500000e+00 : f32
    %sub3A_475 = vector.broadcast %sub3A_474 : f32 to vector<16xf32>
    %sub3A_476 = arith.subf %sub3A_475, %mul3A_473 : vector<16xf32>
    %mul3A_477 = arith.mulf %mul3A_468, %sub3A_476 : vector<16xf32>
    %mul3A_478 = arith.constant 5.000000e-01 : f32
    %mul3A_479 = vector.broadcast %mul3A_478 : f32 to vector<16xf32>
    %mul3A_480 = arith.mulf %mul3A_479, %add3A_451 : vector<16xf32>
    %mul3A_481 = arith.mulf %mul3A_480, %mul3A_477 : vector<16xf32>
    %mul3A_482 = arith.mulf %mul3A_481, %mul3A_477 : vector<16xf32>
    %sub3A_483 = arith.constant 1.500000e+00 : f32
    %sub3A_484 = vector.broadcast %sub3A_483 : f32 to vector<16xf32>
    %sub3A_485 = arith.subf %sub3A_484, %mul3A_482 : vector<16xf32>
    %mul3A_486 = arith.mulf %mul3A_477, %sub3A_485 : vector<16xf32>
    %swap3A_487 = arith.constant 144 : index
    %swap3A_488 = tpu.vector_load %arg4[%swap3A_487] {strides = array<i32>} : memref<384xf32, #tpu.memory_space<vmem>>, vector<16xf32>,
    %swap3A_489 = vector.shape_cast %swap3A_488 : vector<16xf32> to vector<16xf32>
    %swap3A_490 = vector.shape_cast %mul3A_486 : vector<16xf32> to vector<16xf32>
    tpu.vector_store %arg4[%swap3A_487], %swap3A_490 {strides = array<i32>} : memref<384xf32, #tpu.memory_space<vmem>>, vector<16xf32>,
    %get3A_491 = arith.constant 160 : index
    %get3A_492 = tpu.vector_load %arg4[%get3A_491] {strides = array<i32>} : memref<384xf32, #tpu.memory_space<vmem>>, vector<16xf32>,
    %get3A_493 = vector.shape_cast %get3A_492 : vector<16xf32> to vector<16xf32>
    %get3A_494 = arith.constant 160 : index
    %get3A_495 = tpu.vector_load %arg5[%get3A_494] {strides = array<i32>} : memref<384xf32, #tpu.memory_space<vmem>>, vector<16xf32>,
    %get3A_496 = vector.shape_cast %get3A_495 : vector<16xf32> to vector<16xf32>
    %add3A_497 = arith.addf %get3A_493, %get3A_496 : vector<16xf32>
    %add3A_498 = arith.constant 1.000000e+00 : f32
    %add3A_499 = vector.broadcast %add3A_498 : f32 to vector<16xf32>
    %add3A_500 = arith.addf %add3A_497, %add3A_499 : vector<16xf32>
    %bitcast_convert_type3A_501 = tpu.bitcast %add3A_500 : vector<16xf32> -> vector<16xi32>
    %shift_right_arithmetic3A_502 = arith.constant 1 : i32
    %shift_right_arithmetic3A_503 = vector.broadcast %shift_right_arithmetic3A_502 : i32 to vector<16xi32>
    %shift_right_arithmetic3A_504 = arith.shrsi %bitcast_convert_type3A_501, %shift_right_arithmetic3A_503 : vector<16xi32>
    %sub3A_505 = arith.constant 1597463007 : i32
    %sub3A_506 = vector.broadcast %sub3A_505 : i32 to vector<16xi32>
    %sub3A_507 = arith.subi %sub3A_506, %shift_right_arithmetic3A_504 : vector<16xi32>
    %bitcast_convert_type3A_508 = tpu.bitcast %sub3A_507 : vector<16xi32> -> vector<16xf32>
    %mul3A_509 = arith.constant 5.000000e-01 : f32
    %mul3A_510 = vector.broadcast %mul3A_509 : f32 to vector<16xf32>
    %mul3A_511 = arith.mulf %mul3A_510, %add3A_500 : vector<16xf32>
    %mul3A_512 = arith.mulf %mul3A_511, %bitcast_convert_type3A_508 : vector<16xf32>
    %mul3A_513 = arith.mulf %mul3A_512, %bitcast_convert_type3A_508 : vector<16xf32>
    %sub3A_514 = arith.constant 1.500000e+00 : f32
    %sub3A_515 = vector.broadcast %sub3A_514 : f32 to vector<16xf32>
    %sub3A_516 = arith.subf %sub3A_515, %mul3A_513 : vector<16xf32>
    %mul3A_517 = arith.mulf %bitcast_convert_type3A_508, %sub3A_516 : vector<16xf32>
    %mul3A_518 = arith.constant 5.000000e-01 : f32
    %mul3A_519 = vector.broadcast %mul3A_518 : f32 to vector<16xf32>
    %mul3A_520 = arith.mulf %mul3A_519, %add3A_500 : vector<16xf32>
    %mul3A_521 = arith.mulf %mul3A_520, %mul3A_517 : vector<16xf32>
    %mul3A_522 = arith.mulf %mul3A_521, %mul3A_517 : vector<16xf32>
    %sub3A_523 = arith.constant 1.500000e+00 : f32
    %sub3A_524 = vector.broadcast %sub3A_523 : f32 to vector<16xf32>
    %sub3A_525 = arith.subf %sub3A_524, %mul3A_522 : vector<16xf32>
    %mul3A_526 = arith.mulf %mul3A_517, %sub3A_525 : vector<16xf32>
    %mul3A_527 = arith.constant 5.000000e-01 : f32
    %mul3A_528 = vector.broadcast %mul3A_527 : f32 to vector<16xf32>
    %mul3A_529 = arith.mulf %mul3A_528, %add3A_500 : vector<16xf32>
    %mul3A_530 = arith.mulf %mul3A_529, %mul3A_526 : vector<16xf32>
    %mul3A_531 = arith.mulf %mul3A_530, %mul3A_526 : vector<16xf32>
    %sub3A_532 = arith.constant 1.500000e+00 : f32
    %sub3A_533 = vector.broadcast %sub3A_532 : f32 to vector<16xf32>
    %sub3A_534 = arith.subf %sub3A_533, %mul3A_531 : vector<16xf32>
    %mul3A_535 = arith.mulf %mul3A_526, %sub3A_534 : vector<16xf32>
    %swap3A_536 = arith.constant 160 : index
    %swap3A_537 = tpu.vector_load %arg4[%swap3A_536] {strides = array<i32>} : memref<384xf32, #tpu.memory_space<vmem>>, vector<16xf32>,
    %swap3A_538 = vector.shape_cast %swap3A_537 : vector<16xf32> to vector<16xf32>
    %swap3A_539 = vector.shape_cast %mul3A_535 : vector<16xf32> to vector<16xf32>
    tpu.vector_store %arg4[%swap3A_536], %swap3A_539 {strides = array<i32>} : memref<384xf32, #tpu.memory_space<vmem>>, vector<16xf32>,
    %get3A_540 = arith.constant 176 : index
    %get3A_541 = tpu.vector_load %arg4[%get3A_540] {strides = array<i32>} : memref<384xf32, #tpu.memory_space<vmem>>, vector<16xf32>,
    %get3A_542 = vector.shape_cast %get3A_541 : vector<16xf32> to vector<16xf32>
    %get3A_543 = arith.constant 176 : index
    %get3A_544 = tpu.vector_load %arg5[%get3A_543] {strides = array<i32>} : memref<384xf32, #tpu.memory_space<vmem>>, vector<16xf32>,
    %get3A_545 = vector.shape_cast %get3A_544 : vector<16xf32> to vector<16xf32>
    %add3A_546 = arith.addf %get3A_542, %get3A_545 : vector<16xf32>
    %add3A_547 = arith.constant 1.000000e+00 : f32
    %add3A_548 = vector.broadcast %add3A_547 : f32 to vector<16xf32>
    %add3A_549 = arith.addf %add3A_546, %add3A_548 : vector<16xf32>
    %bitcast_convert_type3A_550 = tpu.bitcast %add3A_549 : vector<16xf32> -> vector<16xi32>
    %shift_right_arithmetic3A_551 = arith.constant 1 : i32
    %shift_right_arithmetic3A_552 = vector.broadcast %shift_right_arithmetic3A_551 : i32 to vector<16xi32>
    %shift_right_arithmetic3A_553 = arith.shrsi %bitcast_convert_type3A_550, %shift_right_arithmetic3A_552 : vector<16xi32>
    %sub3A_554 = arith.constant 1597463007 : i32
    %sub3A_555 = vector.broadcast %sub3A_554 : i32 to vector<16xi32>
    %sub3A_556 = arith.subi %sub3A_555, %shift_right_arithmetic3A_553 : vector<16xi32>
    %bitcast_convert_type3A_557 = tpu.bitcast %sub3A_556 : vector<16xi32> -> vector<16xf32>
    %mul3A_558 = arith.constant 5.000000e-01 : f32
    %mul3A_559 = vector.broadcast %mul3A_558 : f32 to vector<16xf32>
    %mul3A_560 = arith.mulf %mul3A_559, %add3A_549 : vector<16xf32>
    %mul3A_561 = arith.mulf %mul3A_560, %bitcast_convert_type3A_557 : vector<16xf32>
    %mul3A_562 = arith.mulf %mul3A_561, %bitcast_convert_type3A_557 : vector<16xf32>
    %sub3A_563 = arith.constant 1.500000e+00 : f32
    %sub3A_564 = vector.broadcast %sub3A_563 : f32 to vector<16xf32>
    %sub3A_565 = arith.subf %sub3A_564, %mul3A_562 : vector<16xf32>
    %mul3A_566 = arith.mulf %bitcast_convert_type3A_557, %sub3A_565 : vector<16xf32>
    %mul3A_567 = arith.constant 5.000000e-01 : f32
    %mul3A_568 = vector.broadcast %mul3A_567 : f32 to vector<16xf32>
    %mul3A_569 = arith.mulf %mul3A_568, %add3A_549 : vector<16xf32>
    %mul3A_570 = arith.mulf %mul3A_569, %mul3A_566 : vector<16xf32>
    %mul3A_571 = arith.mulf %mul3A_570, %mul3A_566 : vector<16xf32>
    %sub3A_572 = arith.constant 1.500000e+00 : f32
    %sub3A_573 = vector.broadcast %sub3A_572 : f32 to vector<16xf32>
    %sub3A_574 = arith.subf %sub3A_573, %mul3A_571 : vector<16xf32>
    %mul3A_575 = arith.mulf %mul3A_566, %sub3A_574 : vector<16xf32>
    %mul3A_576 = arith.constant 5.000000e-01 : f32
    %mul3A_577 = vector.broadcast %mul3A_576 : f32 to vector<16xf32>
    %mul3A_578 = arith.mulf %mul3A_577, %add3A_549 : vector<16xf32>
    %mul3A_579 = arith.mulf %mul3A_578, %mul3A_575 : vector<16xf32>
    %mul3A_580 = arith.mulf %mul3A_579, %mul3A_575 : vector<16xf32>
    %sub3A_581 = arith.constant 1.500000e+00 : f32
    %sub3A_582 = vector.broadcast %sub3A_581 : f32 to vector<16xf32>
    %sub3A_583 = arith.subf %sub3A_582, %mul3A_580 : vector<16xf32>
    %mul3A_584 = arith.mulf %mul3A_575, %sub3A_583 : vector<16xf32>
    %swap3A_585 = arith.constant 176 : index
    %swap3A_586 = tpu.vector_load %arg4[%swap3A_585] {strides = array<i32>} : memref<384xf32, #tpu.memory_space<vmem>>, vector<16xf32>,
    %swap3A_587 = vector.shape_cast %swap3A_586 : vector<16xf32> to vector<16xf32>
    %swap3A_588 = vector.shape_cast %mul3A_584 : vector<16xf32> to vector<16xf32>
    tpu.vector_store %arg4[%swap3A_585], %swap3A_588 {strides = array<i32>} : memref<384xf32, #tpu.memory_space<vmem>>, vector<16xf32>,
    %get3A_589 = arith.constant 192 : index
    %get3A_590 = tpu.vector_load %arg4[%get3A_589] {strides = array<i32>} : memref<384xf32, #tpu.memory_space<vmem>>, vector<16xf32>,
    %get3A_591 = vector.shape_cast %get3A_590 : vector<16xf32> to vector<16xf32>
    %get3A_592 = arith.constant 192 : index
    %get3A_593 = tpu.vector_load %arg5[%get3A_592] {strides = array<i32>} : memref<384xf32, #tpu.memory_space<vmem>>, vector<16xf32>,
    %get3A_594 = vector.shape_cast %get3A_593 : vector<16xf32> to vector<16xf32>
    %add3A_595 = arith.addf %get3A_591, %get3A_594 : vector<16xf32>
    %add3A_596 = arith.constant 1.000000e+00 : f32
    %add3A_597 = vector.broadcast %add3A_596 : f32 to vector<16xf32>
    %add3A_598 = arith.addf %add3A_595, %add3A_597 : vector<16xf32>
    %bitcast_convert_type3A_599 = tpu.bitcast %add3A_598 : vector<16xf32> -> vector<16xi32>
    %shift_right_arithmetic3A_600 = arith.constant 1 : i32
    %shift_right_arithmetic3A_601 = vector.broadcast %shift_right_arithmetic3A_600 : i32 to vector<16xi32>
    %shift_right_arithmetic3A_602 = arith.shrsi %bitcast_convert_type3A_599, %shift_right_arithmetic3A_601 : vector<16xi32>
    %sub3A_603 = arith.constant 1597463007 : i32
    %sub3A_604 = vector.broadcast %sub3A_603 : i32 to vector<16xi32>
    %sub3A_605 = arith.subi %sub3A_604, %shift_right_arithmetic3A_602 : vector<16xi32>
    %bitcast_convert_type3A_606 = tpu.bitcast %sub3A_605 : vector<16xi32> -> vector<16xf32>
    %mul3A_607 = arith.constant 5.000000e-01 : f32
    %mul3A_608 = vector.broadcast %mul3A_607 : f32 to vector<16xf32>
    %mul3A_609 = arith.mulf %mul3A_608, %add3A_598 : vector<16xf32>
    %mul3A_610 = arith.mulf %mul3A_609, %bitcast_convert_type3A_606 : vector<16xf32>
    %mul3A_611 = arith.mulf %mul3A_610, %bitcast_convert_type3A_606 : vector<16xf32>
    %sub3A_612 = arith.constant 1.500000e+00 : f32
    %sub3A_613 = vector.broadcast %sub3A_612 : f32 to vector<16xf32>
    %sub3A_614 = arith.subf %sub3A_613, %mul3A_611 : vector<16xf32>
    %mul3A_615 = arith.mulf %bitcast_convert_type3A_606, %sub3A_614 : vector<16xf32>
    %mul3A_616 = arith.constant 5.000000e-01 : f32
    %mul3A_617 = vector.broadcast %mul3A_616 : f32 to vector<16xf32>
    %mul3A_618 = arith.mulf %mul3A_617, %add3A_598 : vector<16xf32>
    %mul3A_619 = arith.mulf %mul3A_618, %mul3A_615 : vector<16xf32>
    %mul3A_620 = arith.mulf %mul3A_619, %mul3A_615 : vector<16xf32>
    %sub3A_621 = arith.constant 1.500000e+00 : f32
    %sub3A_622 = vector.broadcast %sub3A_621 : f32 to vector<16xf32>
    %sub3A_623 = arith.subf %sub3A_622, %mul3A_620 : vector<16xf32>
    %mul3A_624 = arith.mulf %mul3A_615, %sub3A_623 : vector<16xf32>
    %mul3A_625 = arith.constant 5.000000e-01 : f32
    %mul3A_626 = vector.broadcast %mul3A_625 : f32 to vector<16xf32>
    %mul3A_627 = arith.mulf %mul3A_626, %add3A_598 : vector<16xf32>
    %mul3A_628 = arith.mulf %mul3A_627, %mul3A_624 : vector<16xf32>
    %mul3A_629 = arith.mulf %mul3A_628, %mul3A_624 : vector<16xf32>
    %sub3A_630 = arith.constant 1.500000e+00 : f32
    %sub3A_631 = vector.broadcast %sub3A_630 : f32 to vector<16xf32>
    %sub3A_632 = arith.subf %sub3A_631, %mul3A_629 : vector<16xf32>
    %mul3A_633 = arith.mulf %mul3A_624, %sub3A_632 : vector<16xf32>
    %swap3A_634 = arith.constant 192 : index
    %swap3A_635 = tpu.vector_load %arg4[%swap3A_634] {strides = array<i32>} : memref<384xf32, #tpu.memory_space<vmem>>, vector<16xf32>,
    %swap3A_636 = vector.shape_cast %swap3A_635 : vector<16xf32> to vector<16xf32>
    %swap3A_637 = vector.shape_cast %mul3A_633 : vector<16xf32> to vector<16xf32>
    tpu.vector_store %arg4[%swap3A_634], %swap3A_637 {strides = array<i32>} : memref<384xf32, #tpu.memory_space<vmem>>, vector<16xf32>,
    %get3A_638 = arith.constant 208 : index
    %get3A_639 = tpu.vector_load %arg4[%get3A_638] {strides = array<i32>} : memref<384xf32, #tpu.memory_space<vmem>>, vector<16xf32>,
    %get3A_640 = vector.shape_cast %get3A_639 : vector<16xf32> to vector<16xf32>
    %get3A_641 = arith.constant 208 : index
    %get3A_642 = tpu.vector_load %arg5[%get3A_641] {strides = array<i32>} : memref<384xf32, #tpu.memory_space<vmem>>, vector<16xf32>,
    %get3A_643 = vector.shape_cast %get3A_642 : vector<16xf32> to vector<16xf32>
    %add3A_644 = arith.addf %get3A_640, %get3A_643 : vector<16xf32>
    %add3A_645 = arith.constant 1.000000e+00 : f32
    %add3A_646 = vector.broadcast %add3A_645 : f32 to vector<16xf32>
    %add3A_647 = arith.addf %add3A_644, %add3A_646 : vector<16xf32>
    %bitcast_convert_type3A_648 = tpu.bitcast %add3A_647 : vector<16xf32> -> vector<16xi32>
    %shift_right_arithmetic3A_649 = arith.constant 1 : i32
    %shift_right_arithmetic3A_650 = vector.broadcast %shift_right_arithmetic3A_649 : i32 to vector<16xi32>
    %shift_right_arithmetic3A_651 = arith.shrsi %bitcast_convert_type3A_648, %shift_right_arithmetic3A_650 : vector<16xi32>
    %sub3A_652 = arith.constant 1597463007 : i32
    %sub3A_653 = vector.broadcast %sub3A_652 : i32 to vector<16xi32>
    %sub3A_654 = arith.subi %sub3A_653, %shift_right_arithmetic3A_651 : vector<16xi32>
    %bitcast_convert_type3A_655 = tpu.bitcast %sub3A_654 : vector<16xi32> -> vector<16xf32>
    %mul3A_656 = arith.constant 5.000000e-01 : f32
    %mul3A_657 = vector.broadcast %mul3A_656 : f32 to vector<16xf32>
    %mul3A_658 = arith.mulf %mul3A_657, %add3A_647 : vector<16xf32>
    %mul3A_659 = arith.mulf %mul3A_658, %bitcast_convert_type3A_655 : vector<16xf32>
    %mul3A_660 = arith.mulf %mul3A_659, %bitcast_convert_type3A_655 : vector<16xf32>
    %sub3A_661 = arith.constant 1.500000e+00 : f32
    %sub3A_662 = vector.broadcast %sub3A_661 : f32 to vector<16xf32>
    %sub3A_663 = arith.subf %sub3A_662, %mul3A_660 : vector<16xf32>
    %mul3A_664 = arith.mulf %bitcast_convert_type3A_655, %sub3A_663 : vector<16xf32>
    %mul3A_665 = arith.constant 5.000000e-01 : f32
    %mul3A_666 = vector.broadcast %mul3A_665 : f32 to vector<16xf32>
    %mul3A_667 = arith.mulf %mul3A_666, %add3A_647 : vector<16xf32>
    %mul3A_668 = arith.mulf %mul3A_667, %mul3A_664 : vector<16xf32>
    %mul3A_669 = arith.mulf %mul3A_668, %mul3A_664 : vector<16xf32>
    %sub3A_670 = arith.constant 1.500000e+00 : f32
    %sub3A_671 = vector.broadcast %sub3A_670 : f32 to vector<16xf32>
    %sub3A_672 = arith.subf %sub3A_671, %mul3A_669 : vector<16xf32>
    %mul3A_673 = arith.mulf %mul3A_664, %sub3A_672 : vector<16xf32>
    %mul3A_674 = arith.constant 5.000000e-01 : f32
    %mul3A_675 = vector.broadcast %mul3A_674 : f32 to vector<16xf32>
    %mul3A_676 = arith.mulf %mul3A_675, %add3A_647 : vector<16xf32>
    %mul3A_677 = arith.mulf %mul3A_676, %mul3A_673 : vector<16xf32>
    %mul3A_678 = arith.mulf %mul3A_677, %mul3A_673 : vector<16xf32>
    %sub3A_679 = arith.constant 1.500000e+00 : f32
    %sub3A_680 = vector.broadcast %sub3A_679 : f32 to vector<16xf32>
    %sub3A_681 = arith.subf %sub3A_680, %mul3A_678 : vector<16xf32>
    %mul3A_682 = arith.mulf %mul3A_673, %sub3A_681 : vector<16xf32>
    %swap3A_683 = arith.constant 208 : index
    %swap3A_684 = tpu.vector_load %arg4[%swap3A_683] {strides = array<i32>} : memref<384xf32, #tpu.memory_space<vmem>>, vector<16xf32>,
    %swap3A_685 = vector.shape_cast %swap3A_684 : vector<16xf32> to vector<16xf32>
    %swap3A_686 = vector.shape_cast %mul3A_682 : vector<16xf32> to vector<16xf32>
    tpu.vector_store %arg4[%swap3A_683], %swap3A_686 {strides = array<i32>} : memref<384xf32, #tpu.memory_space<vmem>>, vector<16xf32>,
    %get3A_687 = arith.constant 224 : index
    %get3A_688 = tpu.vector_load %arg4[%get3A_687] {strides = array<i32>} : memref<384xf32, #tpu.memory_space<vmem>>, vector<16xf32>,
    %get3A_689 = vector.shape_cast %get3A_688 : vector<16xf32> to vector<16xf32>
    %get3A_690 = arith.constant 224 : index
    %get3A_691 = tpu.vector_load %arg5[%get3A_690] {strides = array<i32>} : memref<384xf32, #tpu.memory_space<vmem>>, vector<16xf32>,
    %get3A_692 = vector.shape_cast %get3A_691 : vector<16xf32> to vector<16xf32>
    %add3A_693 = arith.addf %get3A_689, %get3A_692 : vector<16xf32>
    %add3A_694 = arith.constant 1.000000e+00 : f32
    %add3A_695 = vector.broadcast %add3A_694 : f32 to vector<16xf32>
    %add3A_696 = arith.addf %add3A_693, %add3A_695 : vector<16xf32>
    %bitcast_convert_type3A_697 = tpu.bitcast %add3A_696 : vector<16xf32> -> vector<16xi32>
    %shift_right_arithmetic3A_698 = arith.constant 1 : i32
    %shift_right_arithmetic3A_699 = vector.broadcast %shift_right_arithmetic3A_698 : i32 to vector<16xi32>
    %shift_right_arithmetic3A_700 = arith.shrsi %bitcast_convert_type3A_697, %shift_right_arithmetic3A_699 : vector<16xi32>
    %sub3A_701 = arith.constant 1597463007 : i32
    %sub3A_702 = vector.broadcast %sub3A_701 : i32 to vector<16xi32>
    %sub3A_703 = arith.subi %sub3A_702, %shift_right_arithmetic3A_700 : vector<16xi32>
    %bitcast_convert_type3A_704 = tpu.bitcast %sub3A_703 : vector<16xi32> -> vector<16xf32>
    %mul3A_705 = arith.constant 5.000000e-01 : f32
    %mul3A_706 = vector.broadcast %mul3A_705 : f32 to vector<16xf32>
    %mul3A_707 = arith.mulf %mul3A_706, %add3A_696 : vector<16xf32>
    %mul3A_708 = arith.mulf %mul3A_707, %bitcast_convert_type3A_704 : vector<16xf32>
    %mul3A_709 = arith.mulf %mul3A_708, %bitcast_convert_type3A_704 : vector<16xf32>
    %sub3A_710 = arith.constant 1.500000e+00 : f32
    %sub3A_711 = vector.broadcast %sub3A_710 : f32 to vector<16xf32>
    %sub3A_712 = arith.subf %sub3A_711, %mul3A_709 : vector<16xf32>
    %mul3A_713 = arith.mulf %bitcast_convert_type3A_704, %sub3A_712 : vector<16xf32>
    %mul3A_714 = arith.constant 5.000000e-01 : f32
    %mul3A_715 = vector.broadcast %mul3A_714 : f32 to vector<16xf32>
    %mul3A_716 = arith.mulf %mul3A_715, %add3A_696 : vector<16xf32>
    %mul3A_717 = arith.mulf %mul3A_716, %mul3A_713 : vector<16xf32>
    %mul3A_718 = arith.mulf %mul3A_717, %mul3A_713 : vector<16xf32>
    %sub3A_719 = arith.constant 1.500000e+00 : f32
    %sub3A_720 = vector.broadcast %sub3A_719 : f32 to vector<16xf32>
    %sub3A_721 = arith.subf %sub3A_720, %mul3A_718 : vector<16xf32>
    %mul3A_722 = arith.mulf %mul3A_713, %sub3A_721 : vector<16xf32>
    %mul3A_723 = arith.constant 5.000000e-01 : f32
    %mul3A_724 = vector.broadcast %mul3A_723 : f32 to vector<16xf32>
    %mul3A_725 = arith.mulf %mul3A_724, %add3A_696 : vector<16xf32>
    %mul3A_726 = arith.mulf %mul3A_725, %mul3A_722 : vector<16xf32>
    %mul3A_727 = arith.mulf %mul3A_726, %mul3A_722 : vector<16xf32>
    %sub3A_728 = arith.constant 1.500000e+00 : f32
    %sub3A_729 = vector.broadcast %sub3A_728 : f32 to vector<16xf32>
    %sub3A_730 = arith.subf %sub3A_729, %mul3A_727 : vector<16xf32>
    %mul3A_731 = arith.mulf %mul3A_722, %sub3A_730 : vector<16xf32>
    %swap3A_732 = arith.constant 224 : index
    %swap3A_733 = tpu.vector_load %arg4[%swap3A_732] {strides = array<i32>} : memref<384xf32, #tpu.memory_space<vmem>>, vector<16xf32>,
    %swap3A_734 = vector.shape_cast %swap3A_733 : vector<16xf32> to vector<16xf32>
    %swap3A_735 = vector.shape_cast %mul3A_731 : vector<16xf32> to vector<16xf32>
    tpu.vector_store %arg4[%swap3A_732], %swap3A_735 {strides = array<i32>} : memref<384xf32, #tpu.memory_space<vmem>>, vector<16xf32>,
    %get3A_736 = arith.constant 240 : index
    %get3A_737 = tpu.vector_load %arg4[%get3A_736] {strides = array<i32>} : memref<384xf32, #tpu.memory_space<vmem>>, vector<16xf32>,
    %get3A_738 = vector.shape_cast %get3A_737 : vector<16xf32> to vector<16xf32>
    %get3A_739 = arith.constant 240 : index
    %get3A_740 = tpu.vector_load %arg5[%get3A_739] {strides = array<i32>} : memref<384xf32, #tpu.memory_space<vmem>>, vector<16xf32>,
    %get3A_741 = vector.shape_cast %get3A_740 : vector<16xf32> to vector<16xf32>
    %add3A_742 = arith.addf %get3A_738, %get3A_741 : vector<16xf32>
    %add3A_743 = arith.constant 1.000000e+00 : f32
    %add3A_744 = vector.broadcast %add3A_743 : f32 to vector<16xf32>
    %add3A_745 = arith.addf %add3A_742, %add3A_744 : vector<16xf32>
    %bitcast_convert_type3A_746 = tpu.bitcast %add3A_745 : vector<16xf32> -> vector<16xi32>
    %shift_right_arithmetic3A_747 = arith.constant 1 : i32
    %shift_right_arithmetic3A_748 = vector.broadcast %shift_right_arithmetic3A_747 : i32 to vector<16xi32>
    %shift_right_arithmetic3A_749 = arith.shrsi %bitcast_convert_type3A_746, %shift_right_arithmetic3A_748 : vector<16xi32>
    %sub3A_750 = arith.constant 1597463007 : i32
    %sub3A_751 = vector.broadcast %sub3A_750 : i32 to vector<16xi32>
    %sub3A_752 = arith.subi %sub3A_751, %shift_right_arithmetic3A_749 : vector<16xi32>
    %bitcast_convert_type3A_753 = tpu.bitcast %sub3A_752 : vector<16xi32> -> vector<16xf32>
    %mul3A_754 = arith.constant 5.000000e-01 : f32
    %mul3A_755 = vector.broadcast %mul3A_754 : f32 to vector<16xf32>
    %mul3A_756 = arith.mulf %mul3A_755, %add3A_745 : vector<16xf32>
    %mul3A_757 = arith.mulf %mul3A_756, %bitcast_convert_type3A_753 : vector<16xf32>
    %mul3A_758 = arith.mulf %mul3A_757, %bitcast_convert_type3A_753 : vector<16xf32>
    %sub3A_759 = arith.constant 1.500000e+00 : f32
    %sub3A_760 = vector.broadcast %sub3A_759 : f32 to vector<16xf32>
    %sub3A_761 = arith.subf %sub3A_760, %mul3A_758 : vector<16xf32>
    %mul3A_762 = arith.mulf %bitcast_convert_type3A_753, %sub3A_761 : vector<16xf32>
    %mul3A_763 = arith.constant 5.000000e-01 : f32
    %mul3A_764 = vector.broadcast %mul3A_763 : f32 to vector<16xf32>
    %mul3A_765 = arith.mulf %mul3A_764, %add3A_745 : vector<16xf32>
    %mul3A_766 = arith.mulf %mul3A_765, %mul3A_762 : vector<16xf32>
    %mul3A_767 = arith.mulf %mul3A_766, %mul3A_762 : vector<16xf32>
    %sub3A_768 = arith.constant 1.500000e+00 : f32
    %sub3A_769 = vector.broadcast %sub3A_768 : f32 to vector<16xf32>
    %sub3A_770 = arith.subf %sub3A_769, %mul3A_767 : vector<16xf32>
    %mul3A_771 = arith.mulf %mul3A_762, %sub3A_770 : vector<16xf32>
    %mul3A_772 = arith.constant 5.000000e-01 : f32
    %mul3A_773 = vector.broadcast %mul3A_772 : f32 to vector<16xf32>
    %mul3A_774 = arith.mulf %mul3A_773, %add3A_745 : vector<16xf32>
    %mul3A_775 = arith.mulf %mul3A_774, %mul3A_771 : vector<16xf32>
    %mul3A_776 = arith.mulf %mul3A_775, %mul3A_771 : vector<16xf32>
    %sub3A_777 = arith.constant 1.500000e+00 : f32
    %sub3A_778 = vector.broadcast %sub3A_777 : f32 to vector<16xf32>
    %sub3A_779 = arith.subf %sub3A_778, %mul3A_776 : vector<16xf32>
    %mul3A_780 = arith.mulf %mul3A_771, %sub3A_779 : vector<16xf32>
    %swap3A_781 = arith.constant 240 : index
    %swap3A_782 = tpu.vector_load %arg4[%swap3A_781] {strides = array<i32>} : memref<384xf32, #tpu.memory_space<vmem>>, vector<16xf32>,
    %swap3A_783 = vector.shape_cast %swap3A_782 : vector<16xf32> to vector<16xf32>
    %swap3A_784 = vector.shape_cast %mul3A_780 : vector<16xf32> to vector<16xf32>
    tpu.vector_store %arg4[%swap3A_781], %swap3A_784 {strides = array<i32>} : memref<384xf32, #tpu.memory_space<vmem>>, vector<16xf32>,
    %get3A_785 = arith.constant 256 : index
    %get3A_786 = tpu.vector_load %arg4[%get3A_785] {strides = array<i32>} : memref<384xf32, #tpu.memory_space<vmem>>, vector<16xf32>,
    %get3A_787 = vector.shape_cast %get3A_786 : vector<16xf32> to vector<16xf32>
    %get3A_788 = arith.constant 256 : index
    %get3A_789 = tpu.vector_load %arg5[%get3A_788] {strides = array<i32>} : memref<384xf32, #tpu.memory_space<vmem>>, vector<16xf32>,
    %get3A_790 = vector.shape_cast %get3A_789 : vector<16xf32> to vector<16xf32>
    %add3A_791 = arith.addf %get3A_787, %get3A_790 : vector<16xf32>
    %add3A_792 = arith.constant 1.000000e+00 : f32
    %add3A_793 = vector.broadcast %add3A_792 : f32 to vector<16xf32>
    %add3A_794 = arith.addf %add3A_791, %add3A_793 : vector<16xf32>
    %bitcast_convert_type3A_795 = tpu.bitcast %add3A_794 : vector<16xf32> -> vector<16xi32>
    %shift_right_arithmetic3A_796 = arith.constant 1 : i32
    %shift_right_arithmetic3A_797 = vector.broadcast %shift_right_arithmetic3A_796 : i32 to vector<16xi32>
    %shift_right_arithmetic3A_798 = arith.shrsi %bitcast_convert_type3A_795, %shift_right_arithmetic3A_797 : vector<16xi32>
    %sub3A_799 = arith.constant 1597463007 : i32
    %sub3A_800 = vector.broadcast %sub3A_799 : i32 to vector<16xi32>
    %sub3A_801 = arith.subi %sub3A_800, %shift_right_arithmetic3A_798 : vector<16xi32>
    %bitcast_convert_type3A_802 = tpu.bitcast %sub3A_801 : vector<16xi32> -> vector<16xf32>
    %mul3A_803 = arith.constant 5.000000e-01 : f32
    %mul3A_804 = vector.broadcast %mul3A_803 : f32 to vector<16xf32>
    %mul3A_805 = arith.mulf %mul3A_804, %add3A_794 : vector<16xf32>
    %mul3A_806 = arith.mulf %mul3A_805, %bitcast_convert_type3A_802 : vector<16xf32>
    %mul3A_807 = arith.mulf %mul3A_806, %bitcast_convert_type3A_802 : vector<16xf32>
    %sub3A_808 = arith.constant 1.500000e+00 : f32
    %sub3A_809 = vector.broadcast %sub3A_808 : f32 to vector<16xf32>
    %sub3A_810 = arith.subf %sub3A_809, %mul3A_807 : vector<16xf32>
    %mul3A_811 = arith.mulf %bitcast_convert_type3A_802, %sub3A_810 : vector<16xf32>
    %mul3A_812 = arith.constant 5.000000e-01 : f32
    %mul3A_813 = vector.broadcast %mul3A_812 : f32 to vector<16xf32>
    %mul3A_814 = arith.mulf %mul3A_813, %add3A_794 : vector<16xf32>
    %mul3A_815 = arith.mulf %mul3A_814, %mul3A_811 : vector<16xf32>
    %mul3A_816 = arith.mulf %mul3A_815, %mul3A_811 : vector<16xf32>
    %sub3A_817 = arith.constant 1.500000e+00 : f32
    %sub3A_818 = vector.broadcast %sub3A_817 : f32 to vector<16xf32>
    %sub3A_819 = arith.subf %sub3A_818, %mul3A_816 : vector<16xf32>
    %mul3A_820 = arith.mulf %mul3A_811, %sub3A_819 : vector<16xf32>
    %mul3A_821 = arith.constant 5.000000e-01 : f32
    %mul3A_822 = vector.broadcast %mul3A_821 : f32 to vector<16xf32>
    %mul3A_823 = arith.mulf %mul3A_822, %add3A_794 : vector<16xf32>
    %mul3A_824 = arith.mulf %mul3A_823, %mul3A_820 : vector<16xf32>
    %mul3A_825 = arith.mulf %mul3A_824, %mul3A_820 : vector<16xf32>
    %sub3A_826 = arith.constant 1.500000e+00 : f32
    %sub3A_827 = vector.broadcast %sub3A_826 : f32 to vector<16xf32>
    %sub3A_828 = arith.subf %sub3A_827, %mul3A_825 : vector<16xf32>
    %mul3A_829 = arith.mulf %mul3A_820, %sub3A_828 : vector<16xf32>
    %swap3A_830 = arith.constant 256 : index
    %swap3A_831 = tpu.vector_load %arg4[%swap3A_830] {strides = array<i32>} : memref<384xf32, #tpu.memory_space<vmem>>, vector<16xf32>,
    %swap3A_832 = vector.shape_cast %swap3A_831 : vector<16xf32> to vector<16xf32>
    %swap3A_833 = vector.shape_cast %mul3A_829 : vector<16xf32> to vector<16xf32>
    tpu.vector_store %arg4[%swap3A_830], %swap3A_833 {strides = array<i32>} : memref<384xf32, #tpu.memory_space<vmem>>, vector<16xf32>,
    %get3A_834 = arith.constant 272 : index
    %get3A_835 = tpu.vector_load %arg4[%get3A_834] {strides = array<i32>} : memref<384xf32, #tpu.memory_space<vmem>>, vector<16xf32>,
    %get3A_836 = vector.shape_cast %get3A_835 : vector<16xf32> to vector<16xf32>
    %get3A_837 = arith.constant 272 : index
    %get3A_838 = tpu.vector_load %arg5[%get3A_837] {strides = array<i32>} : memref<384xf32, #tpu.memory_space<vmem>>, vector<16xf32>,
    %get3A_839 = vector.shape_cast %get3A_838 : vector<16xf32> to vector<16xf32>
    %add3A_840 = arith.addf %get3A_836, %get3A_839 : vector<16xf32>
    %add3A_841 = arith.constant 1.000000e+00 : f32
    %add3A_842 = vector.broadcast %add3A_841 : f32 to vector<16xf32>
    %add3A_843 = arith.addf %add3A_840, %add3A_842 : vector<16xf32>
    %bitcast_convert_type3A_844 = tpu.bitcast %add3A_843 : vector<16xf32> -> vector<16xi32>
    %shift_right_arithmetic3A_845 = arith.constant 1 : i32
    %shift_right_arithmetic3A_846 = vector.broadcast %shift_right_arithmetic3A_845 : i32 to vector<16xi32>
    %shift_right_arithmetic3A_847 = arith.shrsi %bitcast_convert_type3A_844, %shift_right_arithmetic3A_846 : vector<16xi32>
    %sub3A_848 = arith.constant 1597463007 : i32
    %sub3A_849 = vector.broadcast %sub3A_848 : i32 to vector<16xi32>
    %sub3A_850 = arith.subi %sub3A_849, %shift_right_arithmetic3A_847 : vector<16xi32>
    %bitcast_convert_type3A_851 = tpu.bitcast %sub3A_850 : vector<16xi32> -> vector<16xf32>
    %mul3A_852 = arith.constant 5.000000e-01 : f32
    %mul3A_853 = vector.broadcast %mul3A_852 : f32 to vector<16xf32>
    %mul3A_854 = arith.mulf %mul3A_853, %add3A_843 : vector<16xf32>
    %mul3A_855 = arith.mulf %mul3A_854, %bitcast_convert_type3A_851 : vector<16xf32>
    %mul3A_856 = arith.mulf %mul3A_855, %bitcast_convert_type3A_851 : vector<16xf32>
    %sub3A_857 = arith.constant 1.500000e+00 : f32
    %sub3A_858 = vector.broadcast %sub3A_857 : f32 to vector<16xf32>
    %sub3A_859 = arith.subf %sub3A_858, %mul3A_856 : vector<16xf32>
    %mul3A_860 = arith.mulf %bitcast_convert_type3A_851, %sub3A_859 : vector<16xf32>
    %mul3A_861 = arith.constant 5.000000e-01 : f32
    %mul3A_862 = vector.broadcast %mul3A_861 : f32 to vector<16xf32>
    %mul3A_863 = arith.mulf %mul3A_862, %add3A_843 : vector<16xf32>
    %mul3A_864 = arith.mulf %mul3A_863, %mul3A_860 : vector<16xf32>
    %mul3A_865 = arith.mulf %mul3A_864, %mul3A_860 : vector<16xf32>
    %sub3A_866 = arith.constant 1.500000e+00 : f32
    %sub3A_867 = vector.broadcast %sub3A_866 : f32 to vector<16xf32>
    %sub3A_868 = arith.subf %sub3A_867, %mul3A_865 : vector<16xf32>
    %mul3A_869 = arith.mulf %mul3A_860, %sub3A_868 : vector<16xf32>
    %mul3A_870 = arith.constant 5.000000e-01 : f32
    %mul3A_871 = vector.broadcast %mul3A_870 : f32 to vector<16xf32>
    %mul3A_872 = arith.mulf %mul3A_871, %add3A_843 : vector<16xf32>
    %mul3A_873 = arith.mulf %mul3A_872, %mul3A_869 : vector<16xf32>
    %mul3A_874 = arith.mulf %mul3A_873, %mul3A_869 : vector<16xf32>
    %sub3A_875 = arith.constant 1.500000e+00 : f32
    %sub3A_876 = vector.broadcast %sub3A_875 : f32 to vector<16xf32>
    %sub3A_877 = arith.subf %sub3A_876, %mul3A_874 : vector<16xf32>
    %mul3A_878 = arith.mulf %mul3A_869, %sub3A_877 : vector<16xf32>
    %swap3A_879 = arith.constant 272 : index
    %swap3A_880 = tpu.vector_load %arg4[%swap3A_879] {strides = array<i32>} : memref<384xf32, #tpu.memory_space<vmem>>, vector<16xf32>,
    %swap3A_881 = vector.shape_cast %swap3A_880 : vector<16xf32> to vector<16xf32>
    %swap3A_882 = vector.shape_cast %mul3A_878 : vector<16xf32> to vector<16xf32>
    tpu.vector_store %arg4[%swap3A_879], %swap3A_882 {strides = array<i32>} : memref<384xf32, #tpu.memory_space<vmem>>, vector<16xf32>,
    %get3A_883 = arith.constant 288 : index
    %get3A_884 = tpu.vector_load %arg4[%get3A_883] {strides = array<i32>} : memref<384xf32, #tpu.memory_space<vmem>>, vector<16xf32>,
    %get3A_885 = vector.shape_cast %get3A_884 : vector<16xf32> to vector<16xf32>
    %get3A_886 = arith.constant 288 : index
    %get3A_887 = tpu.vector_load %arg5[%get3A_886] {strides = array<i32>} : memref<384xf32, #tpu.memory_space<vmem>>, vector<16xf32>,
    %get3A_888 = vector.shape_cast %get3A_887 : vector<16xf32> to vector<16xf32>
    %add3A_889 = arith.addf %get3A_885, %get3A_888 : vector<16xf32>
    %add3A_890 = arith.constant 1.000000e+00 : f32
    %add3A_891 = vector.broadcast %add3A_890 : f32 to vector<16xf32>
    %add3A_892 = arith.addf %add3A_889, %add3A_891 : vector<16xf32>
    %bitcast_convert_type3A_893 = tpu.bitcast %add3A_892 : vector<16xf32> -> vector<16xi32>
    %shift_right_arithmetic3A_894 = arith.constant 1 : i32
    %shift_right_arithmetic3A_895 = vector.broadcast %shift_right_arithmetic3A_894 : i32 to vector<16xi32>
    %shift_right_arithmetic3A_896 = arith.shrsi %bitcast_convert_type3A_893, %shift_right_arithmetic3A_895 : vector<16xi32>
    %sub3A_897 = arith.constant 1597463007 : i32
    %sub3A_898 = vector.broadcast %sub3A_897 : i32 to vector<16xi32>
    %sub3A_899 = arith.subi %sub3A_898, %shift_right_arithmetic3A_896 : vector<16xi32>
    %bitcast_convert_type3A_900 = tpu.bitcast %sub3A_899 : vector<16xi32> -> vector<16xf32>
    %mul3A_901 = arith.constant 5.000000e-01 : f32
    %mul3A_902 = vector.broadcast %mul3A_901 : f32 to vector<16xf32>
    %mul3A_903 = arith.mulf %mul3A_902, %add3A_892 : vector<16xf32>
    %mul3A_904 = arith.mulf %mul3A_903, %bitcast_convert_type3A_900 : vector<16xf32>
    %mul3A_905 = arith.mulf %mul3A_904, %bitcast_convert_type3A_900 : vector<16xf32>
    %sub3A_906 = arith.constant 1.500000e+00 : f32
    %sub3A_907 = vector.broadcast %sub3A_906 : f32 to vector<16xf32>
    %sub3A_908 = arith.subf %sub3A_907, %mul3A_905 : vector<16xf32>
    %mul3A_909 = arith.mulf %bitcast_convert_type3A_900, %sub3A_908 : vector<16xf32>
    %mul3A_910 = arith.constant 5.000000e-01 : f32
    %mul3A_911 = vector.broadcast %mul3A_910 : f32 to vector<16xf32>
    %mul3A_912 = arith.mulf %mul3A_911, %add3A_892 : vector<16xf32>
    %mul3A_913 = arith.mulf %mul3A_912, %mul3A_909 : vector<16xf32>
    %mul3A_914 = arith.mulf %mul3A_913, %mul3A_909 : vector<16xf32>
    %sub3A_915 = arith.constant 1.500000e+00 : f32
    %sub3A_916 = vector.broadcast %sub3A_915 : f32 to vector<16xf32>
    %sub3A_917 = arith.subf %sub3A_916, %mul3A_914 : vector<16xf32>
    %mul3A_918 = arith.mulf %mul3A_909, %sub3A_917 : vector<16xf32>
    %mul3A_919 = arith.constant 5.000000e-01 : f32
    %mul3A_920 = vector.broadcast %mul3A_919 : f32 to vector<16xf32>
    %mul3A_921 = arith.mulf %mul3A_920, %add3A_892 : vector<16xf32>
    %mul3A_922 = arith.mulf %mul3A_921, %mul3A_918 : vector<16xf32>
    %mul3A_923 = arith.mulf %mul3A_922, %mul3A_918 : vector<16xf32>
    %sub3A_924 = arith.constant 1.500000e+00 : f32
    %sub3A_925 = vector.broadcast %sub3A_924 : f32 to vector<16xf32>
    %sub3A_926 = arith.subf %sub3A_925, %mul3A_923 : vector<16xf32>
    %mul3A_927 = arith.mulf %mul3A_918, %sub3A_926 : vector<16xf32>
    %swap3A_928 = arith.constant 288 : index
    %swap3A_929 = tpu.vector_load %arg4[%swap3A_928] {strides = array<i32>} : memref<384xf32, #tpu.memory_space<vmem>>, vector<16xf32>,
    %swap3A_930 = vector.shape_cast %swap3A_929 : vector<16xf32> to vector<16xf32>
    %swap3A_931 = vector.shape_cast %mul3A_927 : vector<16xf32> to vector<16xf32>
    tpu.vector_store %arg4[%swap3A_928], %swap3A_931 {strides = array<i32>} : memref<384xf32, #tpu.memory_space<vmem>>, vector<16xf32>,
    %get3A_932 = arith.constant 304 : index
    %get3A_933 = tpu.vector_load %arg4[%get3A_932] {strides = array<i32>} : memref<384xf32, #tpu.memory_space<vmem>>, vector<16xf32>,
    %get3A_934 = vector.shape_cast %get3A_933 : vector<16xf32> to vector<16xf32>
    %get3A_935 = arith.constant 304 : index
    %get3A_936 = tpu.vector_load %arg5[%get3A_935] {strides = array<i32>} : memref<384xf32, #tpu.memory_space<vmem>>, vector<16xf32>,
    %get3A_937 = vector.shape_cast %get3A_936 : vector<16xf32> to vector<16xf32>
    %add3A_938 = arith.addf %get3A_934, %get3A_937 : vector<16xf32>
    %add3A_939 = arith.constant 1.000000e+00 : f32
    %add3A_940 = vector.broadcast %add3A_939 : f32 to vector<16xf32>
    %add3A_941 = arith.addf %add3A_938, %add3A_940 : vector<16xf32>
    %bitcast_convert_type3A_942 = tpu.bitcast %add3A_941 : vector<16xf32> -> vector<16xi32>
    %shift_right_arithmetic3A_943 = arith.constant 1 : i32
    %shift_right_arithmetic3A_944 = vector.broadcast %shift_right_arithmetic3A_943 : i32 to vector<16xi32>
    %shift_right_arithmetic3A_945 = arith.shrsi %bitcast_convert_type3A_942, %shift_right_arithmetic3A_944 : vector<16xi32>
    %sub3A_946 = arith.constant 1597463007 : i32
    %sub3A_947 = vector.broadcast %sub3A_946 : i32 to vector<16xi32>
    %sub3A_948 = arith.subi %sub3A_947, %shift_right_arithmetic3A_945 : vector<16xi32>
    %bitcast_convert_type3A_949 = tpu.bitcast %sub3A_948 : vector<16xi32> -> vector<16xf32>
    %mul3A_950 = arith.constant 5.000000e-01 : f32
    %mul3A_951 = vector.broadcast %mul3A_950 : f32 to vector<16xf32>
    %mul3A_952 = arith.mulf %mul3A_951, %add3A_941 : vector<16xf32>
    %mul3A_953 = arith.mulf %mul3A_952, %bitcast_convert_type3A_949 : vector<16xf32>
    %mul3A_954 = arith.mulf %mul3A_953, %bitcast_convert_type3A_949 : vector<16xf32>
    %sub3A_955 = arith.constant 1.500000e+00 : f32
    %sub3A_956 = vector.broadcast %sub3A_955 : f32 to vector<16xf32>
    %sub3A_957 = arith.subf %sub3A_956, %mul3A_954 : vector<16xf32>
    %mul3A_958 = arith.mulf %bitcast_convert_type3A_949, %sub3A_957 : vector<16xf32>
    %mul3A_959 = arith.constant 5.000000e-01 : f32
    %mul3A_960 = vector.broadcast %mul3A_959 : f32 to vector<16xf32>
    %mul3A_961 = arith.mulf %mul3A_960, %add3A_941 : vector<16xf32>
    %mul3A_962 = arith.mulf %mul3A_961, %mul3A_958 : vector<16xf32>
    %mul3A_963 = arith.mulf %mul3A_962, %mul3A_958 : vector<16xf32>
    %sub3A_964 = arith.constant 1.500000e+00 : f32
    %sub3A_965 = vector.broadcast %sub3A_964 : f32 to vector<16xf32>
    %sub3A_966 = arith.subf %sub3A_965, %mul3A_963 : vector<16xf32>
    %mul3A_967 = arith.mulf %mul3A_958, %sub3A_966 : vector<16xf32>
    %mul3A_968 = arith.constant 5.000000e-01 : f32
    %mul3A_969 = vector.broadcast %mul3A_968 : f32 to vector<16xf32>
    %mul3A_970 = arith.mulf %mul3A_969, %add3A_941 : vector<16xf32>
    %mul3A_971 = arith.mulf %mul3A_970, %mul3A_967 : vector<16xf32>
    %mul3A_972 = arith.mulf %mul3A_971, %mul3A_967 : vector<16xf32>
    %sub3A_973 = arith.constant 1.500000e+00 : f32
    %sub3A_974 = vector.broadcast %sub3A_973 : f32 to vector<16xf32>
    %sub3A_975 = arith.subf %sub3A_974, %mul3A_972 : vector<16xf32>
    %mul3A_976 = arith.mulf %mul3A_967, %sub3A_975 : vector<16xf32>
    %swap3A_977 = arith.constant 304 : index
    %swap3A_978 = tpu.vector_load %arg4[%swap3A_977] {strides = array<i32>} : memref<384xf32, #tpu.memory_space<vmem>>, vector<16xf32>,
    %swap3A_979 = vector.shape_cast %swap3A_978 : vector<16xf32> to vector<16xf32>
    %swap3A_980 = vector.shape_cast %mul3A_976 : vector<16xf32> to vector<16xf32>
    tpu.vector_store %arg4[%swap3A_977], %swap3A_980 {strides = array<i32>} : memref<384xf32, #tpu.memory_space<vmem>>, vector<16xf32>,
    %get3A_981 = arith.constant 320 : index
    %get3A_982 = tpu.vector_load %arg4[%get3A_981] {strides = array<i32>} : memref<384xf32, #tpu.memory_space<vmem>>, vector<16xf32>,
    %get3A_983 = vector.shape_cast %get3A_982 : vector<16xf32> to vector<16xf32>
    %get3A_984 = arith.constant 320 : index
    %get3A_985 = tpu.vector_load %arg5[%get3A_984] {strides = array<i32>} : memref<384xf32, #tpu.memory_space<vmem>>, vector<16xf32>,
    %get3A_986 = vector.shape_cast %get3A_985 : vector<16xf32> to vector<16xf32>
    %add3A_987 = arith.addf %get3A_983, %get3A_986 : vector<16xf32>
    %add3A_988 = arith.constant 1.000000e+00 : f32
    %add3A_989 = vector.broadcast %add3A_988 : f32 to vector<16xf32>
    %add3A_990 = arith.addf %add3A_987, %add3A_989 : vector<16xf32>
    %bitcast_convert_type3A_991 = tpu.bitcast %add3A_990 : vector<16xf32> -> vector<16xi32>
    %shift_right_arithmetic3A_992 = arith.constant 1 : i32
    %shift_right_arithmetic3A_993 = vector.broadcast %shift_right_arithmetic3A_992 : i32 to vector<16xi32>
    %shift_right_arithmetic3A_994 = arith.shrsi %bitcast_convert_type3A_991, %shift_right_arithmetic3A_993 : vector<16xi32>
    %sub3A_995 = arith.constant 1597463007 : i32
    %sub3A_996 = vector.broadcast %sub3A_995 : i32 to vector<16xi32>
    %sub3A_997 = arith.subi %sub3A_996, %shift_right_arithmetic3A_994 : vector<16xi32>
    %bitcast_convert_type3A_998 = tpu.bitcast %sub3A_997 : vector<16xi32> -> vector<16xf32>
    %mul3A_999 = arith.constant 5.000000e-01 : f32
    %mul3A_1000 = vector.broadcast %mul3A_999 : f32 to vector<16xf32>
    %mul3A_1001 = arith.mulf %mul3A_1000, %add3A_990 : vector<16xf32>
    %mul3A_1002 = arith.mulf %mul3A_1001, %bitcast_convert_type3A_998 : vector<16xf32>
    %mul3A_1003 = arith.mulf %mul3A_1002, %bitcast_convert_type3A_998 : vector<16xf32>
    %sub3A_1004 = arith.constant 1.500000e+00 : f32
    %sub3A_1005 = vector.broadcast %sub3A_1004 : f32 to vector<16xf32>
    %sub3A_1006 = arith.subf %sub3A_1005, %mul3A_1003 : vector<16xf32>
    %mul3A_1007 = arith.mulf %bitcast_convert_type3A_998, %sub3A_1006 : vector<16xf32>
    %mul3A_1008 = arith.constant 5.000000e-01 : f32
    %mul3A_1009 = vector.broadcast %mul3A_1008 : f32 to vector<16xf32>
    %mul3A_1010 = arith.mulf %mul3A_1009, %add3A_990 : vector<16xf32>
    %mul3A_1011 = arith.mulf %mul3A_1010, %mul3A_1007 : vector<16xf32>
    %mul3A_1012 = arith.mulf %mul3A_1011, %mul3A_1007 : vector<16xf32>
    %sub3A_1013 = arith.constant 1.500000e+00 : f32
    %sub3A_1014 = vector.broadcast %sub3A_1013 : f32 to vector<16xf32>
    %sub3A_1015 = arith.subf %sub3A_1014, %mul3A_1012 : vector<16xf32>
    %mul3A_1016 = arith.mulf %mul3A_1007, %sub3A_1015 : vector<16xf32>
    %mul3A_1017 = arith.constant 5.000000e-01 : f32
    %mul3A_1018 = vector.broadcast %mul3A_1017 : f32 to vector<16xf32>
    %mul3A_1019 = arith.mulf %mul3A_1018, %add3A_990 : vector<16xf32>
    %mul3A_1020 = arith.mulf %mul3A_1019, %mul3A_1016 : vector<16xf32>
    %mul3A_1021 = arith.mulf %mul3A_1020, %mul3A_1016 : vector<16xf32>
    %sub3A_1022 = arith.constant 1.500000e+00 : f32
    %sub3A_1023 = vector.broadcast %sub3A_1022 : f32 to vector<16xf32>
    %sub3A_1024 = arith.subf %sub3A_1023, %mul3A_1021 : vector<16xf32>
    %mul3A_1025 = arith.mulf %mul3A_1016, %sub3A_1024 : vector<16xf32>
    %swap3A_1026 = arith.constant 320 : index
    %swap3A_1027 = tpu.vector_load %arg4[%swap3A_1026] {strides = array<i32>} : memref<384xf32, #tpu.memory_space<vmem>>, vector<16xf32>,
    %swap3A_1028 = vector.shape_cast %swap3A_1027 : vector<16xf32> to vector<16xf32>
    %swap3A_1029 = vector.shape_cast %mul3A_1025 : vector<16xf32> to vector<16xf32>
    tpu.vector_store %arg4[%swap3A_1026], %swap3A_1029 {strides = array<i32>} : memref<384xf32, #tpu.memory_space<vmem>>, vector<16xf32>,
    %get3A_1030 = arith.constant 336 : index
    %get3A_1031 = tpu.vector_load %arg4[%get3A_1030] {strides = array<i32>} : memref<384xf32, #tpu.memory_space<vmem>>, vector<16xf32>,
    %get3A_1032 = vector.shape_cast %get3A_1031 : vector<16xf32> to vector<16xf32>
    %get3A_1033 = arith.constant 336 : index
    %get3A_1034 = tpu.vector_load %arg5[%get3A_1033] {strides = array<i32>} : memref<384xf32, #tpu.memory_space<vmem>>, vector<16xf32>,
    %get3A_1035 = vector.shape_cast %get3A_1034 : vector<16xf32> to vector<16xf32>
    %add3A_1036 = arith.addf %get3A_1032, %get3A_1035 : vector<16xf32>
    %add3A_1037 = arith.constant 1.000000e+00 : f32
    %add3A_1038 = vector.broadcast %add3A_1037 : f32 to vector<16xf32>
    %add3A_1039 = arith.addf %add3A_1036, %add3A_1038 : vector<16xf32>
    %bitcast_convert_type3A_1040 = tpu.bitcast %add3A_1039 : vector<16xf32> -> vector<16xi32>
    %shift_right_arithmetic3A_1041 = arith.constant 1 : i32
    %shift_right_arithmetic3A_1042 = vector.broadcast %shift_right_arithmetic3A_1041 : i32 to vector<16xi32>
    %shift_right_arithmetic3A_1043 = arith.shrsi %bitcast_convert_type3A_1040, %shift_right_arithmetic3A_1042 : vector<16xi32>
    %sub3A_1044 = arith.constant 1597463007 : i32
    %sub3A_1045 = vector.broadcast %sub3A_1044 : i32 to vector<16xi32>
    %sub3A_1046 = arith.subi %sub3A_1045, %shift_right_arithmetic3A_1043 : vector<16xi32>
    %bitcast_convert_type3A_1047 = tpu.bitcast %sub3A_1046 : vector<16xi32> -> vector<16xf32>
    %mul3A_1048 = arith.constant 5.000000e-01 : f32
    %mul3A_1049 = vector.broadcast %mul3A_1048 : f32 to vector<16xf32>
    %mul3A_1050 = arith.mulf %mul3A_1049, %add3A_1039 : vector<16xf32>
    %mul3A_1051 = arith.mulf %mul3A_1050, %bitcast_convert_type3A_1047 : vector<16xf32>
    %mul3A_1052 = arith.mulf %mul3A_1051, %bitcast_convert_type3A_1047 : vector<16xf32>
    %sub3A_1053 = arith.constant 1.500000e+00 : f32
    %sub3A_1054 = vector.broadcast %sub3A_1053 : f32 to vector<16xf32>
    %sub3A_1055 = arith.subf %sub3A_1054, %mul3A_1052 : vector<16xf32>
    %mul3A_1056 = arith.mulf %bitcast_convert_type3A_1047, %sub3A_1055 : vector<16xf32>
    %mul3A_1057 = arith.constant 5.000000e-01 : f32
    %mul3A_1058 = vector.broadcast %mul3A_1057 : f32 to vector<16xf32>
    %mul3A_1059 = arith.mulf %mul3A_1058, %add3A_1039 : vector<16xf32>
    %mul3A_1060 = arith.mulf %mul3A_1059, %mul3A_1056 : vector<16xf32>
    %mul3A_1061 = arith.mulf %mul3A_1060, %mul3A_1056 : vector<16xf32>
    %sub3A_1062 = arith.constant 1.500000e+00 : f32
    %sub3A_1063 = vector.broadcast %sub3A_1062 : f32 to vector<16xf32>
    %sub3A_1064 = arith.subf %sub3A_1063, %mul3A_1061 : vector<16xf32>
    %mul3A_1065 = arith.mulf %mul3A_1056, %sub3A_1064 : vector<16xf32>
    %mul3A_1066 = arith.constant 5.000000e-01 : f32
    %mul3A_1067 = vector.broadcast %mul3A_1066 : f32 to vector<16xf32>
    %mul3A_1068 = arith.mulf %mul3A_1067, %add3A_1039 : vector<16xf32>
    %mul3A_1069 = arith.mulf %mul3A_1068, %mul3A_1065 : vector<16xf32>
    %mul3A_1070 = arith.mulf %mul3A_1069, %mul3A_1065 : vector<16xf32>
    %sub3A_1071 = arith.constant 1.500000e+00 : f32
    %sub3A_1072 = vector.broadcast %sub3A_1071 : f32 to vector<16xf32>
    %sub3A_1073 = arith.subf %sub3A_1072, %mul3A_1070 : vector<16xf32>
    %mul3A_1074 = arith.mulf %mul3A_1065, %sub3A_1073 : vector<16xf32>
    %swap3A_1075 = arith.constant 336 : index
    %swap3A_1076 = tpu.vector_load %arg4[%swap3A_1075] {strides = array<i32>} : memref<384xf32, #tpu.memory_space<vmem>>, vector<16xf32>,
    %swap3A_1077 = vector.shape_cast %swap3A_1076 : vector<16xf32> to vector<16xf32>
    %swap3A_1078 = vector.shape_cast %mul3A_1074 : vector<16xf32> to vector<16xf32>
    tpu.vector_store %arg4[%swap3A_1075], %swap3A_1078 {strides = array<i32>} : memref<384xf32, #tpu.memory_space<vmem>>, vector<16xf32>,
    %get3A_1079 = arith.constant 352 : index
    %get3A_1080 = tpu.vector_load %arg4[%get3A_1079] {strides = array<i32>} : memref<384xf32, #tpu.memory_space<vmem>>, vector<16xf32>,
    %get3A_1081 = vector.shape_cast %get3A_1080 : vector<16xf32> to vector<16xf32>
    %get3A_1082 = arith.constant 352 : index
    %get3A_1083 = tpu.vector_load %arg5[%get3A_1082] {strides = array<i32>} : memref<384xf32, #tpu.memory_space<vmem>>, vector<16xf32>,
    %get3A_1084 = vector.shape_cast %get3A_1083 : vector<16xf32> to vector<16xf32>
    %add3A_1085 = arith.addf %get3A_1081, %get3A_1084 : vector<16xf32>
    %add3A_1086 = arith.constant 1.000000e+00 : f32
    %add3A_1087 = vector.broadcast %add3A_1086 : f32 to vector<16xf32>
    %add3A_1088 = arith.addf %add3A_1085, %add3A_1087 : vector<16xf32>
    %bitcast_convert_type3A_1089 = tpu.bitcast %add3A_1088 : vector<16xf32> -> vector<16xi32>
    %shift_right_arithmetic3A_1090 = arith.constant 1 : i32
    %shift_right_arithmetic3A_1091 = vector.broadcast %shift_right_arithmetic3A_1090 : i32 to vector<16xi32>
    %shift_right_arithmetic3A_1092 = arith.shrsi %bitcast_convert_type3A_1089, %shift_right_arithmetic3A_1091 : vector<16xi32>
    %sub3A_1093 = arith.constant 1597463007 : i32
    %sub3A_1094 = vector.broadcast %sub3A_1093 : i32 to vector<16xi32>
    %sub3A_1095 = arith.subi %sub3A_1094, %shift_right_arithmetic3A_1092 : vector<16xi32>
    %bitcast_convert_type3A_1096 = tpu.bitcast %sub3A_1095 : vector<16xi32> -> vector<16xf32>
    %mul3A_1097 = arith.constant 5.000000e-01 : f32
    %mul3A_1098 = vector.broadcast %mul3A_1097 : f32 to vector<16xf32>
    %mul3A_1099 = arith.mulf %mul3A_1098, %add3A_1088 : vector<16xf32>
    %mul3A_1100 = arith.mulf %mul3A_1099, %bitcast_convert_type3A_1096 : vector<16xf32>
    %mul3A_1101 = arith.mulf %mul3A_1100, %bitcast_convert_type3A_1096 : vector<16xf32>
    %sub3A_1102 = arith.constant 1.500000e+00 : f32
    %sub3A_1103 = vector.broadcast %sub3A_1102 : f32 to vector<16xf32>
    %sub3A_1104 = arith.subf %sub3A_1103, %mul3A_1101 : vector<16xf32>
    %mul3A_1105 = arith.mulf %bitcast_convert_type3A_1096, %sub3A_1104 : vector<16xf32>
    %mul3A_1106 = arith.constant 5.000000e-01 : f32
    %mul3A_1107 = vector.broadcast %mul3A_1106 : f32 to vector<16xf32>
    %mul3A_1108 = arith.mulf %mul3A_1107, %add3A_1088 : vector<16xf32>
    %mul3A_1109 = arith.mulf %mul3A_1108, %mul3A_1105 : vector<16xf32>
    %mul3A_1110 = arith.mulf %mul3A_1109, %mul3A_1105 : vector<16xf32>
    %sub3A_1111 = arith.constant 1.500000e+00 : f32
    %sub3A_1112 = vector.broadcast %sub3A_1111 : f32 to vector<16xf32>
    %sub3A_1113 = arith.subf %sub3A_1112, %mul3A_1110 : vector<16xf32>
    %mul3A_1114 = arith.mulf %mul3A_1105, %sub3A_1113 : vector<16xf32>
    %mul3A_1115 = arith.constant 5.000000e-01 : f32
    %mul3A_1116 = vector.broadcast %mul3A_1115 : f32 to vector<16xf32>
    %mul3A_1117 = arith.mulf %mul3A_1116, %add3A_1088 : vector<16xf32>
    %mul3A_1118 = arith.mulf %mul3A_1117, %mul3A_1114 : vector<16xf32>
    %mul3A_1119 = arith.mulf %mul3A_1118, %mul3A_1114 : vector<16xf32>
    %sub3A_1120 = arith.constant 1.500000e+00 : f32
    %sub3A_1121 = vector.broadcast %sub3A_1120 : f32 to vector<16xf32>
    %sub3A_1122 = arith.subf %sub3A_1121, %mul3A_1119 : vector<16xf32>
    %mul3A_1123 = arith.mulf %mul3A_1114, %sub3A_1122 : vector<16xf32>
    %swap3A_1124 = arith.constant 352 : index
    %swap3A_1125 = tpu.vector_load %arg4[%swap3A_1124] {strides = array<i32>} : memref<384xf32, #tpu.memory_space<vmem>>, vector<16xf32>,
    %swap3A_1126 = vector.shape_cast %swap3A_1125 : vector<16xf32> to vector<16xf32>
    %swap3A_1127 = vector.shape_cast %mul3A_1123 : vector<16xf32> to vector<16xf32>
    tpu.vector_store %arg4[%swap3A_1124], %swap3A_1127 {strides = array<i32>} : memref<384xf32, #tpu.memory_space<vmem>>, vector<16xf32>,
    %get3A_1128 = arith.constant 368 : index
    %get3A_1129 = tpu.vector_load %arg4[%get3A_1128] {strides = array<i32>} : memref<384xf32, #tpu.memory_space<vmem>>, vector<16xf32>,
    %get3A_1130 = vector.shape_cast %get3A_1129 : vector<16xf32> to vector<16xf32>
    %get3A_1131 = arith.constant 368 : index
    %get3A_1132 = tpu.vector_load %arg5[%get3A_1131] {strides = array<i32>} : memref<384xf32, #tpu.memory_space<vmem>>, vector<16xf32>,
    %get3A_1133 = vector.shape_cast %get3A_1132 : vector<16xf32> to vector<16xf32>
    %add3A_1134 = arith.addf %get3A_1130, %get3A_1133 : vector<16xf32>
    %add3A_1135 = arith.constant 1.000000e+00 : f32
    %add3A_1136 = vector.broadcast %add3A_1135 : f32 to vector<16xf32>
    %add3A_1137 = arith.addf %add3A_1134, %add3A_1136 : vector<16xf32>
    %bitcast_convert_type3A_1138 = tpu.bitcast %add3A_1137 : vector<16xf32> -> vector<16xi32>
    %shift_right_arithmetic3A_1139 = arith.constant 1 : i32
    %shift_right_arithmetic3A_1140 = vector.broadcast %shift_right_arithmetic3A_1139 : i32 to vector<16xi32>
    %shift_right_arithmetic3A_1141 = arith.shrsi %bitcast_convert_type3A_1138, %shift_right_arithmetic3A_1140 : vector<16xi32>
    %sub3A_1142 = arith.constant 1597463007 : i32
    %sub3A_1143 = vector.broadcast %sub3A_1142 : i32 to vector<16xi32>
    %sub3A_1144 = arith.subi %sub3A_1143, %shift_right_arithmetic3A_1141 : vector<16xi32>
    %bitcast_convert_type3A_1145 = tpu.bitcast %sub3A_1144 : vector<16xi32> -> vector<16xf32>
    %mul3A_1146 = arith.constant 5.000000e-01 : f32
    %mul3A_1147 = vector.broadcast %mul3A_1146 : f32 to vector<16xf32>
    %mul3A_1148 = arith.mulf %mul3A_1147, %add3A_1137 : vector<16xf32>
    %mul3A_1149 = arith.mulf %mul3A_1148, %bitcast_convert_type3A_1145 : vector<16xf32>
    %mul3A_1150 = arith.mulf %mul3A_1149, %bitcast_convert_type3A_1145 : vector<16xf32>
    %sub3A_1151 = arith.constant 1.500000e+00 : f32
    %sub3A_1152 = vector.broadcast %sub3A_1151 : f32 to vector<16xf32>
    %sub3A_1153 = arith.subf %sub3A_1152, %mul3A_1150 : vector<16xf32>
    %mul3A_1154 = arith.mulf %bitcast_convert_type3A_1145, %sub3A_1153 : vector<16xf32>
    %mul3A_1155 = arith.constant 5.000000e-01 : f32
    %mul3A_1156 = vector.broadcast %mul3A_1155 : f32 to vector<16xf32>
    %mul3A_1157 = arith.mulf %mul3A_1156, %add3A_1137 : vector<16xf32>
    %mul3A_1158 = arith.mulf %mul3A_1157, %mul3A_1154 : vector<16xf32>
    %mul3A_1159 = arith.mulf %mul3A_1158, %mul3A_1154 : vector<16xf32>
    %sub3A_1160 = arith.constant 1.500000e+00 : f32
    %sub3A_1161 = vector.broadcast %sub3A_1160 : f32 to vector<16xf32>
    %sub3A_1162 = arith.subf %sub3A_1161, %mul3A_1159 : vector<16xf32>
    %mul3A_1163 = arith.mulf %mul3A_1154, %sub3A_1162 : vector<16xf32>
    %mul3A_1164 = arith.constant 5.000000e-01 : f32
    %mul3A_1165 = vector.broadcast %mul3A_1164 : f32 to vector<16xf32>
    %mul3A_1166 = arith.mulf %mul3A_1165, %add3A_1137 : vector<16xf32>
    %mul3A_1167 = arith.mulf %mul3A_1166, %mul3A_1163 : vector<16xf32>
    %mul3A_1168 = arith.mulf %mul3A_1167, %mul3A_1163 : vector<16xf32>
    %sub3A_1169 = arith.constant 1.500000e+00 : f32
    %sub3A_1170 = vector.broadcast %sub3A_1169 : f32 to vector<16xf32>
    %sub3A_1171 = arith.subf %sub3A_1170, %mul3A_1168 : vector<16xf32>
    %mul3A_1172 = arith.mulf %mul3A_1163, %sub3A_1171 : vector<16xf32>
    %swap3A_1173 = arith.constant 368 : index
    %swap3A_1174 = tpu.vector_load %arg4[%swap3A_1173] {strides = array<i32>} : memref<384xf32, #tpu.memory_space<vmem>>, vector<16xf32>,
    %swap3A_1175 = vector.shape_cast %swap3A_1174 : vector<16xf32> to vector<16xf32>
    %swap3A_1176 = vector.shape_cast %mul3A_1172 : vector<16xf32> to vector<16xf32>
    tpu.vector_store %arg4[%swap3A_1173], %swap3A_1176 {strides = array<i32>} : memref<384xf32, #tpu.memory_space<vmem>>, vector<16xf32>,
    %mul3A_1177 = arith.constant 384 : i32
    %mul3A_1178 = arith.muli %add3A, %mul3A_1177 : i32
    "tpu.region"() ({
      %run_scoped3A_1179 = tpu.sem_alloc : memref<!tpu.dma_semaphore, #tpu.memory_space<semaphore_mem>>
      %dma_start3A = tpu.memref_slice %arg3[%mul3A_1178] : memref<12288xf32, #tpu.memory_space<hbm>> -> memref<384xf32, #tpu.memory_space<hbm>>
      %dma_start3A_1180 = tpu.memref_slice %arg3[%mul3A_1178] : memref<12288xf32, #tpu.memory_space<hbm>> -> memref<384xf32, #tpu.memory_space<hbm>>
      tpu.enqueue_dma source(%arg4 : memref<384xf32, #tpu.memory_space<vmem>>) target(%dma_start3A_1180 : memref<384xf32, #tpu.memory_space<hbm>>) target_semaphore(%run_scoped3A_1179 : memref<!tpu.dma_semaphore, #tpu.memory_space<semaphore_mem>>)
      %dma_wait3A = tpu.memref_slice %arg3[%mul3A_1178] : memref<12288xf32, #tpu.memory_space<hbm>> -> memref<384xf32, #tpu.memory_space<hbm>>
      %dma_wait3A_1181 = tpu.memref_slice %arg3[%mul3A_1178] : memref<12288xf32, #tpu.memory_space<hbm>> -> memref<384xf32, #tpu.memory_space<hbm>>
      tpu.wait_dma2 semaphore(%run_scoped3A_1179 : memref<!tpu.dma_semaphore, #tpu.memory_space<semaphore_mem>>) src(%arg4 : memref<384xf32, #tpu.memory_space<vmem>>) dst(%dma_wait3A_1181 : memref<384xf32, #tpu.memory_space<hbm>>)
      tpu.yield
    }) : () -> ()
    return
  }
}

module attributes {stable_mosaic.version = 14 : i64} {
  func.func @_comb_body(%arg0: i32, %arg1: memref<2x1000x128xf32, #tpu.memory_space<vmem>>, %arg2: memref<1000x128xf32, #tpu.memory_space<vmem>>, %arg3: memref<1000x1xf32, #tpu.memory_space<vmem>>, %arg4: memref<1x128xf32, #tpu.memory_space<vmem>>, %arg5: memref<128x128xf32, #tpu.memory_space<vmem>>, %arg6: memref<1000x128xf32, #tpu.memory_space<vmem>>) attributes {dimension_semantics = [#tpu.dimension_semantics<arbitrary>], iteration_bounds = array<i64: 10>, scalar_prefetch = 0 : i64, scratch_operands = 0 : i64, tpu.core_type = #tpu.core_type<tc>, window_params = [{transform_indices = @transform_0, window_bounds = array<i64: 2, 1000, 128>}, {transform_indices = @transform_1, window_bounds = array<i64: 1000, 128>}, {transform_indices = @transform_2, window_bounds = array<i64: 1000, 1>}, {pipeline_mode = #tpu.pipeline_mode<synchronous>, transform_indices = @transform_3, window_bounds = array<i64: 1, 128>}, {pipeline_mode = #tpu.pipeline_mode<synchronous>, transform_indices = @transform_4, window_bounds = array<i64: 128, 128>}, {transform_indices = @transform_5, window_bounds = array<i64: 1000, 128>}]} {
    %get3A = arith.constant 0 : index
    %get3A_0 = arith.constant 0 : index
    %get3A_1 = arith.constant 0 : index
    %get3A_2 = vector.load %arg1[%get3A, %get3A_0, %get3A_1] : memref<2x1000x128xf32, #tpu.memory_space<vmem>>, vector<1x1000x128xf32>
    %get3A_3 = vector.shape_cast %get3A_2 : vector<1x1000x128xf32> to vector<1000x128xf32>
    %get3A_4 = arith.constant 1 : index
    %get3A_5 = arith.constant 0 : index
    %get3A_6 = arith.constant 0 : index
    %get3A_7 = vector.load %arg1[%get3A_4, %get3A_5, %get3A_6] : memref<2x1000x128xf32, #tpu.memory_space<vmem>>, vector<1x1000x128xf32>
    %get3A_8 = vector.shape_cast %get3A_7 : vector<1x1000x128xf32> to vector<1000x128xf32>
    %add3A = arith.addf %get3A_3, %get3A_8 : vector<1000x128xf32>
    %get3A_9 = arith.constant 0 : index
    %get3A_10 = arith.constant 0 : index
    %get3A_11 = vector.load %arg2[%get3A_9, %get3A_10] : memref<1000x128xf32, #tpu.memory_space<vmem>>, vector<1000x128xf32>
    %add3A_12 = arith.addf %add3A, %get3A_11 : vector<1000x128xf32>
    %get3A_13 = arith.constant 0 : index
    %get3A_14 = arith.constant 0 : index
    %get3A_15 = vector.load %arg3[%get3A_13, %get3A_14] : memref<1000x1xf32, #tpu.memory_space<vmem>>, vector<1000x1xf32>
    %mul3A = vector.broadcast %get3A_15 : vector<1000x1xf32> to vector<1000x128xf32>
    %mul3A_16 = arith.mulf %mul3A, %add3A_12 : vector<1000x128xf32>
    %get3A_17 = arith.constant 0 : index
    %get3A_18 = arith.constant 0 : index
    %get3A_19 = vector.load %arg4[%get3A_17, %get3A_18] : memref<1x128xf32, #tpu.memory_space<vmem>>, vector<1x128xf32>
    %add3A_20 = vector.broadcast %get3A_19 : vector<1x128xf32> to vector<1000x128xf32>
    %add3A_21 = arith.addf %mul3A_16, %add3A_20 : vector<1000x128xf32>
    %max3A = arith.constant 0.000000e+00 : f32
    %max3A_22 = vector.broadcast %max3A : f32 to vector<1000x128xf32>
    %max3A_23 = arith.maximumf %add3A_21, %max3A_22 : vector<1000x128xf32>
    %get3A_24 = arith.constant 0 : index
    %get3A_25 = arith.constant 0 : index
    %get3A_26 = vector.load %arg3[%get3A_24, %get3A_25] : memref<1000x1xf32, #tpu.memory_space<vmem>>, vector<1000x1xf32>
    %get3A_27 = arith.constant 0 : index
    %get3A_28 = arith.constant 0 : index
    %get3A_29 = vector.load %arg5[%get3A_27, %get3A_28] : memref<128x128xf32, #tpu.memory_space<vmem>>, vector<128x128xf32>
    %dot_general3A = arith.constant dense<0.000000e+00> : vector<1000x128xf32>
    %dot_general3A_30 = tpu.matmul %max3A_23, %get3A_29, %dot_general3A {dimension_numbers = #tpu.dot_dimension_numbers<[1], [0], [0], [1], [0, 0, 1, 1], [], []>, precision = #tpu.contract_precision<fp32>, transpose_lhs_hint = false} : vector<1000x128xf32>, vector<128x128xf32>, vector<1000x128xf32> -> vector<1000x128xf32>
    %mul3A_31 = vector.broadcast %get3A_26 : vector<1000x1xf32> to vector<1000x128xf32>
    %mul3A_32 = arith.mulf %mul3A_31, %dot_general3A_30 : vector<1000x128xf32>
    %swap3A = arith.constant 0 : index
    %swap3A_33 = arith.constant 0 : index
    %swap3A_34 = vector.load %arg6[%swap3A, %swap3A_33] : memref<1000x128xf32, #tpu.memory_space<vmem>>, vector<1000x128xf32>
    tpu.vector_store %arg6[%swap3A, %swap3A_33], %mul3A_32 {strides = array<i32>} : memref<1000x128xf32, #tpu.memory_space<vmem>>, vector<1000x128xf32>,
    return
  }
  func.func @transform_0(%arg0: i32) -> (i32, i32, i32) {
    %c0_i32 = arith.constant 0 : i32
    %c0_i32_0 = arith.constant 0 : i32
    %c0_i32_1 = arith.constant 0 : i32
    return %c0_i32, %arg0, %c0_i32_0 : i32, i32, i32
  }
  func.func @transform_1(%arg0: i32) -> (i32, i32) {
    %c0_i32 = arith.constant 0 : i32
    %c0_i32_0 = arith.constant 0 : i32
    return %arg0, %c0_i32 : i32, i32
  }
  func.func @transform_2(%arg0: i32) -> (i32, i32) {
    %c0_i32 = arith.constant 0 : i32
    %c0_i32_0 = arith.constant 0 : i32
    return %arg0, %c0_i32 : i32, i32
  }
  func.func @transform_3(%arg0: i32) -> (i32, i32) {
    %c0_i32 = arith.constant 0 : i32
    %c0_i32_0 = arith.constant 0 : i32
    %c0_i32_1 = arith.constant 0 : i32
    return %c0_i32, %c0_i32_0 : i32, i32
  }
  func.func @transform_4(%arg0: i32) -> (i32, i32) {
    %c0_i32 = arith.constant 0 : i32
    %c0_i32_0 = arith.constant 0 : i32
    %c0_i32_1 = arith.constant 0 : i32
    return %c0_i32, %c0_i32_0 : i32, i32
  }
  func.func @transform_5(%arg0: i32) -> (i32, i32) {
    %c0_i32 = arith.constant 0 : i32
    %c0_i32_0 = arith.constant 0 : i32
    return %arg0, %c0_i32 : i32, i32
  }
}

module attributes {stable_mosaic.version = 14 : i64} {
  func.func @_g_body(%arg0: i32, %arg1: memref<1000x128xf32, #tpu.memory_space<vmem>>, %arg2: memref<128x128xf32, #tpu.memory_space<vmem>>, %arg3: memref<1000x1xf32, #tpu.memory_space<vmem>>, %arg4: memref<1000x128xf32, #tpu.memory_space<vmem>>) attributes {dimension_semantics = [#tpu.dimension_semantics<arbitrary>], iteration_bounds = array<i64: 10>, scalar_prefetch = 0 : i64, scratch_operands = 0 : i64, tpu.core_type = #tpu.core_type<tc>, window_params = [{transform_indices = @transform_0, window_bounds = array<i64: 1000, 128>}, {pipeline_mode = #tpu.pipeline_mode<synchronous>, transform_indices = @transform_1, window_bounds = array<i64: 128, 128>}, {transform_indices = @transform_2, window_bounds = array<i64: 1000, 1>}, {transform_indices = @transform_3, window_bounds = array<i64: 1000, 128>}]} {
    %get3A = arith.constant 0 : index
    %get3A_0 = arith.constant 0 : index
    %get3A_1 = vector.load %arg3[%get3A, %get3A_0] : memref<1000x1xf32, #tpu.memory_space<vmem>>, vector<1000x1xf32>
    %get3A_2 = arith.constant 0 : index
    %get3A_3 = arith.constant 0 : index
    %get3A_4 = vector.load %arg1[%get3A_2, %get3A_3] : memref<1000x128xf32, #tpu.memory_space<vmem>>, vector<1000x128xf32>
    %get3A_5 = arith.constant 0 : index
    %get3A_6 = arith.constant 0 : index
    %get3A_7 = vector.load %arg2[%get3A_5, %get3A_6] : memref<128x128xf32, #tpu.memory_space<vmem>>, vector<128x128xf32>
    %dot_general3A = arith.constant dense<0.000000e+00> : vector<1000x128xf32>
    %dot_general3A_8 = tpu.matmul %get3A_4, %get3A_7, %dot_general3A {dimension_numbers = #tpu.dot_dimension_numbers<[1], [0], [0], [1], [0, 0, 1, 1], [], []>, precision = #tpu.contract_precision<fp32>, transpose_lhs_hint = false} : vector<1000x128xf32>, vector<128x128xf32>, vector<1000x128xf32> -> vector<1000x128xf32>
    %mul3A = vector.broadcast %get3A_1 : vector<1000x1xf32> to vector<1000x128xf32>
    %mul3A_9 = arith.mulf %mul3A, %dot_general3A_8 : vector<1000x128xf32>
    %swap3A = arith.constant 0 : index
    %swap3A_10 = arith.constant 0 : index
    %swap3A_11 = vector.load %arg4[%swap3A, %swap3A_10] : memref<1000x128xf32, #tpu.memory_space<vmem>>, vector<1000x128xf32>
    tpu.vector_store %arg4[%swap3A, %swap3A_10], %mul3A_9 {strides = array<i32>} : memref<1000x128xf32, #tpu.memory_space<vmem>>, vector<1000x128xf32>,
    return
  }
  func.func @transform_0(%arg0: i32) -> (i32, i32) {
    %c0_i32 = arith.constant 0 : i32
    %c0_i32_0 = arith.constant 0 : i32
    return %arg0, %c0_i32 : i32, i32
  }
  func.func @transform_1(%arg0: i32) -> (i32, i32) {
    %c0_i32 = arith.constant 0 : i32
    %c0_i32_0 = arith.constant 0 : i32
    %c0_i32_1 = arith.constant 0 : i32
    return %c0_i32, %c0_i32_0 : i32, i32
  }
  func.func @transform_2(%arg0: i32) -> (i32, i32) {
    %c0_i32 = arith.constant 0 : i32
    %c0_i32_0 = arith.constant 0 : i32
    return %arg0, %c0_i32 : i32, i32
  }
  func.func @transform_3(%arg0: i32) -> (i32, i32) {
    %c0_i32 = arith.constant 0 : i32
    %c0_i32_0 = arith.constant 0 : i32
    return %arg0, %c0_i32 : i32, i32
  }
}

module attributes {stable_mosaic.version = 14 : i64} {
  func.func @_fin_body(%arg0: i32, %arg1: memref<2x1000x128xf32, #tpu.memory_space<vmem>>, %arg2: memref<1000x128xf32, #tpu.memory_space<vmem>>, %arg3: memref<1000x1xf32, #tpu.memory_space<vmem>>, %arg4: memref<1x128xf32, #tpu.memory_space<vmem>>, %arg5: memref<1000x128xf32, #tpu.memory_space<vmem>>) attributes {dimension_semantics = [#tpu.dimension_semantics<arbitrary>], iteration_bounds = array<i64: 10>, scalar_prefetch = 0 : i64, scratch_operands = 0 : i64, tpu.core_type = #tpu.core_type<tc>, window_params = [{transform_indices = @transform_0, window_bounds = array<i64: 2, 1000, 128>}, {transform_indices = @transform_1, window_bounds = array<i64: 1000, 128>}, {transform_indices = @transform_2, window_bounds = array<i64: 1000, 1>}, {pipeline_mode = #tpu.pipeline_mode<synchronous>, transform_indices = @transform_3, window_bounds = array<i64: 1, 128>}, {transform_indices = @transform_4, window_bounds = array<i64: 1000, 128>}]} {
    %get3A = arith.constant 0 : index
    %get3A_0 = arith.constant 0 : index
    %get3A_1 = arith.constant 0 : index
    %get3A_2 = vector.load %arg1[%get3A, %get3A_0, %get3A_1] : memref<2x1000x128xf32, #tpu.memory_space<vmem>>, vector<1x1000x128xf32>
    %get3A_3 = vector.shape_cast %get3A_2 : vector<1x1000x128xf32> to vector<1000x128xf32>
    %get3A_4 = arith.constant 1 : index
    %get3A_5 = arith.constant 0 : index
    %get3A_6 = arith.constant 0 : index
    %get3A_7 = vector.load %arg1[%get3A_4, %get3A_5, %get3A_6] : memref<2x1000x128xf32, #tpu.memory_space<vmem>>, vector<1x1000x128xf32>
    %get3A_8 = vector.shape_cast %get3A_7 : vector<1x1000x128xf32> to vector<1000x128xf32>
    %add3A = arith.addf %get3A_3, %get3A_8 : vector<1000x128xf32>
    %get3A_9 = arith.constant 0 : index
    %get3A_10 = arith.constant 0 : index
    %get3A_11 = vector.load %arg2[%get3A_9, %get3A_10] : memref<1000x128xf32, #tpu.memory_space<vmem>>, vector<1000x128xf32>
    %add3A_12 = arith.addf %add3A, %get3A_11 : vector<1000x128xf32>
    %get3A_13 = arith.constant 0 : index
    %get3A_14 = arith.constant 0 : index
    %get3A_15 = vector.load %arg3[%get3A_13, %get3A_14] : memref<1000x1xf32, #tpu.memory_space<vmem>>, vector<1000x1xf32>
    %mul3A = vector.broadcast %get3A_15 : vector<1000x1xf32> to vector<1000x128xf32>
    %mul3A_16 = arith.mulf %mul3A, %add3A_12 : vector<1000x128xf32>
    %get3A_17 = arith.constant 0 : index
    %get3A_18 = arith.constant 0 : index
    %get3A_19 = vector.load %arg4[%get3A_17, %get3A_18] : memref<1x128xf32, #tpu.memory_space<vmem>>, vector<1x128xf32>
    %add3A_20 = vector.broadcast %get3A_19 : vector<1x128xf32> to vector<1000x128xf32>
    %add3A_21 = arith.addf %mul3A_16, %add3A_20 : vector<1000x128xf32>
    %max3A = arith.constant 0.000000e+00 : f32
    %max3A_22 = vector.broadcast %max3A : f32 to vector<1000x128xf32>
    %max3A_23 = arith.maximumf %add3A_21, %max3A_22 : vector<1000x128xf32>
    %swap3A = arith.constant 0 : index
    %swap3A_24 = arith.constant 0 : index
    %swap3A_25 = vector.load %arg5[%swap3A, %swap3A_24] : memref<1000x128xf32, #tpu.memory_space<vmem>>, vector<1000x128xf32>
    tpu.vector_store %arg5[%swap3A, %swap3A_24], %max3A_23 {strides = array<i32>} : memref<1000x128xf32, #tpu.memory_space<vmem>>, vector<1000x128xf32>,
    return
  }
  func.func @transform_0(%arg0: i32) -> (i32, i32, i32) {
    %c0_i32 = arith.constant 0 : i32
    %c0_i32_0 = arith.constant 0 : i32
    %c0_i32_1 = arith.constant 0 : i32
    return %c0_i32, %arg0, %c0_i32_0 : i32, i32, i32
  }
  func.func @transform_1(%arg0: i32) -> (i32, i32) {
    %c0_i32 = arith.constant 0 : i32
    %c0_i32_0 = arith.constant 0 : i32
    return %arg0, %c0_i32 : i32, i32
  }
  func.func @transform_2(%arg0: i32) -> (i32, i32) {
    %c0_i32 = arith.constant 0 : i32
    %c0_i32_0 = arith.constant 0 : i32
    return %arg0, %c0_i32 : i32, i32
  }
  func.func @transform_3(%arg0: i32) -> (i32, i32) {
    %c0_i32 = arith.constant 0 : i32
    %c0_i32_0 = arith.constant 0 : i32
    %c0_i32_1 = arith.constant 0 : i32
    return %c0_i32, %c0_i32_0 : i32, i32
  }
  func.func @transform_4(%arg0: i32) -> (i32, i32) {
    %c0_i32 = arith.constant 0 : i32
    %c0_i32_0 = arith.constant 0 : i32
    return %arg0, %c0_i32 : i32, i32
  }
}

</mosaic_0001>

<sc_bundles>
// kernel: kernel.12.cloned.1.call-start
scs
__scs_entry_jumppad:
0x0: {  	(pc) =	sbr.rel $0x88, $3  }
0x1: {  	(tag) =	ssettag $0x0;
	lr =	simm.s32 $0x1  }
0x2: {  	[smem:$0x3F9B] =	sst lr;
	_ =	strace $0xD0000000  }
0x3: {  	_ = 	snop  }
0x4: {  	_ = 	snop  }
0x5: {  	_ = 	snop  }
0x6: {  	_ = 	snop  }
0x7: {  	_ = 	snop  }
__scs_overlays_trampoline_lowered:
0x8: {  	[smem:$0x3FAA] =	sst s0  }
0x9: {  	[smem:$0x3FAB] =	sst s1  }
0xa: {  	[smem:$0x3FAC] =	sst s2  }
0xb: {  	[smem:$0x3FAD] =	sst s3  }
0xc: {  	[smem:$0x3FAE] =	sst s4  }
0xd: {  	[smem:$0x3FAF] =	sst s5  }
0xe: {  	[smem:$0x3FB0] =	sst s6  }
0xf: {  	[smem:$0x3FB1] =	sst s7  }
0x10: {  	[smem:$0x3FB2] =	sst s8  }
0x11: {  	[smem:$0x3FB3] =	sst s9;
	s0 =	simm.s32 @!p0 $0x0  }
0x12: {  	s1 =	sld [smem:$0x3F99];
	s0 =	simm.s32 @p0 $0x1  }
0x13: {  	[smem:$0x3FB4] =	sst s0;
	s0 =	simm.s32 @!p1 $0x0  }
0x14: {  	s2 =	sld [smem:$0x3F98];
	s0 =	simm.s32 @p1 $0x1  }
0x15: {  	[smem:$0x3FB5] =	sst s0;
	s0 =	simm.s32 @!p2 $0x0  }
0x16: {  	s3 =	sld [smem:$0x3FDB];
	s0 =	simm.s32 @p2 $0x1  }
0x17: {  	s4 =	simm.s32 $0x1BF5;
	[smem:$0x3FB7] =	sst s0  }
0x18: {  	s0 =	sld [smem:$0x3F9A];
	_ =	swait.ge [sflag:s4], $0x0  }
0x19: {  	s7 =	sld [smem:$0x3F9B]  }
0x1a: {  	s8 =	sadd.s32 $0xFFFFE003, lr  }
0x1b: {  	s9 =	sadd.s32 $0xFFFFFEF7, lr;
	s5 =	simm.s32 $0xFFFFFFFF;
	p2 =	slt.u32 s8, $0xFFFFF086  }
0x1c: {  	p1 =	slt.u32 s9, $0xF7A;
	s5 =	simm.s32 @!p2 $0x0  }
0x1d: {  	s5 =	simm.s32 @p1 $0x1;
	p0 =	seq.s32 s7, s2  }
0x1e: {  	s7 =	smul.u32 @!p0 $0xF7A, s2;
	p2 =	seq.s32 @!p0 s5, $0x0  }
0x1f: {  	s9 =	smul.u32 $0xF7A, s1;
	s8 =	simm.s32 @!p0 $0x1BF5;
	p2 =	por !p2, p0  }
0x20: {  	[sflag:s8] =	ssyncset.s32 @!p0 $0xFFFFF086;
	s6 =	sadd.s32 @!p0 s3, s7;
	s7 =	simm.s32 @!p0 $0x108  }
0x21: {  	s3 =	sadd.s32 s3, s9;
	s6 =	sadd.s32 @!p0 $0x88, s6;
	s7 =	simm.s32 @p2 $0x1082  }
0x22: {  	[simem:s7], [sflag:s8] =	dma.local @!p0 [hbm:s6], $0xF7A  }
0x23: {  	s9 =	sor.u32 $0xD0000000, s2;
	s6 =	simm.s32 $0x108;
	_ =	swait.ge @!p0 [sflag:s8], $0x0  }
0x24: {  	s3 =	sadd.s32 $0x88, s3;
	s6 =	simm.s32 @!p1 $0x1082;
	[sflag:s4] =	ssyncset.s32 $0xFFFFF086  }
0x25: {  	[simem:s6], [sflag:s4] =	dma.local [hbm:s3], $0xF7A  }
0x26: {  	[smem:$0x3F9B] =	sst s1;
	(tag) =	ssettag s2;
	_ =	strace s9  }
0x27: {  	s1 =	sld [smem:$0x3FAB]  }
0x28: {  	s2 =	sld [smem:$0x3FAC]  }
0x29: {  	s4 =	sld [smem:$0x3FAE]  }
0x2a: {  	p0 =	seq.s32 s5, $0x0;
	s5 =	sld [smem:$0x3FAF]  }
0x2b: {  	s6 =	sld [smem:$0x3FB0]  }
0x2c: {  	s7 =	sld [smem:$0x3FB1]  }
0x2d: {  	s3 =	simm.s32 $0x108;
	s8 =	sld [smem:$0x3FB2]  }
0x2e: {  	s3 =	simm.s32 @!p0 $0x1082;
	s9 =	sld [smem:$0x3FB3]  }
0x2f: {  	lr =	sadd.s32 s0, s3;
	s0 =	sld [smem:$0x3FAA]  }
0x30: {  	s3 =	sld [smem:$0x3FAD]  }
0x31: {  	[smem:$0x3FB6] =	sst s10  }
0x32: {  	s10 =	sld [smem:$0x3FB4];
	_ =	sdelay $0x3  }
0x33: {  	p0 =	seq.s32 s10, $0x1;
	s10 =	sld [smem:$0x3FB6];
	_ =	sdelay $0x3  }
0x34: {  	[smem:$0x3FB6] =	sst s10  }
0x35: {  	s10 =	sld [smem:$0x3FB5];
	_ =	sdelay $0x3  }
0x36: {  	p1 =	seq.s32 s10, $0x1;
	s10 =	sld [smem:$0x3FB6];
	_ =	sdelay $0x3  }
0x37: {  	[smem:$0x3FB6] =	sst s10  }
0x38: {  	s10 =	sld [smem:$0x3FB7]  }
0x39: {  	_ = 	snop;
	(pc) =	sbr.ind lr, $3  }
0x3a: {  	_ = 	snop  }
0x3b: {  	_ = 	snop  }
0x3c: {  	p2 =	seq.s32 s10, $0x1;
	s10 =	sld [smem:$0x3FB6]  }
0x3d: {  	_ =	shalt  }
0x3e: {  	_ =	shalt  }
0x3f: {  	_ =	shalt  }
0x40: {  	_ =	shalt  }
0x41: {  	_ =	shalt  }
0x42: {  	_ =	shalt  }
0x43: {  	_ =	shalt  }
0x44: {  	_ =	shalt  }
0x45: {  	_ =	shalt  }
0x46: {  	_ =	shalt  }
0x47: {  	_ =	shalt  }
0x48: {  	_ =	shalt  }
0x49: {  	_ =	shalt  }
0x4a: {  	_ =	shalt  }
0x4b: {  	_ =	shalt  }
0x4c: {  	_ =	shalt  }
0x4d: {  	_ =	shalt  }
0x4e: {  	_ =	shalt  }
0x4f: {  	_ =	shalt  }
0x50: {  	_ =	shalt  }
0x51: {  	_ =	shalt  }
0x52: {  	_ =	shalt  }
0x53: {  	_ =	shalt  }
0x54: {  	_ =	shalt  }
0x55: {  	_ =	shalt  }
0x56: {  	_ =	shalt  }
0x57: {  	_ =	shalt  }
0x58: {  	_ =	shalt  }
0x59: {  	_ =	shalt  }
0x5a: {  	_ =	shalt  }
0x5b: {  	_ =	shalt  }
0x5c: {  	_ =	shalt  }
0x5d: {  	_ =	shalt  }
0x5e: {  	_ =	shalt  }
0x5f: {  	_ =	shalt  }
0x60: {  	_ =	shalt  }
0x61: {  	_ =	shalt  }
0x62: {  	_ =	shalt  }
0x63: {  	_ =	shalt  }
0x64: {  	_ =	shalt  }
0x65: {  	_ =	shalt  }
0x66: {  	_ =	shalt  }
0x67: {  	_ =	shalt  }
0x68: {  	_ =	shalt  }
0x69: {  	_ =	shalt  }
0x6a: {  	_ =	shalt  }
0x6b: {  	_ =	shalt  }
0x6c: {  	_ =	shalt  }
0x6d: {  	_ =	shalt  }
0x6e: {  	_ =	shalt  }
0x6f: {  	_ =	shalt  }
0x70: {  	_ =	shalt  }
0x71: {  	_ =	shalt  }
0x72: {  	_ =	shalt  }
0x73: {  	_ =	shalt  }
0x74: {  	_ =	shalt  }
0x75: {  	_ =	shalt  }
0x76: {  	_ =	shalt  }
0x77: {  	_ =	shalt  }
0x78: {  	_ =	shalt  }
0x79: {  	_ =	shalt  }
0x7a: {  	_ =	shalt  }
0x7b: {  	_ =	shalt  }
0x7c: {  	_ =	shalt  }
0x7d: {  	_ =	shalt  }
0x7e: {  	_ =	shalt  }
0x7f: {  	_ =	shalt  }
0x80: {  	_ =	shalt  }
0x81: {  	_ =	shalt  }
0x82: {  	_ =	shalt  }
0x83: {  	_ =	shalt  }
0x84: {  	_ =	shalt  }
0x85: {  	_ =	shalt  }
0x86: {  	_ =	shalt  }
0x87: {  	_ =	shalt  }
.Lfunc_end0:
.L_simem_size_0:
called_computation.1_lowered:
.L_overlay_start_0:
0x88: {  	s2 =	sld [smem:$0x3FD9]  }
0x89: {  	s3 =	sld [smem:$0x3FFE];
	_ =	sdelay $0x1  }
0x8a: {  	s1 =	srdreg.scid  }
0x8b: {  	s0 =	sand.u32 $0x1, s1  }
0x8c: {  	s17 =	sshll.u32 s0, $0xA;
	s2 =	sadd.s32 s3, s2  }
0x8d: {  	s2 =	sadd.s32 s2, s17  }
0x8e: {  	[smem:$0x3FC2] =	sst s2  }
0x8f: {  	_ = 	snop  }
0x90: {  	s2 =	sld [smem:$0x3FD0];
	(tm) =	ssettm $0x1  }
0x91: {  	s18 =	sld [smem:$0x3FFB];
	_ =	sdelay $0x3  }
0x92: {  	_ =	strace s18  }
0x93: {  	s3 =	sld [smem:$0x3FFC];
	_ =	sdelay $0x3  }
0x94: {  	_ =	strace s3  }
0x95: {  	s3 =	sld [smem:$0x3FFD];
	_ =	sdelay $0x3  }
0x96: {  	_ =	strace s3  }
0x97: {  	_ =	strace $0x8FFFFFFF  }
0x98: {  	s19 =	sld [smem:$0x3FDB];
	_ =	sdelay $0x1  }
0x99: {  	s4 =	simm.s32 $_scs_section_size  }
0x9a: {  	s5 =	simm.s32 $_size__tile_overlayer_lowered;
	s6 =	simm.s32 $_tile_overlayer_lowered  }
0x9b: {  	s22 =	simm.s32 $0x1BFF;
	s21 =	sshll.u32 s6, $0x1;
	s3 =	sadd.s32 s4, s19  }
0x9c: {  	s7 =	simm.s32 $0x0;
	s20 =	sshll.u32 s5, $0x1;
	s5 =	sadd.s32 s21, s3  }
0x9d: {  	[timem:s7], [sflag:s22] =	dma.local [hbm:s5], s20  }
0x9e: {  	_ =	swait.ge [sflag:s22], s20  }
0x9f: {  	s4 =	ssub.s32 $0x0, s20;
	[sflag:s22] =	ssyncset.done $0x0  }
0xa0: {  	[sflag:s22] =	ssyncadd.s32 s4;
	_ =	sdelay $0x1  }
0xa1: {  	s23 =	simm.s32 $0x1B8B  }
0xa2: {  	_ =	swait.ge [sflag:s23], $0x1  }
0xa3: {  	[sflag:s23] =	ssyncset.done $0x0  }
0xa4: {  	s25 =	simm.s32 $0x1B8E;
	s24 =	sld [smem:$0x3FFE];
	[sflag:s23] =	ssyncadd.s32 $0xFFFFFFFF  }
0xa5: {  	s26 =	simm.s32 $execute0_lowered;
	[smem:$0x3FD2] =	sst s25  }
0xa6: {  	s5 =	sshll.u32 s26, $0x1;
	_ =	strace $0x80000049;
	[dreg:$0x1] =	wrdreg $0xFFFFFFFF  }
0xa7: {  	s28 =	simm.s32 $_size_execute0_lowered;
	s3 =	sadd.s32 s3, s5;
	[dreg:$0x0] =	wrdreg $0x0  }
0xa8: {  	s5 =	sshll.u32 s28, $0x1;
	[dreg:$0x2] =	wrdreg s3  }
0xa9: {  	[dreg:$0x3] =	wrdreg s5  }
0xaa: {  	[dreg:$0x4] =	wrdreg $0xC0  }
0xab: {  	_ =	task [dreg:s7], $0x5FFFF  }
0xac: {  	[dreg:$0x1] =	wrdreg $0xFFFFFFFF  }
0xad: {  	[dreg:$0x0] =	wrdreg $0x60  }
0xae: {  	[dreg:$0x2] =	wrdreg s2  }
0xaf: {  	[dreg:$0x3] =	wrdreg s24  }
0xb0: {  	[dreg:$0x4] =	wrdreg $0x9  }
0xb1: {  	_ =	task.clear_ibuf [dreg:s7], $0x5FFFF;
	_ =	strace $0x90000049  }
0xb2: {  	s29 =	simm.s32 $0x9;
	_ =	strace $0x8000004B  }
0xb3: {  	_ =	swait.ge [sflag:s29], $0x1  }
0xb4: {  	[sflag:s29] =	ssyncadd.s32 $0xFFFFFFFF  }
0xb5: {  	_ =	strace $0x9000004B  }
0xb6: {  	_ =	sfence  }
0xb7: {  	s30 =	sld [smem:$0x0];
	_ =	sdelay $0x2  }
0xb8: {  	s31 =	sshll.u32 s1, $0xD;
	s1 =	sshrl.u32 s1, $0x2  }
0xb9: {  	s3 =	sand.u32 $0x4000, s31;
	s1 =	sadd.s32 s1, s30  }
0xba: {  	s0 =	sor.u32 s3, s0;
	s1 =	sshll.u32 s1, $0x11  }
0xbb: {  	s0 =	sor.u32 s1, s0  }
0xbc: {  	s0 =	sadd.s32 $0x8F2B, s0  }
0xbd: {  	[sflag:s0] =	ssyncadd.remote.s32 $0x1  }
0xbe: {  	_ =	sfence.sel $0xFFFF  }
0xbf: {  	[dreg:$0x0] =	wrdreg $0xFFFFFFFF;
	(pc) =	sbr.abs _section_cstart, $3  }
0xc0: {  	[dreg:$0x1] =	wrdreg $0xFFFFFFFF  }
0xc1: {  	_ =	task.clear_ibuf [dreg:s7], $0x2FFFF;
	_ =	strace $0x9FFFFFFF  }
0xc2: {  	(tm) =	ssettm $0x7FFFFFFF  }
0xc3: {  	_ =	shalt  }
tec
execute0_lowered:
.L_overlay_start_1:
0x0: {  	(tag) =	ssettag $0x1  }
0x1: {  	s4 =	rddreg [dreg:$0x0];
	s1 =	srdreg.scid  }
0x2: {  	s0 =	stileid.u32;
	s3 =	rddreg [dreg:$0x1];
	s5 =	sand.u32 $0x1, s1  }
0x3: {  	s2 =	sshll.u32 s0, $0x1;
	s1 =	rddreg [dreg:$0x2];
	s10 =	sadd.s32 $0x10, s4  }
0x4: {  	s6 =	sor.u32 s5, s2;
	s2 =	simm.s32 $0x0;
	s5 =	ssub.s32 $0x2, s5  }
0x5: {  	s7 =	smul.u32 $0x30, s6;
	[smem:$0x7FF] =	sst s2;
	s8 =	sshrl.u32 s5, $0x1  }
0x6: {  	s9 =	smul.u32 $0x60, s6;
	s6 =	simm.s32 $0x80;
	_ =	strace $0x8000004A  }
0x7: {  	s5 =	ssub.s32 s5, s8;
	s8 =	simm.s32 $0x1;
	s31 =	sadd.s32 s7, s3  }
0x8: {  	s3 =	sadd.s32 s4, s9;
	s5 =	smax.u32 s5, $0x1;
	s7 =	simm.s32 $0x100  }
0x9: {  	s9 =	sadd.s32 s9, s10;
	s10 =	simm.s32 $0x180;
	s4 =	sadd.s32 $0xC200, s31  }
.LBB2_1:
0xa: {  	[tilespmem:s2], [sflag:$0x1] =	stream.strided.gather [hbm4b:s3+s6], $0x180, s7, s6, $0x38;
	[tilespmem:$0x300] =	vst v63  }
0xb: {  	_ =	swait.ge [sflag:s8], $0x180  }
0xc: {  	[sflag:s8] =	ssyncset.done $0x0  }
0xd: {  	[sflag:s8] =	ssyncadd.s32 $0xFFFFFE80  }
0xe: {  	[tilespmem:s10], [sflag:$0x1] =	stream.strided.gather [hbm4b:s9+s6], $0x180, s7, s6, $0x38;
	[tilespmem:$0x300] =	vst v63  }
0xf: {  	_ =	swait.ge [sflag:s8], $0x180  }
0x10: {  	[sflag:s8] =	ssyncset.done $0x0  }
0x11: {  	[sflag:s8] =	ssyncadd.s32 $0xFFFFFE80  }
0x12: {  	v0 =	vld [tilespmem:$0x0]  }
0x13: {  	v1 =	vld [tilespmem:$0x180]  }
0x14: {  	v2 =	vld [tilespmem:$0x10]  }
0x15: {  	v36 =	vld [tilespmem:$0x20]  }
0x16: {  	v4 =	vld [tilespmem:$0x1A0]  }
0x17: {  	v3 =	vld [tilespmem:$0x190];
	_ =	sdelay $0x2  }
0x18: {  	v38 =	vld [tilespmem:$0x30];
	v0 =	vadd.f32 v1, v0  }
0x19: {  	v7 =	vld [tilespmem:$0x1B0];
	v1 =	vadd.f32 v4, v36  }
0x1a: {  	v2 =	vadd.f32 v3, v2;
	v0 =	vadd.f32 $1.000000000e+00, v0  }
0x1b: {  	v1 =	vadd.f32 $1.000000000e+00, v1  }
0x1c: {  	v2 =	vadd.f32 $1.000000000e+00, v2;
	v5 =	vshra.s32 v0, $0x1;
	v0 =	vmul.f32 $5.000000000e-01, v0  }
0x1d: {  	v9 =	vshra.s32 v1, $0x1;
	v1 =	vmul.f32 $5.000000000e-01, v1;
	v37 =	vsub.s32 $0x5F3759DF, v5  }
0x1e: {  	v4 =	vadd.f32 v7, v38;
	v40 =	vsub.s32 $0x5F3759DF, v9;
	v5 =	vmul.f32 v37, v0  }
0x1f: {  	v6 =	vshra.s32 v2, $0x1;
	v2 =	vmul.f32 $5.000000000e-01, v2;
	v9 =	vmul.f32 v40, v1  }
0x20: {  	v4 =	vadd.f32 $1.000000000e+00, v4;
	v6 =	vsub.s32 $0x5F3759DF, v6;
	v5 =	vmul.f32 v37, v5  }
0x21: {  	v8 =	vmul.f32 v6, v2;
	v9 =	vmul.f32 v40, v9  }
0x22: {  	v42 =	vld [tilespmem:$0x40];
	v10 =	vshra.s32 v4, $0x1;
	v4 =	vmul.f32 $5.000000000e-01, v4;
	v5 =	vsub.f32 $1.500000000e+00, v5  }
0x23: {  	v11 =	vld [tilespmem:$0x1C0];
	v10 =	vsub.s32 $0x5F3759DF, v10;
	v39 =	vmul.f32 v6, v8;
	v9 =	vsub.f32 $1.500000000e+00, v9  }
0x24: {  	v43 =	vmul.f32 v10, v4;
	v3 =	vmul.f32 v37, v5  }
0x25: {  	v5 =	vsub.f32 $1.500000000e+00, v39;
	v8 =	vmul.f32 v40, v9  }
0x26: {  	v47 =	vld [tilespmem:$0x50];
	v9 =	vmul.f32 v10, v43;
	v41 =	vmul.f32 v3, v0  }
0x27: {  	v14 =	vld [tilespmem:$0x60];
	v5 =	vmul.f32 v6, v5;
	v45 =	vmul.f32 v8, v1  }
0x28: {  	v60 =	vld [tilespmem:$0x80];
	v6 =	vadd.f32 v11, v42;
	v9 =	vsub.f32 $1.500000000e+00, v9;
	v7 =	vmul.f32 v41, v3  }
0x29: {  	v62 =	vld [tilespmem:$0x200];
	v12 =	vmul.f32 v5, v2;
	v46 =	vmul.f32 v45, v8  }
0x2a: {  	v51 =	vld [tilespmem:$0x1E0];
	v6 =	vadd.f32 $1.000000000e+00, v6;
	v9 =	vmul.f32 v10, v9  }
0x2b: {  	v48 =	vld [tilespmem:$0x1D0];
	v7 =	vsub.f32 $1.500000000e+00, v7;
	v44 =	vmul.f32 v12, v5;
	v11 =	vsub.f32 $1.500000000e+00, v46  }
0x2c: {  	v49 =	vshra.s32 v6, $0x1;
	v6 =	vmul.f32 $5.000000000e-01, v6;
	v50 =	vmul.f32 v9, v4  }
0x2d: {  	v12 =	vsub.s32 $0x5F3759DF, v49;
	v3 =	vmul.f32 v7, v3;
	v7 =	vsub.f32 $1.500000000e+00, v44  }
0x2e: {  	v22 =	vadd.f32 v62, v60;
	v8 =	vmul.f32 v11, v8;
	v13 =	vmul.f32 v12, v6  }
0x2f: {  	v10 =	vadd.f32 v51, v14;
	v11 =	vmul.f32 v50, v9;
	v5 =	vmul.f32 v7, v5  }
0x30: {  	v0 =	vmul.f32 v3, v0;
	v1 =	vmul.f32 v8, v1;
	v7 =	vadd.f32 v48, v47  }
0x31: {  	v13 =	vmul.f32 v12, v13;
	v11 =	vsub.f32 $1.500000000e+00, v11;
	v2 =	vmul.f32 v5, v2  }
0x32: {  	v55 =	vld [tilespmem:$0x70];
	v0 =	vmul.f32 v0, v3;
	v15 =	vmul.f32 v1, v8;
	v7 =	vadd.f32 $1.000000000e+00, v7  }
0x33: {  	v57 =	vld [tilespmem:$0x1F0];
	v52 =	vsub.f32 $1.500000000e+00, v13;
	v54 =	vmul.f32 v11, v9;
	v2 =	vmul.f32 v2, v5  }
0x34: {  	v0 =	vsub.f32 $1.500000000e+00, v0;
	v53 =	vsub.f32 $1.500000000e+00, v15;
	v56 =	vshra.s32 v7, $0x1  }
0x35: {  	v7 =	vmul.f32 $5.000000000e-01, v7;
	v4 =	vmul.f32 v54, v4;
	v2 =	vsub.f32 $1.500000000e+00, v2  }
0x36: {  	v11 =	vsub.s32 $0x5F3759DF, v56;
	v1 =	vmul.f32 v0, v3;
	v3 =	vmul.f32 v12, v52  }
0x37: {  	v61 =	vadd.f32 $1.000000000e+00, v10;
	v59 =	vmul.f32 v11, v7;
	v0 =	vmul.f32 v2, v5  }
0x38: {  	v9 =	vadd.f32 v57, v55;
	v58 =	vmul.f32 v3, v6;
	v2 =	vmul.f32 v53, v8  }
0x39: {  	v16 =	vshra.s32 v61, $0x1;
	v14 =	vmul.f32 v11, v59;
	v8 =	vmul.f32 $5.000000000e-01, v61  }
0x3a: {  	v21 =	vsub.s32 $0x5F3759DF, v16;
	v9 =	vadd.f32 $1.000000000e+00, v9;
	v13 =	vmul.f32 v58, v3  }
0x3b: {  	v19 =	vld [tilespmem:$0x90];
	v4 =	vmul.f32 v4, v54;
	v20 =	vsub.f32 $1.500000000e+00, v14;
	v16 =	vmul.f32 v21, v8  }
0x3c: {  	v29 =	vld [tilespmem:$0x210];
	v24 =	vshra.s32 v9, $0x1;
	v9 =	vmul.f32 $5.000000000e-01, v9;
	v63 =	vsub.f32 $1.500000000e+00, v13  }
0x3d: {  	v43 =	vld [tilespmem:$0xB0];
	v11 =	vmul.f32 v11, v20;
	v23 =	vmul.f32 v21, v16;
	v13 =	vsub.s32 $0x5F3759DF, v24  }
0x3e: {  	v20 =	vld [tilespmem:$0x230];
	v26 =	vmul.f32 v13, v9;
	v12 =	vmul.f32 v63, v3  }
0x3f: {  	v4 =	vsub.f32 $1.500000000e+00, v4;
	v25 =	vmul.f32 v11, v7;
	v3 =	vadd.f32 $1.000000000e+00, v22  }
0x40: {  	v10 =	vsub.f32 $1.500000000e+00, v23;
	v27 =	vmul.f32 v13, v26;
	v6 =	vmul.f32 v12, v6  }
0x41: {  	v37 =	vadd.f32 v29, v19;
	v15 =	vmul.f32 v25, v11;
	v18 =	vmul.f32 $5.000000000e-01, v3  }
0x42: {  	v17 =	vshra.s32 v3, $0x1;
	v10 =	vmul.f32 v21, v10;
	v3 =	vmul.f32 v4, v54  }
0x43: {  	v40 =	vld [tilespmem:$0xA0];
	v28 =	vsub.s32 $0x5F3759DF, v17;
	v14 =	vsub.f32 $1.500000000e+00, v27;
	v49 =	vadd.f32 v20, v43  }
0x44: {  	v41 =	vld [tilespmem:$0x220];
	v30 =	vsub.f32 $1.500000000e+00, v15;
	v31 =	vmul.f32 v28, v18;
	v6 =	vmul.f32 v6, v12  }
0x45: {  	v23 =	vld [tilespmem:$0x240];
	v32 =	vmul.f32 v10, v8;
	v15 =	vadd.f32 $1.000000000e+00, v37;
	v13 =	vmul.f32 v13, v14  }
0x46: {  	v21 =	vld [tilespmem:$0xC0];
	v11 =	vmul.f32 v30, v11;
	v33 =	vmul.f32 v28, v31;
	v34 =	vsub.f32 $1.500000000e+00, v6  }
0x47: {  	v61 =	vld [tilespmem:$0xD0];
	v35 =	vmul.f32 v32, v10;
	v45 =	vshra.s32 v15, $0x1;
	v15 =	vmul.f32 $5.000000000e-01, v15  }
0x48: {  	v63 =	vld [tilespmem:$0x250];
	v39 =	vmul.f32 v13, v9;
	v19 =	vsub.s32 $0x5F3759DF, v45;
	v7 =	vmul.f32 v11, v7  }
0x49: {  	v36 =	vsub.f32 $1.500000000e+00, v33;
	v4 =	vmul.f32 v34, v12;
	v38 =	vsub.f32 $1.500000000e+00, v35  }
0x4a: {  	v22 =	vmul.f32 v19, v15;
	v12 =	vadd.f32 v41, v40;
	v42 =	vmul.f32 v39, v13  }
0x4b: {  	v51 =	vadd.f32 v23, v21;
	v7 =	vmul.f32 v7, v11;
	v14 =	vmul.f32 v28, v36  }
0x4c: {  	v10 =	vmul.f32 v38, v10;
	v47 =	vmul.f32 v19, v22;
	v50 =	vadd.f32 $1.000000000e+00, v12  }
0x4d: {  	v28 =	vadd.f32 v63, v61;
	v5 =	vsub.f32 $1.500000000e+00, v42;
	v44 =	vmul.f32 v14, v18  }
0x4e: {  	v8 =	vmul.f32 v10, v8;
	v7 =	vsub.f32 $1.500000000e+00, v7;
	v48 =	vsub.f32 $1.500000000e+00, v47  }
0x4f: {  	v54 =	vshra.s32 v50, $0x1;
	v56 =	vmul.f32 $5.000000000e-01, v50;
	v31 =	vadd.f32 $1.000000000e+00, v28  }
0x50: {  	v13 =	vmul.f32 v5, v13;
	v55 =	vsub.s32 $0x5F3759DF, v54;
	v17 =	vmul.f32 v44, v14  }
0x51: {  	v8 =	vmul.f32 v8, v10;
	v5 =	vmul.f32 v7, v11;
	v11 =	vadd.f32 $1.000000000e+00, v49  }
0x52: {  	v53 =	vmul.f32 v19, v48;
	v59 =	vmul.f32 v55, v56;
	v35 =	vshra.s32 v31, $0x1  }
0x53: {  	v16 =	vmul.f32 $5.000000000e-01, v31;
	v9 =	vmul.f32 v13, v9;
	v36 =	vsub.s32 $0x5F3759DF, v35  }
0x54: {  	v46 =	vsub.f32 $1.500000000e+00, v17;
	v57 =	vshra.s32 v11, $0x1;
	v11 =	vmul.f32 $5.000000000e-01, v11  }
0x55: {  	v8 =	vsub.f32 $1.500000000e+00, v8;
	v24 =	vmul.f32 v53, v15;
	v19 =	vmul.f32 v55, v59  }
0x56: {  	v38 =	vmul.f32 v36, v16;
	v9 =	vmul.f32 v9, v13;
	v60 =	vsub.s32 $0x5F3759DF, v57  }
0x57: {  	v43 =	vld [tilespmem:$0xF0];
	v14 =	vmul.f32 v46, v14;
	v6 =	vmul.f32 v8, v10;
	v10 =	vadd.f32 $1.000000000e+00, v51  }
0x58: {  	v48 =	vld [tilespmem:$0x280];
	v7 =	vmul.f32 v60, v11;
	v24 =	vmul.f32 v24, v53;
	v26 =	vsub.f32 $1.500000000e+00, v19  }
0x59: {  	v39 =	vmul.f32 v36, v38;
	v46 =	vld [tilespmem:$0x100];
	v9 =	vsub.f32 $1.500000000e+00, v9;
	v52 =	vmul.f32 v14, v18  }
0x5a: {  	v44 =	vld [tilespmem:$0x270];
	v58 =	vshra.s32 v10, $0x1;
	v10 =	vmul.f32 $5.000000000e-01, v10;
	v25 =	vmul.f32 v60, v7  }
0x5b: {  	v8 =	vsub.s32 $0x5F3759DF, v58;
	v7 =	vmul.f32 v9, v13;
	v9 =	vsub.f32 $1.500000000e+00, v24  }
0x5c: {  	v13 =	vmul.f32 v55, v26;
	v62 =	vmul.f32 v8, v10  }
0x5d: {  	v12 =	vmul.f32 v52, v14;
	v27 =	vsub.f32 $1.500000000e+00, v25;
	v9 =	vmul.f32 v9, v53  }
0x5e: {  	v40 =	vld [tilespmem:$0xE0];
	v30 =	vmul.f32 v13, v56;
	v20 =	vadd.f32 v48, v46;
	v22 =	vmul.f32 v8, v62  }
0x5f: {  	v42 =	vld [tilespmem:$0x260];
	v53 =	vadd.f32 v44, v43;
	v19 =	vmul.f32 v60, v27;
	v15 =	vmul.f32 v9, v15  }
0x60: {  	v34 =	vmul.f32 v30, v13;
	v20 =	vadd.f32 $1.000000000e+00, v20;
	v22 =	vsub.f32 $1.500000000e+00, v22  }
0x61: {  	v12 =	vsub.f32 $1.500000000e+00, v12;
	v32 =	vmul.f32 v19, v11;
	v15 =	vmul.f32 v15, v9  }
0x62: {  	v59 =	vshra.s32 v20, $0x1;
	v20 =	vmul.f32 $5.000000000e-01, v20;
	v29 =	vmul.f32 v8, v22  }
0x63: {  	v37 =	vsub.f32 $1.500000000e+00, v34;
	v17 =	vmul.f32 v32, v19;
	v8 =	vmul.f32 v12, v14  }
0x64: {  	v14 =	vadd.f32 v42, v40;
	v23 =	vsub.s32 $0x5F3759DF, v59;
	v33 =	vmul.f32 v29, v10  }
0x65: {  	v12 =	vmul.f32 v37, v13;
	v13 =	vsub.f32 $1.500000000e+00, v39;
	v17 =	vsub.f32 $1.500000000e+00, v17  }
0x66: {  	v15 =	vsub.f32 $1.500000000e+00, v15;
	v60 =	vmul.f32 v23, v20;
	v21 =	vmul.f32 v33, v29  }
0x67: {  	v14 =	vadd.f32 $1.000000000e+00, v14;
	v18 =	vmul.f32 v12, v56;
	v17 =	vmul.f32 v17, v19  }
0x68: {  	v13 =	vmul.f32 v36, v13;
	v24 =	vmul.f32 v23, v60;
	v21 =	vsub.f32 $1.500000000e+00, v21  }
0x69: {  	v55 =	vshra.s32 v14, $0x1;
	v14 =	vmul.f32 $5.000000000e-01, v14;
	v11 =	vmul.f32 v17, v11  }
0x6a: {  	v18 =	vmul.f32 v18, v12;
	v41 =	vmul.f32 v21, v29  }
0x6b: {  	v54 =	vld [tilespmem:$0x290];
	v45 =	vmul.f32 v11, v17;
	v11 =	vmul.f32 v15, v9;
	v15 =	vadd.f32 $1.000000000e+00, v53  }
0x6c: {  	v52 =	vld [tilespmem:$0x110];
	v47 =	vmul.f32 v13, v16;
	v19 =	vsub.s32 $0x5F3759DF, v55;
	v10 =	vmul.f32 v41, v10  }
0x6d: {  	v18 =	vsub.f32 $1.500000000e+00, v18;
	v57 =	vshra.s32 v15, $0x1;
	v15 =	vmul.f32 $5.000000000e-01, v15  }
0x6e: {  	v51 =	vmul.f32 v47, v13;
	v21 =	vsub.s32 $0x5F3759DF, v57;
	v10 =	vmul.f32 v10, v41  }
0x6f: {  	v56 =	vmul.f32 v19, v14;
	v49 =	vsub.f32 $1.500000000e+00, v45;
	v58 =	vmul.f32 v21, v15  }
0x70: {  	v50 =	vsub.f32 $1.500000000e+00, v10;
	v10 =	vmul.f32 v18, v12;
	v18 =	vsub.f32 $1.500000000e+00, v51  }
0x71: {  	v32 =	vld [tilespmem:$0x120];
	v12 =	vmul.f32 v49, v17;
	v17 =	vadd.f32 v54, v52;
	v22 =	vmul.f32 v21, v58  }
0x72: {  	v33 =	vld [tilespmem:$0x2A0];
	v13 =	vmul.f32 v18, v13;
	v18 =	vmul.f32 v19, v56  }
0x73: {  	v44 =	vld [tilespmem:$0x140];
	v17 =	vadd.f32 $1.000000000e+00, v17;
	v22 =	vsub.f32 $1.500000000e+00, v22  }
0x74: {  	v63 =	vsub.f32 $1.500000000e+00, v24;
	v47 =	vld [tilespmem:$0x150];
	v9 =	vmul.f32 v50, v41;
	v18 =	vsub.f32 $1.500000000e+00, v18  }
0x75: {  	v53 =	vld [tilespmem:$0x2F0];
	v61 =	vshra.s32 v17, $0x1;
	v17 =	vmul.f32 $5.000000000e-01, v17;
	v21 =	vmul.f32 v21, v22  }
0x76: {  	v51 =	vld [tilespmem:$0x170];
	v16 =	vmul.f32 v13, v16;
	v22 =	vmul.f32 v23, v63  }
0x77: {  	v29 =	vld [tilespmem:$0x2D0];
	v23 =	vadd.f32 v33, v32;
	v18 =	vmul.f32 v19, v18;
	v27 =	vmul.f32 v21, v15  }
0x78: {  	v46 =	vld [tilespmem:$0x2C0];
	v19 =	vsub.s32 $0x5F3759DF, v61;
	v16 =	vmul.f32 v16, v13;
	v28 =	vmul.f32 v22, v20  }
0x79: {  	v23 =	vadd.f32 $1.000000000e+00, v23;
	v26 =	vmul.f32 v19, v17;
	v62 =	vmul.f32 v18, v14  }
0x7a: {  	v27 =	vmul.f32 v27, v21;
	v16 =	vsub.f32 $1.500000000e+00, v16;
	v35 =	vmul.f32 v28, v22  }
0x7b: {  	v43 =	vshra.s32 v23, $0x1;
	v23 =	vmul.f32 $5.000000000e-01, v23;
	v28 =	vadd.f32 v53, v51  }
0x7c: {  	v31 =	vmul.f32 v19, v26;
	v26 =	vadd.f32 v29, v47;
	v34 =	vsub.f32 $1.500000000e+00, v27  }
0x7d: {  	v30 =	vmul.f32 v62, v18;
	v38 =	vsub.f32 $1.500000000e+00, v35;
	v27 =	vadd.f32 v46, v44  }
0x7e: {  	v13 =	vmul.f32 v16, v13;
	v28 =	vadd.f32 $1.000000000e+00, v28;
	v25 =	vsub.f32 $1.500000000e+00, v31  }
0x7f: {  	v26 =	vadd.f32 $1.000000000e+00, v26;
	v24 =	vsub.f32 $1.500000000e+00, v30;
	v37 =	vmul.f32 v34, v21  }
0x80: {  	v39 =	vld [tilespmem:$0x130];
	v21 =	vmul.f32 v38, v22;
	v27 =	vadd.f32 $1.000000000e+00, v27;
	v33 =	vshra.s32 v28, $0x1  }
0x81: {  	v41 =	vld [tilespmem:$0x2B0];
	v28 =	vmul.f32 $5.000000000e-01, v28;
	v19 =	vmul.f32 v19, v25;
	v25 =	vsub.s32 $0x5F3759DF, v43  }
0x82: {  	v58 =	vshra.s32 v26, $0x1;
	v26 =	vmul.f32 $5.000000000e-01, v26;
	v18 =	vmul.f32 v24, v18  }
0x83: {  	v33 =	vsub.s32 $0x5F3759DF, v33;
	v15 =	vmul.f32 v37, v15;
	v20 =	vmul.f32 v21, v20  }
0x84: {  	v45 =	vmul.f32 v25, v23;
	v56 =	vshra.s32 v27, $0x1;
	v27 =	vmul.f32 $5.000000000e-01, v27  }
0x85: {  	v59 =	vmul.f32 v33, v28;
	v36 =	vmul.f32 v19, v17  }
0x86: {  	v24 =	vadd.f32 v41, v39;
	v14 =	vmul.f32 v18, v14;
	v15 =	vmul.f32 v15, v37  }
0x87: {  	v29 =	vsub.s32 $0x5F3759DF, v56;
	v20 =	vmul.f32 v20, v21;
	v22 =	vmul.f32 v25, v45  }
0x88: {  	v49 =	vld [tilespmem:$0x160];
	v48 =	vadd.f32 $1.000000000e+00, v24;
	v57 =	vmul.f32 v29, v27;
	v40 =	vmul.f32 v36, v19  }
0x89: {  	v50 =	vld [tilespmem:$0x2E0];
	v14 =	vmul.f32 v14, v18;
	v15 =	vsub.f32 $1.500000000e+00, v15;
	v20 =	vsub.f32 $1.500000000e+00, v20  }
0x8a: {  	v22 =	vsub.f32 $1.500000000e+00, v22;
	v30 =	vshra.s32 v48, $0x1;
	v16 =	vmul.f32 $5.000000000e-01, v48  }
0x8b: {  	v24 =	vmul.f32 v29, v57;
	v42 =	vsub.f32 $1.500000000e+00, v40;
	v52 =	vsub.s32 $0x5F3759DF, v30  }
0x8c: {  	v14 =	vsub.f32 $1.500000000e+00, v14;
	v15 =	vmul.f32 v15, v37;
	v22 =	vmul.f32 v25, v22  }
0x8d: {  	v30 =	vsub.s32 $0x5F3759DF, v58;
	v20 =	vmul.f32 v20, v21;
	v54 =	vmul.f32 v52, v16  }
0x8e: {  	v31 =	vmul.f32 v30, v26;
	v14 =	vmul.f32 v14, v18;
	v18 =	vadd.f32 v50, v49  }
0x8f: {  	v24 =	vsub.f32 $1.500000000e+00, v24;
	v25 =	vmul.f32 v33, v59;
	v19 =	vmul.f32 v42, v19  }
0x90: {  	v55 =	vmul.f32 v22, v23;
	v21 =	vmul.f32 v52, v54;
	v18 =	vadd.f32 $1.000000000e+00, v18  }
0x91: {  	v31 =	vmul.f32 v30, v31;
	v60 =	vmul.f32 v29, v24  }
0x92: {  	v25 =	vsub.f32 $1.500000000e+00, v25;
	v32 =	vshra.s32 v18, $0x1;
	v18 =	vmul.f32 $5.000000000e-01, v18  }
0x93: {  	v17 =	vmul.f32 v19, v17;
	v63 =	vmul.f32 v55, v22;
	v32 =	vsub.s32 $0x5F3759DF, v32  }
0x94: {  	v21 =	vsub.f32 $1.500000000e+00, v21;
	v36 =	vmul.f32 v60, v27;
	v34 =	vmul.f32 v32, v18  }
0x95: {  	[tilespmem:$0x0] =	vst v1;
	v31 =	vsub.f32 $1.500000000e+00, v31;
	v37 =	vmul.f32 v33, v25;
	v17 =	vmul.f32 v17, v19  }
0x96: {  	[tilespmem:$0x10] =	vst v0;
	v21 =	vmul.f32 v52, v21;
	v34 =	vmul.f32 v32, v34  }
0x97: {  	[tilespmem:$0x20] =	vst v2;
	v61 =	vmul.f32 v30, v31;
	v42 =	vmul.f32 v37, v28  }
0x98: {  	[tilespmem:$0x30] =	vst v3;
	v39 =	vmul.f32 v36, v60;
	v35 =	vmul.f32 v21, v16;
	v62 =	vsub.f32 $1.500000000e+00, v34  }
0x99: {  	[tilespmem:$0x40] =	vst v4;
	v0 =	vsub.f32 $1.500000000e+00, v63;
	v38 =	vmul.f32 v61, v26;
	v45 =	vmul.f32 v42, v37  }
0x9a: {  	[tilespmem:$0x50] =	vst v5;
	v4 =	vsub.f32 $1.500000000e+00, v39;
	v34 =	vmul.f32 v35, v21;
	v35 =	vmul.f32 v32, v62  }
0x9b: {  	[tilespmem:$0x60] =	vst v6;
	v17 =	vsub.f32 $1.500000000e+00, v17;
	v0 =	vmul.f32 v0, v22;
	v41 =	vmul.f32 v38, v61  }
0x9c: {  	[tilespmem:$0x70] =	vst v7;
	v1 =	vmul.f32 v4, v60;
	v40 =	vmul.f32 v35, v18  }
0x9d: {  	[tilespmem:$0x80] =	vst v8;
	v17 =	vmul.f32 v17, v19;
	v48 =	vsub.f32 $1.500000000e+00, v45;
	v49 =	vmul.f32 v0, v23  }
0x9e: {  	[tilespmem:$0x90] =	vst v11;
	v5 =	vsub.f32 $1.500000000e+00, v41;
	v51 =	vmul.f32 v1, v27;
	v44 =	vmul.f32 v40, v35  }
0x9f: {  	[tilespmem:$0xA0] =	vst v10;
	v3 =	vmul.f32 v48, v37;
	v7 =	vmul.f32 v49, v0;
	v43 =	vsub.f32 $1.500000000e+00, v34  }
0xa0: {  	[tilespmem:$0xB0] =	vst v12;
	v47 =	vmul.f32 v5, v61;
	v8 =	vmul.f32 v51, v1;
	v46 =	vsub.f32 $1.500000000e+00, v44  }
0xa1: {  	[tilespmem:$0xC0] =	vst v9;
	v54 =	vmul.f32 v3, v28;
	v6 =	vmul.f32 v43, v21  }
0xa2: {  	[tilespmem:$0xD0] =	vst v13;
	v52 =	vmul.f32 v47, v26;
	v2 =	vmul.f32 v46, v35  }
0xa3: {  	[tilespmem:$0xF0] =	vst v15;
	v7 =	vsub.f32 $1.500000000e+00, v7;
	v58 =	vmul.f32 v54, v3;
	v50 =	vmul.f32 v6, v16  }
0xa4: {  	[tilespmem:$0x100] =	vst v20;
	v55 =	vsub.f32 $1.500000000e+00, v8;
	v9 =	vmul.f32 v52, v47;
	v53 =	vmul.f32 v2, v18  }
0xa5: {  	[tilespmem:$0xE0] =	vst v14;
	v0 =	vmul.f32 v7, v0;
	v61 =	vsub.f32 $1.500000000e+00, v58;
	v5 =	vmul.f32 v50, v6  }
0xa6: {  	[tilespmem:$0x110] =	vst v17;
	v59 =	vmul.f32 v55, v1;
	v57 =	vsub.f32 $1.500000000e+00, v9;
	v56 =	vmul.f32 v53, v2  }
0xa7: {  	[tilespmem:$0x120] =	vst v0;
	v63 =	vmul.f32 v61, v3;
	v5 =	vsub.f32 $1.500000000e+00, v5  }
0xa8: {  	[tilespmem:$0x140] =	vst v59;
	v4 =	vmul.f32 v57, v47;
	v60 =	vsub.f32 $1.500000000e+00, v56  }
0xa9: {  	[tilespmem:$0x170] =	vst v63;
	v5 =	vmul.f32 v5, v6  }
0xaa: {  	[tilespmem:$0x150] =	vst v4;
	v62 =	vmul.f32 v60, v2  }
0xab: {  	p0 =	sne.s32 s5, $0x1;
	[tilespmem:$0x130] =	vst v5  }
.Ltmp0:
0xac: {  	[tilespmem:$0x160] =	vst v62;
	(pc) =	sbr.rel @p0 .LBB2_1-.Ltmp0, $4  }
0xad: {  	[hbm4b:s4+s2] =	stream.linear.scatter [tilespmem:s2], [sflag:$0x1], $0x180, $0x38;
	[tilespmem:$0x300] =	vst v63  }
0xae: {  	_ =	swait.ge [sflag:s8], $0x180  }
0xaf: {  	[sflag:s8] =	ssyncset.done $0x0  }
0xb0: {  	s5 =	sadd.s32 $0xFFFFFFFF, s5;
	[sflag:s8] =	ssyncadd.s32 $0xFFFFFE80  }
0xb1: {  	_ =	sfence.sel $0x180000  }
0xb2: {  	[bflag:$0x0] =	sbarrier.arrive $0xFFFF  }
0xb3: {  	p0 =	sne.s32 s0, $0x0;
	_ =	strace $0x9000004A  }
0xb4: {  	s0 =	sadd.s32 @!p0 $0x100000, s1;
	[bflag:$0x2] =	sbarrier.arrive $0xFFFF  }
0xb5: {  	[sflag:s0] =	ssyncadd.tile.s32 @!p0 $0x1;
	_ =	shalt  }
.Lfunc_end2:
_tile_overlayer_lowered:
.L_overlay_start_2:
0xb6: {  	(tag) =	ssettag $0x2  }
0xb7: {  	s0 =	rddreg [dreg:$0x0];
	s2 =	stileid.u32  }
0xb8: {  	s1 =	rddreg [dreg:$0x1];
	p0 =	sne.s32 s2, $0x0  }
0xb9: {  	s3 =	rddreg [dreg:$0x2];
	[bflag:$0x3] =	sbarrier.arrive $0xFFFF;
	s2 =	simm.s32 @!p0 $0x1C01  }
0xba: {  	[timem:s3], [sflag:s2] =	dma.local @!p0 [hbm:s0], s1  }
0xbb: {  	s0 =	simm.s32 @!p0 $0x1  }
0xbc: {  	_ =	swait.ge @!p0 [sflag:s0], s1  }
0xbd: {  	s1 =	ssub.s32 @!p0 $0x0, s1;
	[sflag:s0] =	ssyncset.done @!p0 $0x0  }
0xbe: {  	[sflag:s0] =	ssyncadd.s32 @!p0 s1  }
0xbf: {  	[bflag:$0x3] =	sbarrier.arrive $0xFFFF  }
0xc0: {  	_ =	shalt  }

// kernel: kernel.15.cloned.1.call-start
scs
__scs_entry_jumppad:
0x0: {  	(pc) =	sbr.rel $0x88, $3  }
0x1: {  	(tag) =	ssettag $0x0;
	lr =	simm.s32 $0x1  }
0x2: {  	[smem:$0x3F9B] =	sst lr;
	_ =	strace $0xD0000000  }
0x3: {  	_ = 	snop  }
0x4: {  	_ = 	snop  }
0x5: {  	_ = 	snop  }
0x6: {  	_ = 	snop  }
0x7: {  	_ = 	snop  }
__scs_overlays_trampoline_lowered:
0x8: {  	[smem:$0x3FAA] =	sst s0  }
0x9: {  	[smem:$0x3FAB] =	sst s1  }
0xa: {  	[smem:$0x3FAC] =	sst s2  }
0xb: {  	[smem:$0x3FAD] =	sst s3  }
0xc: {  	[smem:$0x3FAE] =	sst s4  }
0xd: {  	[smem:$0x3FAF] =	sst s5  }
0xe: {  	[smem:$0x3FB0] =	sst s6  }
0xf: {  	[smem:$0x3FB1] =	sst s7  }
0x10: {  	[smem:$0x3FB2] =	sst s8  }
0x11: {  	[smem:$0x3FB3] =	sst s9;
	s0 =	simm.s32 @!p0 $0x0  }
0x12: {  	s1 =	sld [smem:$0x3F99];
	s0 =	simm.s32 @p0 $0x1  }
0x13: {  	[smem:$0x3FB4] =	sst s0;
	s0 =	simm.s32 @!p1 $0x0  }
0x14: {  	s2 =	sld [smem:$0x3F98];
	s0 =	simm.s32 @p1 $0x1  }
0x15: {  	[smem:$0x3FB5] =	sst s0;
	s0 =	simm.s32 @!p2 $0x0  }
0x16: {  	s3 =	sld [smem:$0x3FDB];
	s0 =	simm.s32 @p2 $0x1  }
0x17: {  	s4 =	simm.s32 $0x1BF5;
	[smem:$0x3FB7] =	sst s0  }
0x18: {  	s0 =	sld [smem:$0x3F9A];
	_ =	swait.ge [sflag:s4], $0x0  }
0x19: {  	s7 =	sld [smem:$0x3F9B]  }
0x1a: {  	s8 =	sadd.s32 $0xFFFFE003, lr  }
0x1b: {  	s9 =	sadd.s32 $0xFFFFFEF7, lr;
	s5 =	simm.s32 $0xFFFFFFFF;
	p2 =	slt.u32 s8, $0xFFFFF086  }
0x1c: {  	p1 =	slt.u32 s9, $0xF7A;
	s5 =	simm.s32 @!p2 $0x0  }
0x1d: {  	s5 =	simm.s32 @p1 $0x1;
	p0 =	seq.s32 s7, s2  }
0x1e: {  	s7 =	smul.u32 @!p0 $0xF7A, s2;
	p2 =	seq.s32 @!p0 s5, $0x0  }
0x1f: {  	s9 =	smul.u32 $0xF7A, s1;
	s8 =	simm.s32 @!p0 $0x1BF5;
	p2 =	por !p2, p0  }
0x20: {  	[sflag:s8] =	ssyncset.s32 @!p0 $0xFFFFF086;
	s6 =	sadd.s32 @!p0 s3, s7;
	s7 =	simm.s32 @!p0 $0x108  }
0x21: {  	s3 =	sadd.s32 s3, s9;
	s6 =	sadd.s32 @!p0 $0x88, s6;
	s7 =	simm.s32 @p2 $0x1082  }
0x22: {  	[simem:s7], [sflag:s8] =	dma.local @!p0 [hbm:s6], $0xF7A  }
0x23: {  	s9 =	sor.u32 $0xD0000000, s2;
	s6 =	simm.s32 $0x108;
	_ =	swait.ge @!p0 [sflag:s8], $0x0  }
0x24: {  	s3 =	sadd.s32 $0x88, s3;
	s6 =	simm.s32 @!p1 $0x1082;
	[sflag:s4] =	ssyncset.s32 $0xFFFFF086  }
0x25: {  	[simem:s6], [sflag:s4] =	dma.local [hbm:s3], $0xF7A  }
0x26: {  	[smem:$0x3F9B] =	sst s1;
	(tag) =	ssettag s2;
	_ =	strace s9  }
0x27: {  	s1 =	sld [smem:$0x3FAB]  }
0x28: {  	s2 =	sld [smem:$0x3FAC]  }
0x29: {  	s4 =	sld [smem:$0x3FAE]  }
0x2a: {  	p0 =	seq.s32 s5, $0x0;
	s5 =	sld [smem:$0x3FAF]  }
0x2b: {  	s6 =	sld [smem:$0x3FB0]  }
0x2c: {  	s7 =	sld [smem:$0x3FB1]  }
0x2d: {  	s3 =	simm.s32 $0x108;
	s8 =	sld [smem:$0x3FB2]  }
0x2e: {  	s3 =	simm.s32 @!p0 $0x1082;
	s9 =	sld [smem:$0x3FB3]  }
0x2f: {  	lr =	sadd.s32 s0, s3;
	s0 =	sld [smem:$0x3FAA]  }
0x30: {  	s3 =	sld [smem:$0x3FAD]  }
0x31: {  	[smem:$0x3FB6] =	sst s10  }
0x32: {  	s10 =	sld [smem:$0x3FB4];
	_ =	sdelay $0x3  }
0x33: {  	p0 =	seq.s32 s10, $0x1;
	s10 =	sld [smem:$0x3FB6];
	_ =	sdelay $0x3  }
0x34: {  	[smem:$0x3FB6] =	sst s10  }
0x35: {  	s10 =	sld [smem:$0x3FB5];
	_ =	sdelay $0x3  }
0x36: {  	p1 =	seq.s32 s10, $0x1;
	s10 =	sld [smem:$0x3FB6];
	_ =	sdelay $0x3  }
0x37: {  	[smem:$0x3FB6] =	sst s10  }
0x38: {  	s10 =	sld [smem:$0x3FB7]  }
0x39: {  	_ = 	snop;
	(pc) =	sbr.ind lr, $3  }
0x3a: {  	_ = 	snop  }
0x3b: {  	_ = 	snop  }
0x3c: {  	p2 =	seq.s32 s10, $0x1;
	s10 =	sld [smem:$0x3FB6]  }
0x3d: {  	_ =	shalt  }
0x3e: {  	_ =	shalt  }
0x3f: {  	_ =	shalt  }
0x40: {  	_ =	shalt  }
0x41: {  	_ =	shalt  }
0x42: {  	_ =	shalt  }
0x43: {  	_ =	shalt  }
0x44: {  	_ =	shalt  }
0x45: {  	_ =	shalt  }
0x46: {  	_ =	shalt  }
0x47: {  	_ =	shalt  }
0x48: {  	_ =	shalt  }
0x49: {  	_ =	shalt  }
0x4a: {  	_ =	shalt  }
0x4b: {  	_ =	shalt  }
0x4c: {  	_ =	shalt  }
0x4d: {  	_ =	shalt  }
0x4e: {  	_ =	shalt  }
0x4f: {  	_ =	shalt  }
0x50: {  	_ =	shalt  }
0x51: {  	_ =	shalt  }
0x52: {  	_ =	shalt  }
0x53: {  	_ =	shalt  }
0x54: {  	_ =	shalt  }
0x55: {  	_ =	shalt  }
0x56: {  	_ =	shalt  }
0x57: {  	_ =	shalt  }
0x58: {  	_ =	shalt  }
0x59: {  	_ =	shalt  }
0x5a: {  	_ =	shalt  }
0x5b: {  	_ =	shalt  }
0x5c: {  	_ =	shalt  }
0x5d: {  	_ =	shalt  }
0x5e: {  	_ =	shalt  }
0x5f: {  	_ =	shalt  }
0x60: {  	_ =	shalt  }
0x61: {  	_ =	shalt  }
0x62: {  	_ =	shalt  }
0x63: {  	_ =	shalt  }
0x64: {  	_ =	shalt  }
0x65: {  	_ =	shalt  }
0x66: {  	_ =	shalt  }
0x67: {  	_ =	shalt  }
0x68: {  	_ =	shalt  }
0x69: {  	_ =	shalt  }
0x6a: {  	_ =	shalt  }
0x6b: {  	_ =	shalt  }
0x6c: {  	_ =	shalt  }
0x6d: {  	_ =	shalt  }
0x6e: {  	_ =	shalt  }
0x6f: {  	_ =	shalt  }
0x70: {  	_ =	shalt  }
0x71: {  	_ =	shalt  }
0x72: {  	_ =	shalt  }
0x73: {  	_ =	shalt  }
0x74: {  	_ =	shalt  }
0x75: {  	_ =	shalt  }
0x76: {  	_ =	shalt  }
0x77: {  	_ =	shalt  }
0x78: {  	_ =	shalt  }
0x79: {  	_ =	shalt  }
0x7a: {  	_ =	shalt  }
0x7b: {  	_ =	shalt  }
0x7c: {  	_ =	shalt  }
0x7d: {  	_ =	shalt  }
0x7e: {  	_ =	shalt  }
0x7f: {  	_ =	shalt  }
0x80: {  	_ =	shalt  }
0x81: {  	_ =	shalt  }
0x82: {  	_ =	shalt  }
0x83: {  	_ =	shalt  }
0x84: {  	_ =	shalt  }
0x85: {  	_ =	shalt  }
0x86: {  	_ =	shalt  }
0x87: {  	_ =	shalt  }
.Lfunc_end0:
.L_simem_size_0:
called_computation.2_lowered:
.L_overlay_start_0:
0x88: {  	s2 =	sld [smem:$0x3FD9]  }
0x89: {  	s3 =	sld [smem:$0x3FFE];
	_ =	sdelay $0x1  }
0x8a: {  	s1 =	srdreg.scid  }
0x8b: {  	s0 =	sand.u32 $0x1, s1  }
0x8c: {  	s17 =	sshll.u32 s0, $0xA;
	s2 =	sadd.s32 s3, s2  }
0x8d: {  	s2 =	sadd.s32 s2, s17  }
0x8e: {  	[smem:$0x3FC2] =	sst s2  }
0x8f: {  	_ = 	snop  }
0x90: {  	s2 =	sld [smem:$0x3FD0];
	(tm) =	ssettm $0x1  }
0x91: {  	s18 =	sld [smem:$0x3FFB];
	_ =	sdelay $0x3  }
0x92: {  	_ =	strace s18  }
0x93: {  	s3 =	sld [smem:$0x3FFC];
	_ =	sdelay $0x3  }
0x94: {  	_ =	strace s3  }
0x95: {  	s3 =	sld [smem:$0x3FFD];
	_ =	sdelay $0x3  }
0x96: {  	_ =	strace s3  }
0x97: {  	_ =	strace $0x8FFFFFFF  }
0x98: {  	s19 =	sld [smem:$0x3FDB];
	_ =	sdelay $0x1  }
0x99: {  	s4 =	simm.s32 $_scs_section_size  }
0x9a: {  	s5 =	simm.s32 $_size__tile_overlayer_lowered;
	s6 =	simm.s32 $_tile_overlayer_lowered  }
0x9b: {  	s22 =	simm.s32 $0x1BFF;
	s21 =	sshll.u32 s6, $0x1;
	s3 =	sadd.s32 s4, s19  }
0x9c: {  	s7 =	simm.s32 $0x0;
	s20 =	sshll.u32 s5, $0x1;
	s5 =	sadd.s32 s21, s3  }
0x9d: {  	[timem:s7], [sflag:s22] =	dma.local [hbm:s5], s20  }
0x9e: {  	_ =	swait.ge [sflag:s22], s20  }
0x9f: {  	s4 =	ssub.s32 $0x0, s20;
	[sflag:s22] =	ssyncset.done $0x0  }
0xa0: {  	[sflag:s22] =	ssyncadd.s32 s4;
	_ =	sdelay $0x1  }
0xa1: {  	s23 =	simm.s32 $0x1B8B  }
0xa2: {  	_ =	swait.ge [sflag:s23], $0x1  }
0xa3: {  	[sflag:s23] =	ssyncset.done $0x0  }
0xa4: {  	s25 =	simm.s32 $0x1B8E;
	s24 =	sld [smem:$0x3FFE];
	[sflag:s23] =	ssyncadd.s32 $0xFFFFFFFF  }
0xa5: {  	s26 =	simm.s32 $execute0_lowered;
	[smem:$0x3FD2] =	sst s25  }
0xa6: {  	s5 =	sshll.u32 s26, $0x1;
	_ =	strace $0x8000004C;
	[dreg:$0x1] =	wrdreg $0xFFFFFFFF  }
0xa7: {  	s28 =	simm.s32 $_size_execute0_lowered;
	s3 =	sadd.s32 s3, s5;
	[dreg:$0x0] =	wrdreg $0x0  }
0xa8: {  	s5 =	sshll.u32 s28, $0x1;
	[dreg:$0x2] =	wrdreg s3  }
0xa9: {  	[dreg:$0x3] =	wrdreg s5  }
0xaa: {  	[dreg:$0x4] =	wrdreg $0xC0  }
0xab: {  	_ =	task [dreg:s7], $0x5FFFF  }
0xac: {  	[dreg:$0x1] =	wrdreg $0xFFFFFFFF  }
0xad: {  	[dreg:$0x0] =	wrdreg $0x60  }
0xae: {  	[dreg:$0x2] =	wrdreg s2  }
0xaf: {  	[dreg:$0x3] =	wrdreg s24  }
0xb0: {  	[dreg:$0x4] =	wrdreg $0x41000  }
0xb1: {  	[dreg:$0x5] =	wrdreg $0x9  }
0xb2: {  	_ =	task.clear_ibuf [dreg:s7], $0x6FFFF;
	_ =	strace $0x9000004C  }
0xb3: {  	s29 =	simm.s32 $0x9;
	_ =	strace $0x8000004E  }
0xb4: {  	_ =	swait.ge [sflag:s29], $0x1  }
0xb5: {  	[sflag:s29] =	ssyncadd.s32 $0xFFFFFFFF  }
0xb6: {  	_ =	strace $0x9000004E  }
0xb7: {  	_ =	sfence  }
0xb8: {  	s30 =	sld [smem:$0x0];
	_ =	sdelay $0x2  }
0xb9: {  	s31 =	sshll.u32 s1, $0xD;
	s1 =	sshrl.u32 s1, $0x2  }
0xba: {  	s3 =	sand.u32 $0x4000, s31;
	s1 =	sadd.s32 s1, s30  }
0xbb: {  	s0 =	sor.u32 s3, s0;
	s1 =	sshll.u32 s1, $0x11  }
0xbc: {  	s0 =	sor.u32 s1, s0  }
0xbd: {  	s0 =	sadd.s32 $0x8F2B, s0  }
0xbe: {  	[sflag:s0] =	ssyncadd.remote.s32 $0x1  }
0xbf: {  	_ =	sfence.sel $0xFFFF  }
0xc0: {  	[dreg:$0x0] =	wrdreg $0xFFFFFFFF;
	(pc) =	sbr.abs _section_cstart, $3  }
0xc1: {  	[dreg:$0x1] =	wrdreg $0xFFFFFFFF  }
0xc2: {  	_ =	task.clear_ibuf [dreg:s7], $0x2FFFF;
	_ =	strace $0x9FFFFFFF  }
0xc3: {  	(tm) =	ssettm $0x7FFFFFFF  }
tec
execute0_lowered:
.L_overlay_start_1:
0x0: {  	(tag) =	ssettag $0x1  }
0x1: {  	s1 =	rddreg [dreg:$0x0]  }
0x2: {  	s6 =	rddreg [dreg:$0x1]  }
0x3: {  	s3 =	rddreg [dreg:$0x2]  }
0x4: {  	s0 =	rddreg [dreg:$0x3];
	s5 =	srdreg.scid  }
0x5: {  	s2 =	stileid.u32;
	s4 =	simm.s32 $0x0;
	s15 =	simm.s32 $0x2  }
0x6: {  	s16 =	simm.s32 $0x80;
	s17 =	simm.s32 $0x1;
	s21 =	simm.s32 $0x0  }
0x7: {  	s5 =	sand.u32 $0x1, s5;
	s7 =	sshll.u32 s2, $0x1;
	s8 =	smul.u32 $0x60000, s2  }
0x8: {  	[smem:$0x7FF] =	sst s4;
	s19 =	smul.u32 $0x3000, s2;
	s31 =	sshll.u32 s2, $0x6  }
0x9: {  	s7 =	sor.u32 s5, s7;
	_ =	strace $0x8000004D;
	s9 =	smul.u32 $0x30000, s5  }
0xa: {  	s10 =	ssub.s32 $0x2, s5;
	s7 =	smul.u32 $0x500, s7;
	s29 =	sshrl.u32 s8, $0x2  }
0xb: {  	s30 =	sshrl.u32 s10, $0x1;
	s5 =	sadd.s32 s29, s3;
	s13 =	sadd.s32 s9, s6  }
0xc: {  	s14 =	ssub.s32 s10, s30;
	s12 =	sadd.s32 s7, s6;
	s6 =	sadd.s32 $0x4000, s5  }
0xd: {  	s7 =	sadd.s32 $0x8000, s5;
	s8 =	sadd.s32 $0xC000, s5;
	s9 =	sadd.s32 $0x10000, s5  }
0xe: {  	s10 =	sadd.s32 $0x14000, s5;
	s18 =	sadd.s32 $0x16800, s13;
	s13 =	smax.u32 s14, $0x1  }
0xf: {  	s14 =	simm.s32 $0x100;
	s20 =	sshrl.u32 s5, $0x3;
	s11 =	sadd.s32 $0xC800, s12  }
0x10: {  	v0 =	vimm.f32 $0.0e+00;
	s12 =	sadd.s32 $0x2200, s12;
	s18 =	sadd.s32 s19, s18;
	s19 =	sor.u32 $0x1C02, s31  }
.LBB2_1:
0x11: {  	s22 =	simm.s32 $0x0;
	s23 =	simm.s32 $0x200  }
.LBB2_2:
0x12: {  	p0 =	sne.s32 s23, $0xFE00;
	[tilespmem:s22+$0x170] =	vst v0  }
0x13: {  	[tilespmem:s22+$0x100] =	vst v0  }
0x14: {  	[tilespmem:s22+$0x110] =	vst v0  }
.Ltmp0:
0x15: {  	[tilespmem:s22+$0x120] =	vst v0;
	(pc) =	sbr.rel @p0 .LBB2_2-.Ltmp0, $4  }
0x16: {  	[tilespmem:s22+$0x130] =	vst v0  }
0x17: {  	[tilespmem:s22+$0x140] =	vst v0  }
0x18: {  	[tilespmem:s22+$0x150] =	vst v0  }
0x19: {  	[tilespmem:s22+$0x160] =	vst v0;
	s22 =	sshra.s32 s23, $0x2;
	s23 =	sadd.s32 $0x200, s23  }
0x1a: {  	[tilespmem:s22+$0x170] =	vst v0  }
0x1b: {  	[tilespmem:s22+$0x100] =	vst v0  }
0x1c: {  	[tilespmem:s22+$0x110] =	vst v0  }
0x1d: {  	[tilespmem:s22+$0x120] =	vst v0  }
0x1e: {  	[tilespmem:s22+$0x130] =	vst v0  }
0x1f: {  	[tilespmem:s22+$0x140] =	vst v0  }
0x20: {  	[tilespmem:s22+$0x150] =	vst v0  }
0x21: {  	[tilespmem:s22+$0x160] =	vst v0  }
0x22: {  	[spmem:s5] =	stream.linear.scatter [tilespmem:s14], [sflag:$0x2], $0x4000, $0x38;
	[tilespmem:$0x1C100] =	vst v63  }
0x23: {  	_ =	swait.ge [sflag:s15], $0x4000  }
0x24: {  	[sflag:s15] =	ssyncset.done $0x0  }
0x25: {  	[sflag:s15] =	ssyncadd.s32 $0xFFFFC000  }
0x26: {  	[spmem:s6] =	stream.linear.scatter [tilespmem:s14], [sflag:$0x2], $0x4000, $0x38;
	[tilespmem:$0x1C100] =	vst v63  }
0x27: {  	_ =	swait.ge [sflag:s15], $0x4000  }
0x28: {  	[sflag:s15] =	ssyncset.done $0x0  }
0x29: {  	[sflag:s15] =	ssyncadd.s32 $0xFFFFC000  }
0x2a: {  	[spmem:s7] =	stream.linear.scatter [tilespmem:s14], [sflag:$0x2], $0x4000, $0x38;
	[tilespmem:$0x1C100] =	vst v63  }
0x2b: {  	_ =	swait.ge [sflag:s15], $0x4000  }
0x2c: {  	[sflag:s15] =	ssyncset.done $0x0  }
0x2d: {  	[sflag:s15] =	ssyncadd.s32 $0xFFFFC000  }
0x2e: {  	[spmem:s8] =	stream.linear.scatter [tilespmem:s14], [sflag:$0x2], $0x4000, $0x38;
	[tilespmem:$0x1C100] =	vst v63  }
0x2f: {  	_ =	swait.ge [sflag:s15], $0x4000  }
0x30: {  	[sflag:s15] =	ssyncset.done $0x0  }
0x31: {  	[sflag:s15] =	ssyncadd.s32 $0xFFFFC000  }
0x32: {  	[spmem:s9] =	stream.linear.scatter [tilespmem:s14], [sflag:$0x2], $0x4000, $0x38;
	[tilespmem:$0x1C100] =	vst v63  }
0x33: {  	_ =	swait.ge [sflag:s15], $0x4000  }
0x34: {  	[sflag:s15] =	ssyncset.done $0x0  }
0x35: {  	[sflag:s15] =	ssyncadd.s32 $0xFFFFC000  }
0x36: {  	[spmem:s10] =	stream.linear.scatter [tilespmem:s14], [sflag:$0x2], $0x4000, $0x38;
	[tilespmem:$0x1C100] =	vst v63  }
0x37: {  	_ =	swait.ge [sflag:s15], $0x4000  }
0x38: {  	[sflag:s15] =	ssyncset.done $0x0  }
0x39: {  	[sflag:s15] =	ssyncadd.s32 $0xFFFFC000  }
0x3a: {  	s30 =	sadd.s32 $0x0, s11;
	[bflag:$0x0] =	sbarrier.arrive $0xFFFF  }
0x3b: {  	[tilespmem:s4], [sflag:$0x2] =	stream.linear.gather [hbm4b:s30+s4], $0x80, $0x38;
	[tilespmem:$0x1C100] =	vst v63  }
0x3c: {  	_ =	swait.ge [sflag:s15], $0x80  }
0x3d: {  	[sflag:s15] =	ssyncset.done $0x0  }
0x3e: {  	s31 =	sadd.s32 $0x0, s12;
	[sflag:s15] =	ssyncadd.s32 $0xFFFFFF80  }
0x3f: {  	[tilespmem:s16], [sflag:$0x2] =	stream.linear.gather [hbm4b:s31+s4], $0x80, $0x38;
	[tilespmem:$0x1C100] =	vst v63  }
0x40: {  	_ =	swait.ge [sflag:s15], $0x80  }
0x41: {  	[sflag:s15] =	ssyncset.done $0x0  }
0x42: {  	[sflag:s15] =	ssyncadd.s32 $0xFFFFFF80  }
0x43: {  	[tilespmem:s14], [sflag:$0x1] =	stream.indirect.gather [hbm4b:s1+s16], $0x80, s4, s16, $0xb8;
	[tilespmem:$0x1C100] =	vst v63  }
0x44: {  	_ =	swait.ge [sflag:s17], $0x4000  }
0x45: {  	[sflag:s17] =	ssyncset.done $0x0  }
0x46: {  	[sflag:s17] =	ssyncadd.s32 $0xFFFFC000  }
0x47: {  	[spmem:s3] =	stream.indirect.scatter.add.f32 [tilespmem:s14], [sflag:$0x2], $0x80, s16, s16, $0xb8;
	[tilespmem:$0x1C100] =	vst v63  }
0x48: {  	_ =	swait.ge [sflag:s15], $0x4000  }
0x49: {  	s22 =	simm.s32 $0x10;
	s23 =	simm.s32 $0x20;
	[sflag:s15] =	ssyncset.done $0x0  }
.LBB2_4:
0x4a: {  	s24 =	sadd.s32 s22, s11  }
0x4b: {  	[sflag:s15] =	ssyncadd.s32 $0xFFFFC000;
	s25 =	smov.u32 s23;
	s26 =	sadd.s32 $0x10, s23  }
0x4c: {  	[tilespmem:s4], [sflag:$0x2] =	stream.linear.gather [hbm4b:s24+s4], $0x80, $0x38;
	[tilespmem:$0x1C100] =	vst v63  }
0x4d: {  	p0 =	sne.s32 s23, $0x4E0;
	_ =	swait.ge [sflag:s15], $0x80  }
0x4e: {  	[sflag:s15] =	ssyncset.done $0x0  }
0x4f: {  	s23 =	sadd.s32 s22, s12;
	s22 =	smov.u32 s25;
	[sflag:s15] =	ssyncadd.s32 $0xFFFFFF80  }
0x50: {  	[tilespmem:s16], [sflag:$0x2] =	stream.linear.gather [hbm4b:s23+s4], $0x80, $0x38;
	[tilespmem:$0x1C100] =	vst v63  }
0x51: {  	_ =	swait.ge [sflag:s15], $0x80  }
0x52: {  	[sflag:s15] =	ssyncset.done $0x0  }
0x53: {  	[sflag:s15] =	ssyncadd.s32 $0xFFFFFF80  }
0x54: {  	[tilespmem:s14], [sflag:$0x1] =	stream.indirect.gather [hbm4b:s1+s16], $0x80, s4, s16, $0xb8;
	[tilespmem:$0x1C100] =	vst v63  }
0x55: {  	_ =	swait.ge [sflag:s17], $0x4000  }
.Ltmp1:
0x56: {  	[sflag:s17] =	ssyncset.done $0x0;
	(pc) =	sbr.rel @p0 .LBB2_4-.Ltmp1, $4  }
0x57: {  	[sflag:s17] =	ssyncadd.s32 $0xFFFFC000  }
0x58: {  	[spmem:s3] =	stream.indirect.scatter.add.f32 [tilespmem:s14], [sflag:$0x2], $0x80, s16, s16, $0xb8;
	[tilespmem:$0x1C100] =	vst v63  }
0x59: {  	_ =	swait.ge [sflag:s15], $0x4000  }
0x5a: {  	s23 =	smov.u32 s26;
	[sflag:s15] =	ssyncset.done $0x0  }
0x5b: {  	s23 =	sadd.s32 s22, s11;
	[sflag:s15] =	ssyncadd.s32 $0xFFFFC000  }
0x5c: {  	[tilespmem:s4], [sflag:$0x2] =	stream.linear.gather [hbm4b:s23+s4], $0x80, $0x38;
	[tilespmem:$0x1C100] =	vst v63  }
0x5d: {  	_ =	swait.ge [sflag:s15], $0x80  }
0x5e: {  	[sflag:s15] =	ssyncset.done $0x0  }
0x5f: {  	s31 =	sadd.s32 s22, s12;
	[sflag:s15] =	ssyncadd.s32 $0xFFFFFF80  }
0x60: {  	[tilespmem:s16], [sflag:$0x2] =	stream.linear.gather [hbm4b:s31+s4], $0x80, $0x38;
	[tilespmem:$0x1C100] =	vst v63  }
0x61: {  	_ =	swait.ge [sflag:s15], $0x80  }
0x62: {  	[sflag:s15] =	ssyncset.done $0x0  }
0x63: {  	[sflag:s15] =	ssyncadd.s32 $0xFFFFFF80  }
0x64: {  	[tilespmem:s14], [sflag:$0x1] =	stream.indirect.gather [hbm4b:s1+s16], $0x80, s4, s16, $0xb8;
	[tilespmem:$0x1C100] =	vst v63  }
0x65: {  	_ =	swait.ge [sflag:s17], $0x4000  }
0x66: {  	[sflag:s17] =	ssyncset.done $0x0  }
0x67: {  	[sflag:s17] =	ssyncadd.s32 $0xFFFFC000  }
0x68: {  	[spmem:s3] =	stream.indirect.scatter.add.f32 [tilespmem:s14], [sflag:$0x2], $0x80, s16, s16, $0xb8;
	[tilespmem:$0x1C100] =	vst v63  }
0x69: {  	_ =	swait.ge [sflag:s15], $0x4000  }
0x6a: {  	s21 =	sadd.s32 $0x1, s21;
	[sflag:s15] =	ssyncset.done $0x0  }
0x6b: {  	p0 =	sne.s32 s21, s13;
	[sflag:s15] =	ssyncadd.s32 $0xFFFFC000  }
.Ltmp2:
0x6c: {  	[bflag:$0x0] =	sbarrier.arrive $0xFFFF;
	(pc) =	sbr.rel @p0 .LBB2_1-.Ltmp2, $4  }
0x6d: {  	[hbm:s18], [sflag:s19] =	dma.local [spmem:s20], $0x3000  }
0x6e: {  	_ =	swait.ge [sflag:s15], $0x3000  }
0x6f: {  	[sflag:s15] =	ssyncset.done $0x0  }
0x70: {  	[sflag:s15] =	ssyncadd.s32 $0xFFFFD000  }
0x71: {  	_ =	sfence.sel $0x180000  }
0x72: {  	[bflag:$0x0] =	sbarrier.arrive $0xFFFF  }
0x73: {  	p0 =	sne.s32 s2, $0x0;
	_ =	strace $0x9000004D  }
0x74: {  	s0 =	sadd.s32 @!p0 $0x100000, s0;
	[bflag:$0x2] =	sbarrier.arrive $0xFFFF  }
0x75: {  	[sflag:s0] =	ssyncadd.tile.s32 @!p0 $0x1;
	_ =	shalt  }
.Lfunc_end2:
_tile_overlayer_lowered:
.L_overlay_start_2:
0x76: {  	(tag) =	ssettag $0x2  }
0x77: {  	s0 =	rddreg [dreg:$0x0];
	s2 =	stileid.u32  }
0x78: {  	s1 =	rddreg [dreg:$0x1];
	p0 =	sne.s32 s2, $0x0  }
0x79: {  	s3 =	rddreg [dreg:$0x2];
	[bflag:$0x3] =	sbarrier.arrive $0xFFFF;
	s2 =	simm.s32 @!p0 $0x1C02  }
0x7a: {  	[timem:s3], [sflag:s2] =	dma.local @!p0 [hbm:s0], s1  }
0x7b: {  	s0 =	simm.s32 @!p0 $0x2  }
0x7c: {  	_ =	swait.ge @!p0 [sflag:s0], s1  }
0x7d: {  	s1 =	ssub.s32 @!p0 $0x0, s1;
	[sflag:s0] =	ssyncset.done @!p0 $0x0  }
0x7e: {  	[sflag:s0] =	ssyncadd.s32 @!p0 s1  }
0x7f: {  	[bflag:$0x3] =	sbarrier.arrive $0xFFFF  }
0x80: {  	_ =	shalt  }

// kernel: kernel.18.cloned.1.call-start
scs
__scs_entry_jumppad:
0x0: {  	(pc) =	sbr.rel $0x88, $3  }
0x1: {  	(tag) =	ssettag $0x0;
	lr =	simm.s32 $0x1  }
0x2: {  	[smem:$0x3F9B] =	sst lr;
	_ =	strace $0xD0000000  }
0x3: {  	_ = 	snop  }
0x4: {  	_ = 	snop  }
0x5: {  	_ = 	snop  }
0x6: {  	_ = 	snop  }
0x7: {  	_ = 	snop  }
__scs_overlays_trampoline_lowered:
0x8: {  	[smem:$0x3FAA] =	sst s0  }
0x9: {  	[smem:$0x3FAB] =	sst s1  }
0xa: {  	[smem:$0x3FAC] =	sst s2  }
0xb: {  	[smem:$0x3FAD] =	sst s3  }
0xc: {  	[smem:$0x3FAE] =	sst s4  }
0xd: {  	[smem:$0x3FAF] =	sst s5  }
0xe: {  	[smem:$0x3FB0] =	sst s6  }
0xf: {  	[smem:$0x3FB1] =	sst s7  }
0x10: {  	[smem:$0x3FB2] =	sst s8  }
0x11: {  	[smem:$0x3FB3] =	sst s9;
	s0 =	simm.s32 @!p0 $0x0  }
0x12: {  	s1 =	sld [smem:$0x3F99];
	s0 =	simm.s32 @p0 $0x1  }
0x13: {  	[smem:$0x3FB4] =	sst s0;
	s0 =	simm.s32 @!p1 $0x0  }
0x14: {  	s2 =	sld [smem:$0x3F98];
	s0 =	simm.s32 @p1 $0x1  }
0x15: {  	[smem:$0x3FB5] =	sst s0;
	s0 =	simm.s32 @!p2 $0x0  }
0x16: {  	s3 =	sld [smem:$0x3FDB];
	s0 =	simm.s32 @p2 $0x1  }
0x17: {  	s4 =	simm.s32 $0x1BF5;
	[smem:$0x3FB7] =	sst s0  }
0x18: {  	s0 =	sld [smem:$0x3F9A];
	_ =	swait.ge [sflag:s4], $0x0  }
0x19: {  	s7 =	sld [smem:$0x3F9B]  }
0x1a: {  	s8 =	sadd.s32 $0xFFFFE003, lr  }
0x1b: {  	s9 =	sadd.s32 $0xFFFFFEF7, lr;
	s5 =	simm.s32 $0xFFFFFFFF;
	p2 =	slt.u32 s8, $0xFFFFF086  }
0x1c: {  	p1 =	slt.u32 s9, $0xF7A;
	s5 =	simm.s32 @!p2 $0x0  }
0x1d: {  	s5 =	simm.s32 @p1 $0x1;
	p0 =	seq.s32 s7, s2  }
0x1e: {  	s7 =	smul.u32 @!p0 $0xF7A, s2;
	p2 =	seq.s32 @!p0 s5, $0x0  }
0x1f: {  	s9 =	smul.u32 $0xF7A, s1;
	s8 =	simm.s32 @!p0 $0x1BF5;
	p2 =	por !p2, p0  }
0x20: {  	[sflag:s8] =	ssyncset.s32 @!p0 $0xFFFFF086;
	s6 =	sadd.s32 @!p0 s3, s7;
	s7 =	simm.s32 @!p0 $0x108  }
0x21: {  	s3 =	sadd.s32 s3, s9;
	s6 =	sadd.s32 @!p0 $0x88, s6;
	s7 =	simm.s32 @p2 $0x1082  }
0x22: {  	[simem:s7], [sflag:s8] =	dma.local @!p0 [hbm:s6], $0xF7A  }
0x23: {  	s9 =	sor.u32 $0xD0000000, s2;
	s6 =	simm.s32 $0x108;
	_ =	swait.ge @!p0 [sflag:s8], $0x0  }
0x24: {  	s3 =	sadd.s32 $0x88, s3;
	s6 =	simm.s32 @!p1 $0x1082;
	[sflag:s4] =	ssyncset.s32 $0xFFFFF086  }
0x25: {  	[simem:s6], [sflag:s4] =	dma.local [hbm:s3], $0xF7A  }
0x26: {  	[smem:$0x3F9B] =	sst s1;
	(tag) =	ssettag s2;
	_ =	strace s9  }
0x27: {  	s1 =	sld [smem:$0x3FAB]  }
0x28: {  	s2 =	sld [smem:$0x3FAC]  }
0x29: {  	s4 =	sld [smem:$0x3FAE]  }
0x2a: {  	p0 =	seq.s32 s5, $0x0;
	s5 =	sld [smem:$0x3FAF]  }
0x2b: {  	s6 =	sld [smem:$0x3FB0]  }
0x2c: {  	s7 =	sld [smem:$0x3FB1]  }
0x2d: {  	s3 =	simm.s32 $0x108;
	s8 =	sld [smem:$0x3FB2]  }
0x2e: {  	s3 =	simm.s32 @!p0 $0x1082;
	s9 =	sld [smem:$0x3FB3]  }
0x2f: {  	lr =	sadd.s32 s0, s3;
	s0 =	sld [smem:$0x3FAA]  }
0x30: {  	s3 =	sld [smem:$0x3FAD]  }
0x31: {  	[smem:$0x3FB6] =	sst s10  }
0x32: {  	s10 =	sld [smem:$0x3FB4];
	_ =	sdelay $0x3  }
0x33: {  	p0 =	seq.s32 s10, $0x1;
	s10 =	sld [smem:$0x3FB6];
	_ =	sdelay $0x3  }
0x34: {  	[smem:$0x3FB6] =	sst s10  }
0x35: {  	s10 =	sld [smem:$0x3FB5];
	_ =	sdelay $0x3  }
0x36: {  	p1 =	seq.s32 s10, $0x1;
	s10 =	sld [smem:$0x3FB6];
	_ =	sdelay $0x3  }
0x37: {  	[smem:$0x3FB6] =	sst s10  }
0x38: {  	s10 =	sld [smem:$0x3FB7]  }
0x39: {  	_ = 	snop;
	(pc) =	sbr.ind lr, $3  }
0x3a: {  	_ = 	snop  }
0x3b: {  	_ = 	snop  }
0x3c: {  	p2 =	seq.s32 s10, $0x1;
	s10 =	sld [smem:$0x3FB6]  }
0x3d: {  	_ =	shalt  }
0x3e: {  	_ =	shalt  }
0x3f: {  	_ =	shalt  }
0x40: {  	_ =	shalt  }
0x41: {  	_ =	shalt  }
0x42: {  	_ =	shalt  }
0x43: {  	_ =	shalt  }
0x44: {  	_ =	shalt  }
0x45: {  	_ =	shalt  }
0x46: {  	_ =	shalt  }
0x47: {  	_ =	shalt  }
0x48: {  	_ =	shalt  }
0x49: {  	_ =	shalt  }
0x4a: {  	_ =	shalt  }
0x4b: {  	_ =	shalt  }
0x4c: {  	_ =	shalt  }
0x4d: {  	_ =	shalt  }
0x4e: {  	_ =	shalt  }
0x4f: {  	_ =	shalt  }
0x50: {  	_ =	shalt  }
0x51: {  	_ =	shalt  }
0x52: {  	_ =	shalt  }
0x53: {  	_ =	shalt  }
0x54: {  	_ =	shalt  }
0x55: {  	_ =	shalt  }
0x56: {  	_ =	shalt  }
0x57: {  	_ =	shalt  }
0x58: {  	_ =	shalt  }
0x59: {  	_ =	shalt  }
0x5a: {  	_ =	shalt  }
0x5b: {  	_ =	shalt  }
0x5c: {  	_ =	shalt  }
0x5d: {  	_ =	shalt  }
0x5e: {  	_ =	shalt  }
0x5f: {  	_ =	shalt  }
0x60: {  	_ =	shalt  }
0x61: {  	_ =	shalt  }
0x62: {  	_ =	shalt  }
0x63: {  	_ =	shalt  }
0x64: {  	_ =	shalt  }
0x65: {  	_ =	shalt  }
0x66: {  	_ =	shalt  }
0x67: {  	_ =	shalt  }
0x68: {  	_ =	shalt  }
0x69: {  	_ =	shalt  }
0x6a: {  	_ =	shalt  }
0x6b: {  	_ =	shalt  }
0x6c: {  	_ =	shalt  }
0x6d: {  	_ =	shalt  }
0x6e: {  	_ =	shalt  }
0x6f: {  	_ =	shalt  }
0x70: {  	_ =	shalt  }
0x71: {  	_ =	shalt  }
0x72: {  	_ =	shalt  }
0x73: {  	_ =	shalt  }
0x74: {  	_ =	shalt  }
0x75: {  	_ =	shalt  }
0x76: {  	_ =	shalt  }
0x77: {  	_ =	shalt  }
0x78: {  	_ =	shalt  }
0x79: {  	_ =	shalt  }
0x7a: {  	_ =	shalt  }
0x7b: {  	_ =	shalt  }
0x7c: {  	_ =	shalt  }
0x7d: {  	_ =	shalt  }
0x7e: {  	_ =	shalt  }
0x7f: {  	_ =	shalt  }
0x80: {  	_ =	shalt  }
0x81: {  	_ =	shalt  }
0x82: {  	_ =	shalt  }
0x83: {  	_ =	shalt  }
0x84: {  	_ =	shalt  }
0x85: {  	_ =	shalt  }
0x86: {  	_ =	shalt  }
0x87: {  	_ =	shalt  }
.Lfunc_end0:
.L_simem_size_0:
called_computation.3_lowered:
.L_overlay_start_0:
0x88: {  	s2 =	sld [smem:$0x3FD9]  }
0x89: {  	s3 =	sld [smem:$0x3FFE];
	_ =	sdelay $0x1  }
0x8a: {  	s1 =	srdreg.scid  }
0x8b: {  	s0 =	sand.u32 $0x1, s1  }
0x8c: {  	s17 =	sshll.u32 s0, $0xA;
	s2 =	sadd.s32 s3, s2  }
0x8d: {  	s2 =	sadd.s32 s2, s17  }
0x8e: {  	[smem:$0x3FC2] =	sst s2  }
0x8f: {  	_ = 	snop  }
0x90: {  	s2 =	sld [smem:$0x3FD0];
	(tm) =	ssettm $0x1  }
0x91: {  	s18 =	sld [smem:$0x3FFB];
	_ =	sdelay $0x3  }
0x92: {  	_ =	strace s18  }
0x93: {  	s3 =	sld [smem:$0x3FFC];
	_ =	sdelay $0x3  }
0x94: {  	_ =	strace s3  }
0x95: {  	s3 =	sld [smem:$0x3FFD];
	_ =	sdelay $0x3  }
0x96: {  	_ =	strace s3  }
0x97: {  	_ =	strace $0x8FFFFFFF  }
0x98: {  	s19 =	sld [smem:$0x3FDB];
	_ =	sdelay $0x1  }
0x99: {  	s4 =	simm.s32 $_scs_section_size  }
0x9a: {  	s5 =	simm.s32 $_size__tile_overlayer_lowered;
	s6 =	simm.s32 $_tile_overlayer_lowered  }
0x9b: {  	s22 =	simm.s32 $0x1BFF;
	s21 =	sshll.u32 s6, $0x1;
	s3 =	sadd.s32 s4, s19  }
0x9c: {  	s7 =	simm.s32 $0x0;
	s20 =	sshll.u32 s5, $0x1;
	s5 =	sadd.s32 s21, s3  }
0x9d: {  	[timem:s7], [sflag:s22] =	dma.local [hbm:s5], s20  }
0x9e: {  	_ =	swait.ge [sflag:s22], s20  }
0x9f: {  	s4 =	ssub.s32 $0x0, s20;
	[sflag:s22] =	ssyncset.done $0x0  }
0xa0: {  	[sflag:s22] =	ssyncadd.s32 s4;
	_ =	sdelay $0x1  }
0xa1: {  	s23 =	simm.s32 $0x1B8B  }
0xa2: {  	_ =	swait.ge [sflag:s23], $0x1  }
0xa3: {  	[sflag:s23] =	ssyncset.done $0x0  }
0xa4: {  	s25 =	simm.s32 $0x1B8E;
	s24 =	sld [smem:$0x3FFE];
	[sflag:s23] =	ssyncadd.s32 $0xFFFFFFFF  }
0xa5: {  	s26 =	simm.s32 $execute0_lowered;
	[smem:$0x3FD2] =	sst s25  }
0xa6: {  	s5 =	sshll.u32 s26, $0x1;
	_ =	strace $0x8000004F;
	[dreg:$0x1] =	wrdreg $0xFFFFFFFF  }
0xa7: {  	s28 =	simm.s32 $_size_execute0_lowered;
	s3 =	sadd.s32 s3, s5;
	[dreg:$0x0] =	wrdreg $0x0  }
0xa8: {  	s5 =	sshll.u32 s28, $0x1;
	[dreg:$0x2] =	wrdreg s3  }
0xa9: {  	[dreg:$0x3] =	wrdreg s5  }
0xaa: {  	[dreg:$0x4] =	wrdreg $0xC0  }
0xab: {  	_ =	task [dreg:s7], $0x5FFFF  }
0xac: {  	[dreg:$0x1] =	wrdreg $0xFFFFFFFF  }
0xad: {  	[dreg:$0x0] =	wrdreg $0x60  }
0xae: {  	[dreg:$0x2] =	wrdreg s2  }
0xaf: {  	[dreg:$0x3] =	wrdreg s24  }
0xb0: {  	[dreg:$0x4] =	wrdreg $0x41000  }
0xb1: {  	[dreg:$0x5] =	wrdreg $0x9  }
0xb2: {  	_ =	task.clear_ibuf [dreg:s7], $0x6FFFF;
	_ =	strace $0x9000004F  }
0xb3: {  	s29 =	simm.s32 $0x9;
	_ =	strace $0x80000051  }
0xb4: {  	_ =	swait.ge [sflag:s29], $0x1  }
0xb5: {  	[sflag:s29] =	ssyncadd.s32 $0xFFFFFFFF  }
0xb6: {  	_ =	strace $0x90000051  }
0xb7: {  	_ =	sfence  }
0xb8: {  	s30 =	sld [smem:$0x0];
	_ =	sdelay $0x2  }
0xb9: {  	s31 =	sshll.u32 s1, $0xD;
	s1 =	sshrl.u32 s1, $0x2  }
0xba: {  	s3 =	sand.u32 $0x4000, s31;
	s1 =	sadd.s32 s1, s30  }
0xbb: {  	s0 =	sor.u32 s3, s0;
	s1 =	sshll.u32 s1, $0x11  }
0xbc: {  	s0 =	sor.u32 s1, s0  }
0xbd: {  	s0 =	sadd.s32 $0x8F2B, s0  }
0xbe: {  	[sflag:s0] =	ssyncadd.remote.s32 $0x1  }
0xbf: {  	_ =	sfence.sel $0xFFFF  }
0xc0: {  	[dreg:$0x0] =	wrdreg $0xFFFFFFFF;
	(pc) =	sbr.abs _section_cstart, $3  }
0xc1: {  	[dreg:$0x1] =	wrdreg $0xFFFFFFFF  }
0xc2: {  	_ =	task.clear_ibuf [dreg:s7], $0x2FFFF;
	_ =	strace $0x9FFFFFFF  }
0xc3: {  	(tm) =	ssettm $0x7FFFFFFF  }
tec
execute0_lowered:
.L_overlay_start_1:
0x0: {  	(tag) =	ssettag $0x1  }
0x1: {  	s1 =	rddreg [dreg:$0x0]  }
0x2: {  	s6 =	rddreg [dreg:$0x1]  }
0x3: {  	s3 =	rddreg [dreg:$0x2]  }
0x4: {  	s0 =	rddreg [dreg:$0x3];
	s5 =	srdreg.scid  }
0x5: {  	s2 =	stileid.u32;
	s4 =	simm.s32 $0x0;
	s15 =	simm.s32 $0x2  }
0x6: {  	s16 =	simm.s32 $0x80;
	s17 =	simm.s32 $0x1;
	s21 =	simm.s32 $0x0  }
0x7: {  	s5 =	sand.u32 $0x1, s5;
	s7 =	sshll.u32 s2, $0x1;
	s8 =	smul.u32 $0x60000, s2  }
0x8: {  	[smem:$0x7FF] =	sst s4;
	s19 =	smul.u32 $0x3000, s2;
	s31 =	sshll.u32 s2, $0x6  }
0x9: {  	s7 =	sor.u32 s5, s7;
	_ =	strace $0x80000050;
	s9 =	smul.u32 $0x30000, s5  }
0xa: {  	s10 =	ssub.s32 $0x2, s5;
	s7 =	smul.u32 $0x500, s7;
	s29 =	sshrl.u32 s8, $0x2  }
0xb: {  	s30 =	sshrl.u32 s10, $0x1;
	s5 =	sadd.s32 s29, s3;
	s13 =	sadd.s32 s9, s6  }
0xc: {  	s14 =	ssub.s32 s10, s30;
	s12 =	sadd.s32 s7, s6;
	s6 =	sadd.s32 $0x4000, s5  }
0xd: {  	s7 =	sadd.s32 $0x8000, s5;
	s8 =	sadd.s32 $0xC000, s5;
	s9 =	sadd.s32 $0x10000, s5  }
0xe: {  	s10 =	sadd.s32 $0x14000, s5;
	s18 =	sadd.s32 $0x16800, s13;
	s13 =	smax.u32 s14, $0x1  }
0xf: {  	s14 =	simm.s32 $0x100;
	s20 =	sshrl.u32 s5, $0x3;
	s11 =	sadd.s32 $0xC800, s12  }
0x10: {  	v0 =	vimm.f32 $0.0e+00;
	s12 =	sadd.s32 $0x2200, s12;
	s18 =	sadd.s32 s19, s18;
	s19 =	sor.u32 $0x1C02, s31  }
.LBB2_1:
0x11: {  	s22 =	simm.s32 $0x0;
	s23 =	simm.s32 $0x200  }
.LBB2_2:
0x12: {  	p0 =	sne.s32 s23, $0xFE00;
	[tilespmem:s22+$0x170] =	vst v0  }
0x13: {  	[tilespmem:s22+$0x100] =	vst v0  }
0x14: {  	[tilespmem:s22+$0x110] =	vst v0  }
.Ltmp0:
0x15: {  	[tilespmem:s22+$0x120] =	vst v0;
	(pc) =	sbr.rel @p0 .LBB2_2-.Ltmp0, $4  }
0x16: {  	[tilespmem:s22+$0x130] =	vst v0  }
0x17: {  	[tilespmem:s22+$0x140] =	vst v0  }
0x18: {  	[tilespmem:s22+$0x150] =	vst v0  }
0x19: {  	[tilespmem:s22+$0x160] =	vst v0;
	s22 =	sshra.s32 s23, $0x2;
	s23 =	sadd.s32 $0x200, s23  }
0x1a: {  	[tilespmem:s22+$0x170] =	vst v0  }
0x1b: {  	[tilespmem:s22+$0x100] =	vst v0  }
0x1c: {  	[tilespmem:s22+$0x110] =	vst v0  }
0x1d: {  	[tilespmem:s22+$0x120] =	vst v0  }
0x1e: {  	[tilespmem:s22+$0x130] =	vst v0  }
0x1f: {  	[tilespmem:s22+$0x140] =	vst v0  }
0x20: {  	[tilespmem:s22+$0x150] =	vst v0  }
0x21: {  	[tilespmem:s22+$0x160] =	vst v0  }
0x22: {  	[spmem:s5] =	stream.linear.scatter [tilespmem:s14], [sflag:$0x2], $0x4000, $0x38;
	[tilespmem:$0x1C100] =	vst v63  }
0x23: {  	_ =	swait.ge [sflag:s15], $0x4000  }
0x24: {  	[sflag:s15] =	ssyncset.done $0x0  }
0x25: {  	[sflag:s15] =	ssyncadd.s32 $0xFFFFC000  }
0x26: {  	[spmem:s6] =	stream.linear.scatter [tilespmem:s14], [sflag:$0x2], $0x4000, $0x38;
	[tilespmem:$0x1C100] =	vst v63  }
0x27: {  	_ =	swait.ge [sflag:s15], $0x4000  }
0x28: {  	[sflag:s15] =	ssyncset.done $0x0  }
0x29: {  	[sflag:s15] =	ssyncadd.s32 $0xFFFFC000  }
0x2a: {  	[spmem:s7] =	stream.linear.scatter [tilespmem:s14], [sflag:$0x2], $0x4000, $0x38;
	[tilespmem:$0x1C100] =	vst v63  }
0x2b: {  	_ =	swait.ge [sflag:s15], $0x4000  }
0x2c: {  	[sflag:s15] =	ssyncset.done $0x0  }
0x2d: {  	[sflag:s15] =	ssyncadd.s32 $0xFFFFC000  }
0x2e: {  	[spmem:s8] =	stream.linear.scatter [tilespmem:s14], [sflag:$0x2], $0x4000, $0x38;
	[tilespmem:$0x1C100] =	vst v63  }
0x2f: {  	_ =	swait.ge [sflag:s15], $0x4000  }
0x30: {  	[sflag:s15] =	ssyncset.done $0x0  }
0x31: {  	[sflag:s15] =	ssyncadd.s32 $0xFFFFC000  }
0x32: {  	[spmem:s9] =	stream.linear.scatter [tilespmem:s14], [sflag:$0x2], $0x4000, $0x38;
	[tilespmem:$0x1C100] =	vst v63  }
0x33: {  	_ =	swait.ge [sflag:s15], $0x4000  }
0x34: {  	[sflag:s15] =	ssyncset.done $0x0  }
0x35: {  	[sflag:s15] =	ssyncadd.s32 $0xFFFFC000  }
0x36: {  	[spmem:s10] =	stream.linear.scatter [tilespmem:s14], [sflag:$0x2], $0x4000, $0x38;
	[tilespmem:$0x1C100] =	vst v63  }
0x37: {  	_ =	swait.ge [sflag:s15], $0x4000  }
0x38: {  	[sflag:s15] =	ssyncset.done $0x0  }
0x39: {  	[sflag:s15] =	ssyncadd.s32 $0xFFFFC000  }
0x3a: {  	s30 =	sadd.s32 $0x0, s11;
	[bflag:$0x0] =	sbarrier.arrive $0xFFFF  }
0x3b: {  	[tilespmem:s4], [sflag:$0x2] =	stream.linear.gather [hbm4b:s30+s4], $0x80, $0x38;
	[tilespmem:$0x1C100] =	vst v63  }
0x3c: {  	_ =	swait.ge [sflag:s15], $0x80  }
0x3d: {  	[sflag:s15] =	ssyncset.done $0x0  }
0x3e: {  	s31 =	sadd.s32 $0x0, s12;
	[sflag:s15] =	ssyncadd.s32 $0xFFFFFF80  }
0x3f: {  	[tilespmem:s16], [sflag:$0x2] =	stream.linear.gather [hbm4b:s31+s4], $0x80, $0x38;
	[tilespmem:$0x1C100] =	vst v63  }
0x40: {  	_ =	swait.ge [sflag:s15], $0x80  }
0x41: {  	[sflag:s15] =	ssyncset.done $0x0  }
0x42: {  	[sflag:s15] =	ssyncadd.s32 $0xFFFFFF80  }
0x43: {  	[tilespmem:s14], [sflag:$0x1] =	stream.indirect.gather [hbm4b:s1+s16], $0x80, s4, s16, $0xb8;
	[tilespmem:$0x1C100] =	vst v63  }
0x44: {  	_ =	swait.ge [sflag:s17], $0x4000  }
0x45: {  	[sflag:s17] =	ssyncset.done $0x0  }
0x46: {  	[sflag:s17] =	ssyncadd.s32 $0xFFFFC000  }
0x47: {  	[spmem:s3] =	stream.indirect.scatter.add.f32 [tilespmem:s14], [sflag:$0x2], $0x80, s16, s16, $0xb8;
	[tilespmem:$0x1C100] =	vst v63  }
0x48: {  	_ =	swait.ge [sflag:s15], $0x4000  }
0x49: {  	s22 =	simm.s32 $0x10;
	s23 =	simm.s32 $0x20;
	[sflag:s15] =	ssyncset.done $0x0  }
.LBB2_4:
0x4a: {  	s24 =	sadd.s32 s22, s11  }
0x4b: {  	[sflag:s15] =	ssyncadd.s32 $0xFFFFC000;
	s25 =	smov.u32 s23;
	s26 =	sadd.s32 $0x10, s23  }
0x4c: {  	[tilespmem:s4], [sflag:$0x2] =	stream.linear.gather [hbm4b:s24+s4], $0x80, $0x38;
	[tilespmem:$0x1C100] =	vst v63  }
0x4d: {  	p0 =	sne.s32 s23, $0x4E0;
	_ =	swait.ge [sflag:s15], $0x80  }
0x4e: {  	[sflag:s15] =	ssyncset.done $0x0  }
0x4f: {  	s23 =	sadd.s32 s22, s12;
	s22 =	smov.u32 s25;
	[sflag:s15] =	ssyncadd.s32 $0xFFFFFF80  }
0x50: {  	[tilespmem:s16], [sflag:$0x2] =	stream.linear.gather [hbm4b:s23+s4], $0x80, $0x38;
	[tilespmem:$0x1C100] =	vst v63  }
0x51: {  	_ =	swait.ge [sflag:s15], $0x80  }
0x52: {  	[sflag:s15] =	ssyncset.done $0x0  }
0x53: {  	[sflag:s15] =	ssyncadd.s32 $0xFFFFFF80  }
0x54: {  	[tilespmem:s14], [sflag:$0x1] =	stream.indirect.gather [hbm4b:s1+s16], $0x80, s4, s16, $0xb8;
	[tilespmem:$0x1C100] =	vst v63  }
0x55: {  	_ =	swait.ge [sflag:s17], $0x4000  }
.Ltmp1:
0x56: {  	[sflag:s17] =	ssyncset.done $0x0;
	(pc) =	sbr.rel @p0 .LBB2_4-.Ltmp1, $4  }
0x57: {  	[sflag:s17] =	ssyncadd.s32 $0xFFFFC000  }
0x58: {  	[spmem:s3] =	stream.indirect.scatter.add.f32 [tilespmem:s14], [sflag:$0x2], $0x80, s16, s16, $0xb8;
	[tilespmem:$0x1C100] =	vst v63  }
0x59: {  	_ =	swait.ge [sflag:s15], $0x4000  }
0x5a: {  	s23 =	smov.u32 s26;
	[sflag:s15] =	ssyncset.done $0x0  }
0x5b: {  	s23 =	sadd.s32 s22, s11;
	[sflag:s15] =	ssyncadd.s32 $0xFFFFC000  }
0x5c: {  	[tilespmem:s4], [sflag:$0x2] =	stream.linear.gather [hbm4b:s23+s4], $0x80, $0x38;
	[tilespmem:$0x1C100] =	vst v63  }
0x5d: {  	_ =	swait.ge [sflag:s15], $0x80  }
0x5e: {  	[sflag:s15] =	ssyncset.done $0x0  }
0x5f: {  	s31 =	sadd.s32 s22, s12;
	[sflag:s15] =	ssyncadd.s32 $0xFFFFFF80  }
0x60: {  	[tilespmem:s16], [sflag:$0x2] =	stream.linear.gather [hbm4b:s31+s4], $0x80, $0x38;
	[tilespmem:$0x1C100] =	vst v63  }
0x61: {  	_ =	swait.ge [sflag:s15], $0x80  }
0x62: {  	[sflag:s15] =	ssyncset.done $0x0  }
0x63: {  	[sflag:s15] =	ssyncadd.s32 $0xFFFFFF80  }
0x64: {  	[tilespmem:s14], [sflag:$0x1] =	stream.indirect.gather [hbm4b:s1+s16], $0x80, s4, s16, $0xb8;
	[tilespmem:$0x1C100] =	vst v63  }
0x65: {  	_ =	swait.ge [sflag:s17], $0x4000  }
0x66: {  	[sflag:s17] =	ssyncset.done $0x0  }
0x67: {  	[sflag:s17] =	ssyncadd.s32 $0xFFFFC000  }
0x68: {  	[spmem:s3] =	stream.indirect.scatter.add.f32 [tilespmem:s14], [sflag:$0x2], $0x80, s16, s16, $0xb8;
	[tilespmem:$0x1C100] =	vst v63  }
0x69: {  	_ =	swait.ge [sflag:s15], $0x4000  }
0x6a: {  	s21 =	sadd.s32 $0x1, s21;
	[sflag:s15] =	ssyncset.done $0x0  }
0x6b: {  	p0 =	sne.s32 s21, s13;
	[sflag:s15] =	ssyncadd.s32 $0xFFFFC000  }
.Ltmp2:
0x6c: {  	[bflag:$0x0] =	sbarrier.arrive $0xFFFF;
	(pc) =	sbr.rel @p0 .LBB2_1-.Ltmp2, $4  }
0x6d: {  	[hbm:s18], [sflag:s19] =	dma.local [spmem:s20], $0x3000  }
0x6e: {  	_ =	swait.ge [sflag:s15], $0x3000  }
0x6f: {  	[sflag:s15] =	ssyncset.done $0x0  }
0x70: {  	[sflag:s15] =	ssyncadd.s32 $0xFFFFD000  }
0x71: {  	_ =	sfence.sel $0x180000  }
0x72: {  	[bflag:$0x0] =	sbarrier.arrive $0xFFFF  }
0x73: {  	p0 =	sne.s32 s2, $0x0;
	_ =	strace $0x90000050  }
0x74: {  	s0 =	sadd.s32 @!p0 $0x100000, s0;
	[bflag:$0x2] =	sbarrier.arrive $0xFFFF  }
0x75: {  	[sflag:s0] =	ssyncadd.tile.s32 @!p0 $0x1;
	_ =	shalt  }
.Lfunc_end2:
_tile_overlayer_lowered:
.L_overlay_start_2:
0x76: {  	(tag) =	ssettag $0x2  }
0x77: {  	s0 =	rddreg [dreg:$0x0];
	s2 =	stileid.u32  }
0x78: {  	s1 =	rddreg [dreg:$0x1];
	p0 =	sne.s32 s2, $0x0  }
0x79: {  	s3 =	rddreg [dreg:$0x2];
	[bflag:$0x3] =	sbarrier.arrive $0xFFFF;
	s2 =	simm.s32 @!p0 $0x1C02  }
0x7a: {  	[timem:s3], [sflag:s2] =	dma.local @!p0 [hbm:s0], s1  }
0x7b: {  	s0 =	simm.s32 @!p0 $0x2  }
0x7c: {  	_ =	swait.ge @!p0 [sflag:s0], s1  }
0x7d: {  	s1 =	ssub.s32 @!p0 $0x0, s1;
	[sflag:s0] =	ssyncset.done @!p0 $0x0  }
0x7e: {  	[sflag:s0] =	ssyncadd.s32 @!p0 s1  }
0x7f: {  	[bflag:$0x3] =	sbarrier.arrive $0xFFFF  }
0x80: {  	_ =	shalt  }

// kernel: kernel.9.cloned.1.call-start
scs
__scs_entry_jumppad:
0x0: {  	(pc) =	sbr.rel $0x88, $3  }
0x1: {  	(tag) =	ssettag $0x0;
	lr =	simm.s32 $0x1  }
0x2: {  	[smem:$0x3F9B] =	sst lr;
	_ =	strace $0xD0000000  }
0x3: {  	_ = 	snop  }
0x4: {  	_ = 	snop  }
0x5: {  	_ = 	snop  }
0x6: {  	_ = 	snop  }
0x7: {  	_ = 	snop  }
__scs_overlays_trampoline_lowered:
0x8: {  	[smem:$0x3FAA] =	sst s0  }
0x9: {  	[smem:$0x3FAB] =	sst s1  }
0xa: {  	[smem:$0x3FAC] =	sst s2  }
0xb: {  	[smem:$0x3FAD] =	sst s3  }
0xc: {  	[smem:$0x3FAE] =	sst s4  }
0xd: {  	[smem:$0x3FAF] =	sst s5  }
0xe: {  	[smem:$0x3FB0] =	sst s6  }
0xf: {  	[smem:$0x3FB1] =	sst s7  }
0x10: {  	[smem:$0x3FB2] =	sst s8  }
0x11: {  	[smem:$0x3FB3] =	sst s9;
	s0 =	simm.s32 @!p0 $0x0  }
0x12: {  	s1 =	sld [smem:$0x3F99];
	s0 =	simm.s32 @p0 $0x1  }
0x13: {  	[smem:$0x3FB4] =	sst s0;
	s0 =	simm.s32 @!p1 $0x0  }
0x14: {  	s2 =	sld [smem:$0x3F98];
	s0 =	simm.s32 @p1 $0x1  }
0x15: {  	[smem:$0x3FB5] =	sst s0;
	s0 =	simm.s32 @!p2 $0x0  }
0x16: {  	s3 =	sld [smem:$0x3FDB];
	s0 =	simm.s32 @p2 $0x1  }
0x17: {  	s4 =	simm.s32 $0x1BF5;
	[smem:$0x3FB7] =	sst s0  }
0x18: {  	s0 =	sld [smem:$0x3F9A];
	_ =	swait.ge [sflag:s4], $0x0  }
0x19: {  	s7 =	sld [smem:$0x3F9B]  }
0x1a: {  	s8 =	sadd.s32 $0xFFFFE003, lr  }
0x1b: {  	s9 =	sadd.s32 $0xFFFFFEF7, lr;
	s5 =	simm.s32 $0xFFFFFFFF;
	p2 =	slt.u32 s8, $0xFFFFF086  }
0x1c: {  	p1 =	slt.u32 s9, $0xF7A;
	s5 =	simm.s32 @!p2 $0x0  }
0x1d: {  	s5 =	simm.s32 @p1 $0x1;
	p0 =	seq.s32 s7, s2  }
0x1e: {  	s7 =	smul.u32 @!p0 $0xF7A, s2;
	p2 =	seq.s32 @!p0 s5, $0x0  }
0x1f: {  	s9 =	smul.u32 $0xF7A, s1;
	s8 =	simm.s32 @!p0 $0x1BF5;
	p2 =	por !p2, p0  }
0x20: {  	[sflag:s8] =	ssyncset.s32 @!p0 $0xFFFFF086;
	s6 =	sadd.s32 @!p0 s3, s7;
	s7 =	simm.s32 @!p0 $0x108  }
0x21: {  	s3 =	sadd.s32 s3, s9;
	s6 =	sadd.s32 @!p0 $0x88, s6;
	s7 =	simm.s32 @p2 $0x1082  }
0x22: {  	[simem:s7], [sflag:s8] =	dma.local @!p0 [hbm:s6], $0xF7A  }
0x23: {  	s9 =	sor.u32 $0xD0000000, s2;
	s6 =	simm.s32 $0x108;
	_ =	swait.ge @!p0 [sflag:s8], $0x0  }
0x24: {  	s3 =	sadd.s32 $0x88, s3;
	s6 =	simm.s32 @!p1 $0x1082;
	[sflag:s4] =	ssyncset.s32 $0xFFFFF086  }
0x25: {  	[simem:s6], [sflag:s4] =	dma.local [hbm:s3], $0xF7A  }
0x26: {  	[smem:$0x3F9B] =	sst s1;
	(tag) =	ssettag s2;
	_ =	strace s9  }
0x27: {  	s1 =	sld [smem:$0x3FAB]  }
0x28: {  	s2 =	sld [smem:$0x3FAC]  }
0x29: {  	s4 =	sld [smem:$0x3FAE]  }
0x2a: {  	p0 =	seq.s32 s5, $0x0;
	s5 =	sld [smem:$0x3FAF]  }
0x2b: {  	s6 =	sld [smem:$0x3FB0]  }
0x2c: {  	s7 =	sld [smem:$0x3FB1]  }
0x2d: {  	s3 =	simm.s32 $0x108;
	s8 =	sld [smem:$0x3FB2]  }
0x2e: {  	s3 =	simm.s32 @!p0 $0x1082;
	s9 =	sld [smem:$0x3FB3]  }
0x2f: {  	lr =	sadd.s32 s0, s3;
	s0 =	sld [smem:$0x3FAA]  }
0x30: {  	s3 =	sld [smem:$0x3FAD]  }
0x31: {  	[smem:$0x3FB6] =	sst s10  }
0x32: {  	s10 =	sld [smem:$0x3FB4];
	_ =	sdelay $0x3  }
0x33: {  	p0 =	seq.s32 s10, $0x1;
	s10 =	sld [smem:$0x3FB6];
	_ =	sdelay $0x3  }
0x34: {  	[smem:$0x3FB6] =	sst s10  }
0x35: {  	s10 =	sld [smem:$0x3FB5];
	_ =	sdelay $0x3  }
0x36: {  	p1 =	seq.s32 s10, $0x1;
	s10 =	sld [smem:$0x3FB6];
	_ =	sdelay $0x3  }
0x37: {  	[smem:$0x3FB6] =	sst s10  }
0x38: {  	s10 =	sld [smem:$0x3FB7]  }
0x39: {  	_ = 	snop;
	(pc) =	sbr.ind lr, $3  }
0x3a: {  	_ = 	snop  }
0x3b: {  	_ = 	snop  }
0x3c: {  	p2 =	seq.s32 s10, $0x1;
	s10 =	sld [smem:$0x3FB6]  }
0x3d: {  	_ =	shalt  }
0x3e: {  	_ =	shalt  }
0x3f: {  	_ =	shalt  }
0x40: {  	_ =	shalt  }
0x41: {  	_ =	shalt  }
0x42: {  	_ =	shalt  }
0x43: {  	_ =	shalt  }
0x44: {  	_ =	shalt  }
0x45: {  	_ =	shalt  }
0x46: {  	_ =	shalt  }
0x47: {  	_ =	shalt  }
0x48: {  	_ =	shalt  }
0x49: {  	_ =	shalt  }
0x4a: {  	_ =	shalt  }
0x4b: {  	_ =	shalt  }
0x4c: {  	_ =	shalt  }
0x4d: {  	_ =	shalt  }
0x4e: {  	_ =	shalt  }
0x4f: {  	_ =	shalt  }
0x50: {  	_ =	shalt  }
0x51: {  	_ =	shalt  }
0x52: {  	_ =	shalt  }
0x53: {  	_ =	shalt  }
0x54: {  	_ =	shalt  }
0x55: {  	_ =	shalt  }
0x56: {  	_ =	shalt  }
0x57: {  	_ =	shalt  }
0x58: {  	_ =	shalt  }
0x59: {  	_ =	shalt  }
0x5a: {  	_ =	shalt  }
0x5b: {  	_ =	shalt  }
0x5c: {  	_ =	shalt  }
0x5d: {  	_ =	shalt  }
0x5e: {  	_ =	shalt  }
0x5f: {  	_ =	shalt  }
0x60: {  	_ =	shalt  }
0x61: {  	_ =	shalt  }
0x62: {  	_ =	shalt  }
0x63: {  	_ =	shalt  }
0x64: {  	_ =	shalt  }
0x65: {  	_ =	shalt  }
0x66: {  	_ =	shalt  }
0x67: {  	_ =	shalt  }
0x68: {  	_ =	shalt  }
0x69: {  	_ =	shalt  }
0x6a: {  	_ =	shalt  }
0x6b: {  	_ =	shalt  }
0x6c: {  	_ =	shalt  }
0x6d: {  	_ =	shalt  }
0x6e: {  	_ =	shalt  }
0x6f: {  	_ =	shalt  }
0x70: {  	_ =	shalt  }
0x71: {  	_ =	shalt  }
0x72: {  	_ =	shalt  }
0x73: {  	_ =	shalt  }
0x74: {  	_ =	shalt  }
0x75: {  	_ =	shalt  }
0x76: {  	_ =	shalt  }
0x77: {  	_ =	shalt  }
0x78: {  	_ =	shalt  }
0x79: {  	_ =	shalt  }
0x7a: {  	_ =	shalt  }
0x7b: {  	_ =	shalt  }
0x7c: {  	_ =	shalt  }
0x7d: {  	_ =	shalt  }
0x7e: {  	_ =	shalt  }
0x7f: {  	_ =	shalt  }
0x80: {  	_ =	shalt  }
0x81: {  	_ =	shalt  }
0x82: {  	_ =	shalt  }
0x83: {  	_ =	shalt  }
0x84: {  	_ =	shalt  }
0x85: {  	_ =	shalt  }
0x86: {  	_ =	shalt  }
0x87: {  	_ =	shalt  }
.Lfunc_end0:
.L_simem_size_0:
called_computation_lowered:
.L_overlay_start_0:
0x88: {  	s2 =	sld [smem:$0x3FD9]  }
0x89: {  	s3 =	sld [smem:$0x3FFE];
	_ =	sdelay $0x1  }
0x8a: {  	s1 =	srdreg.scid  }
0x8b: {  	s0 =	sand.u32 $0x1, s1  }
0x8c: {  	s17 =	sshll.u32 s0, $0xA;
	s2 =	sadd.s32 s3, s2  }
0x8d: {  	s2 =	sadd.s32 s2, s17  }
0x8e: {  	[smem:$0x3FC2] =	sst s2  }
0x8f: {  	_ = 	snop  }
0x90: {  	s2 =	sld [smem:$0x3FD0];
	(tm) =	ssettm $0x1  }
0x91: {  	s18 =	sld [smem:$0x3FFB];
	_ =	sdelay $0x3  }
0x92: {  	_ =	strace s18  }
0x93: {  	s3 =	sld [smem:$0x3FFC];
	_ =	sdelay $0x3  }
0x94: {  	_ =	strace s3  }
0x95: {  	s3 =	sld [smem:$0x3FFD];
	_ =	sdelay $0x3  }
0x96: {  	_ =	strace s3  }
0x97: {  	_ =	strace $0x8FFFFFFF  }
0x98: {  	s19 =	sld [smem:$0x3FDB];
	_ =	sdelay $0x1  }
0x99: {  	s4 =	simm.s32 $_scs_section_size  }
0x9a: {  	s5 =	simm.s32 $_size__tile_overlayer_lowered;
	s6 =	simm.s32 $_tile_overlayer_lowered  }
0x9b: {  	s22 =	simm.s32 $0x1BFF;
	s21 =	sshll.u32 s6, $0x1;
	s3 =	sadd.s32 s4, s19  }
0x9c: {  	s7 =	simm.s32 $0x0;
	s20 =	sshll.u32 s5, $0x1;
	s5 =	sadd.s32 s21, s3  }
0x9d: {  	[timem:s7], [sflag:s22] =	dma.local [hbm:s5], s20  }
0x9e: {  	_ =	swait.ge [sflag:s22], s20  }
0x9f: {  	s4 =	ssub.s32 $0x0, s20;
	[sflag:s22] =	ssyncset.done $0x0  }
0xa0: {  	[sflag:s22] =	ssyncadd.s32 s4;
	_ =	sdelay $0x1  }
0xa1: {  	s23 =	simm.s32 $0x1B8B  }
0xa2: {  	_ =	swait.ge [sflag:s23], $0x1  }
0xa3: {  	[sflag:s23] =	ssyncset.done $0x0  }
0xa4: {  	s25 =	simm.s32 $0x1B8E;
	s24 =	sld [smem:$0x3FFE];
	[sflag:s23] =	ssyncadd.s32 $0xFFFFFFFF  }
0xa5: {  	s26 =	simm.s32 $execute0_lowered;
	[smem:$0x3FD2] =	sst s25  }
0xa6: {  	s5 =	sshll.u32 s26, $0x1;
	_ =	strace $0x80000046;
	[dreg:$0x1] =	wrdreg $0xFFFFFFFF  }
0xa7: {  	s28 =	simm.s32 $_size_execute0_lowered;
	s3 =	sadd.s32 s3, s5;
	[dreg:$0x0] =	wrdreg $0x0  }
0xa8: {  	s5 =	sshll.u32 s28, $0x1;
	[dreg:$0x2] =	wrdreg s3  }
0xa9: {  	[dreg:$0x3] =	wrdreg s5  }
0xaa: {  	[dreg:$0x4] =	wrdreg $0xC0  }
0xab: {  	_ =	task [dreg:s7], $0x5FFFF  }
0xac: {  	[dreg:$0x1] =	wrdreg $0xFFFFFFFF  }
0xad: {  	[dreg:$0x0] =	wrdreg $0x60  }
0xae: {  	[dreg:$0x2] =	wrdreg s24  }
0xaf: {  	[dreg:$0x3] =	wrdreg s2  }
0xb0: {  	[dreg:$0x4] =	wrdreg $0x2B800  }
0xb1: {  	[dreg:$0x5] =	wrdreg $0x9  }
0xb2: {  	_ =	task.clear_ibuf [dreg:s7], $0x6FFFF;
	_ =	strace $0x90000046  }
0xb3: {  	s29 =	simm.s32 $0x9;
	_ =	strace $0x80000048  }
0xb4: {  	_ =	swait.ge [sflag:s29], $0x1  }
0xb5: {  	[sflag:s29] =	ssyncadd.s32 $0xFFFFFFFF  }
0xb6: {  	_ =	strace $0x90000048  }
0xb7: {  	_ =	sfence  }
0xb8: {  	s30 =	sld [smem:$0x0];
	_ =	sdelay $0x2  }
0xb9: {  	s31 =	sshll.u32 s1, $0xD;
	s1 =	sshrl.u32 s1, $0x2  }
0xba: {  	s3 =	sand.u32 $0x4000, s31;
	s1 =	sadd.s32 s1, s30  }
0xbb: {  	s0 =	sor.u32 s3, s0;
	s1 =	sshll.u32 s1, $0x11  }
0xbc: {  	s0 =	sor.u32 s1, s0  }
0xbd: {  	s0 =	sadd.s32 $0x8F2B, s0  }
0xbe: {  	[sflag:s0] =	ssyncadd.remote.s32 $0x1  }
0xbf: {  	_ =	sfence.sel $0xFFFF  }
0xc0: {  	[dreg:$0x0] =	wrdreg $0xFFFFFFFF;
	(pc) =	sbr.abs _section_cstart, $3  }
0xc1: {  	[dreg:$0x1] =	wrdreg $0xFFFFFFFF  }
0xc2: {  	_ =	task.clear_ibuf [dreg:s7], $0x2FFFF;
	_ =	strace $0x9FFFFFFF  }
0xc3: {  	(tm) =	ssettm $0x7FFFFFFF  }
tec
execute0_lowered:
.L_overlay_start_1:
0x0: {  	(tag) =	ssettag $0x1  }
0x1: {  	s4 =	rddreg [dreg:$0x0];
	s1 =	srdreg.scid  }
0x2: {  	s0 =	stileid.u32;
	s6 =	rddreg [dreg:$0x1]  }
0x3: {  	s2 =	rddreg [dreg:$0x2];
	s3 =	simm.s32 $0x0;
	s11 =	simm.s32 $0x1  }
0x4: {  	s15 =	simm.s32 $0x20;
	s16 =	simm.s32 $0x10;
	s17 =	simm.s32 $0x0  }
0x5: {  	s7 =	sand.u32 $0x1, s1;
	s1 =	rddreg [dreg:$0x3];
	s9 =	smul.u32 $0xC00, s0  }
0x6: {  	s30 =	sshll.u32 s0, $0x1;
	[smem:$0x7FF] =	sst s3;
	s13 =	smul.u32 $0xC0, s0  }
0x7: {  	s14 =	sshll.u32 s0, $0x6;
	s5 =	sor.u32 s7, s30;
	s8 =	ssub.s32 $0x2, s7  }
0x8: {  	_ =	strace $0x80000047;
	s7 =	sshll.u32 s7, $0x4;
	s5 =	smul.u32 $0x500, s5  }
0x9: {  	s10 =	sshrl.u32 s8, $0x1;
	s31 =	sshrl.u32 s9, $0x2;
	s12 =	sadd.s32 s6, s7  }
0xa: {  	s7 =	simm.s32 $0x2;
	s9 =	simm.s32 $0x80;
	s8 =	ssub.s32 s8, s10  }
0xb: {  	s10 =	simm.s32 $0x2800;
	s12 =	sadd.s32 s13, s12;
	s13 =	sor.u32 $0x1C02, s14  }
0xc: {  	s4 =	sadd.s32 s5, s4;
	s5 =	sadd.s32 s31, s2;
	s6 =	smax.u32 s8, $0x1  }
0xd: {  	v0 =	vimm.f32 $1.000000000e+00;
	v1 =	vimm.f32 $0.0e+00;
	s8 =	simm.s32 $0x2880;
	s4 =	sadd.s32 $0x2200, s4;
	s14 =	sshrl.u32 s5, $0x3  }
.LBB2_1:
0xe: {  	[tilespmem:s3], [sflag:$0x2] =	stream.linear.gather [hbm4b:s4+s3], $0x2780, $0x38;
	[tilespmem:$0x2E80] =	vst v63  }
0xf: {  	_ =	swait.ge [sflag:s7], $0x2780  }
0x10: {  	[sflag:s7] =	ssyncset.done $0x0  }
0x11: {  	[sflag:s7] =	ssyncadd.s32 $0xFFFFD880  }
0x12: {  	[tilespmem:$0x2800] =	vst v0  }
0x13: {  	[tilespmem:$0x2810] =	vst v0  }
0x14: {  	[tilespmem:$0x2820] =	vst v0  }
0x15: {  	[tilespmem:$0x2830] =	vst v0  }
0x16: {  	[tilespmem:$0x2840] =	vst v0  }
0x17: {  	[tilespmem:$0x2850] =	vst v0  }
0x18: {  	[tilespmem:$0x2860] =	vst v0  }
0x19: {  	[tilespmem:$0x2870] =	vst v0  }
0x1a: {  	[tilespmem:$0x2880] =	vst v1  }
0x1b: {  	[tilespmem:$0x2890] =	vst v1  }
0x1c: {  	[tilespmem:$0x28A0] =	vst v1  }
0x1d: {  	[tilespmem:$0x28B0] =	vst v1  }
0x1e: {  	[tilespmem:$0x28C0] =	vst v1  }
0x1f: {  	[tilespmem:$0x28D0] =	vst v1  }
0x20: {  	[tilespmem:$0x28E0] =	vst v1  }
0x21: {  	[tilespmem:$0x28F0] =	vst v1  }
0x22: {  	[tilespmem:$0x2900] =	vst v1  }
0x23: {  	[tilespmem:$0x2910] =	vst v1  }
0x24: {  	[tilespmem:$0x2920] =	vst v1  }
0x25: {  	[tilespmem:$0x2930] =	vst v1  }
0x26: {  	[tilespmem:$0x2940] =	vst v1  }
0x27: {  	[tilespmem:$0x2950] =	vst v1  }
0x28: {  	[tilespmem:$0x2960] =	vst v1  }
0x29: {  	[tilespmem:$0x2970] =	vst v1  }
0x2a: {  	[tilespmem:$0x2980] =	vst v1  }
0x2b: {  	[tilespmem:$0x2990] =	vst v1  }
0x2c: {  	[tilespmem:$0x29A0] =	vst v1  }
0x2d: {  	[tilespmem:$0x29B0] =	vst v1  }
0x2e: {  	[tilespmem:$0x29C0] =	vst v1  }
0x2f: {  	[tilespmem:$0x29D0] =	vst v1  }
0x30: {  	[tilespmem:$0x29E0] =	vst v1  }
0x31: {  	[tilespmem:$0x29F0] =	vst v1  }
0x32: {  	[tilespmem:$0x2A00] =	vst v1  }
0x33: {  	[tilespmem:$0x2A10] =	vst v1  }
0x34: {  	[tilespmem:$0x2A20] =	vst v1  }
0x35: {  	[tilespmem:$0x2A30] =	vst v1  }
0x36: {  	[tilespmem:$0x2A40] =	vst v1  }
0x37: {  	[tilespmem:$0x2A50] =	vst v1  }
0x38: {  	[tilespmem:$0x2A60] =	vst v1  }
0x39: {  	[tilespmem:$0x2A70] =	vst v1  }
0x3a: {  	[tilespmem:$0x2A80] =	vst v1  }
0x3b: {  	[tilespmem:$0x2A90] =	vst v1  }
0x3c: {  	[tilespmem:$0x2AA0] =	vst v1  }
0x3d: {  	[tilespmem:$0x2AB0] =	vst v1  }
0x3e: {  	[tilespmem:$0x2AC0] =	vst v1  }
0x3f: {  	[tilespmem:$0x2AD0] =	vst v1  }
0x40: {  	[tilespmem:$0x2AE0] =	vst v1  }
0x41: {  	[tilespmem:$0x2AF0] =	vst v1  }
0x42: {  	[tilespmem:$0x2B00] =	vst v1  }
0x43: {  	[tilespmem:$0x2B10] =	vst v1  }
0x44: {  	[tilespmem:$0x2B20] =	vst v1  }
0x45: {  	[tilespmem:$0x2B30] =	vst v1  }
0x46: {  	[tilespmem:$0x2B40] =	vst v1  }
0x47: {  	[tilespmem:$0x2B50] =	vst v1  }
0x48: {  	[tilespmem:$0x2B60] =	vst v1  }
0x49: {  	[tilespmem:$0x2B70] =	vst v1  }
0x4a: {  	[spmem:s5] =	stream.linear.scatter [tilespmem:s8], [sflag:$0x2], $0x300, $0x38;
	[tilespmem:$0x2E80] =	vst v63  }
0x4b: {  	_ =	swait.ge [sflag:s7], $0x300  }
0x4c: {  	[sflag:s7] =	ssyncset.done $0x0  }
0x4d: {  	[sflag:s7] =	ssyncadd.s32 $0xFFFFFD00  }
0x4e: {  	s18 =	simm.s32 $0x200;
	s19 =	simm.s32 $0x0;
	[bflag:$0x0] =	sbarrier.arrive $0xFFFF  }
.LBB2_2:
0x4f: {  	[spmem:s2] =	stream.indirect.scatter.add.f32 [tilespmem:s10], [sflag:$0x1], $0x1, s19, s9, $0xb8;
	[tilespmem:$0x2E80] =	vst v63  }
0x50: {  	s19 =	smov.u32 s18;
	p0 =	sne.s32 s18, $0x9C00  }
.Ltmp0:
0x51: {  	s18 =	sadd.s32 $0x200, s18;
	(pc) =	sbr.rel @p0 .LBB2_2-.Ltmp0, $2  }
0x52: {  	_ =	sdelay $0x2  }
0x53: {  	s19 =	sshra.s32 s19, $0x2  }
0x54: {  	[spmem:s2] =	stream.indirect.scatter.add.f32 [tilespmem:s10], [sflag:$0x1], $0x1, s19, s9, $0xb8;
	[tilespmem:$0x2E80] =	vst v63  }
0x55: {  	_ =	swait.ge [sflag:s11], $0x2780  }
0x56: {  	s17 =	sadd.s32 $0x1, s17;
	[sflag:s11] =	ssyncset.done $0x0  }
0x57: {  	p0 =	sne.s32 s17, s6;
	[sflag:s11] =	ssyncadd.s32 $0xFFFFD880  }
.Ltmp1:
0x58: {  	[bflag:$0x0] =	sbarrier.arrive $0xFFFF;
	(pc) =	sbr.rel @p0 .LBB2_1-.Ltmp1, $4  }
0x59: {  	[hbm:s12@s15], [sflag:s13] =	dma.strided [spmem:s14@s16], $0x60, s11, $0x10   }
0x5a: {  	_ =	swait.ge [sflag:s7], $0x60  }
0x5b: {  	[sflag:s7] =	ssyncset.done $0x0  }
0x5c: {  	[sflag:s7] =	ssyncadd.s32 $0xFFFFFFA0  }
0x5d: {  	_ =	sfence.sel $0x180000  }
0x5e: {  	[bflag:$0x0] =	sbarrier.arrive $0xFFFF  }
0x5f: {  	p0 =	sne.s32 s0, $0x0;
	_ =	strace $0x90000047  }
0x60: {  	s0 =	sadd.s32 @!p0 $0x100000, s1;
	[bflag:$0x2] =	sbarrier.arrive $0xFFFF  }
0x61: {  	[sflag:s0] =	ssyncadd.tile.s32 @!p0 $0x1;
	_ =	shalt  }
.Lfunc_end2:
_tile_overlayer_lowered:
.L_overlay_start_2:
0x62: {  	(tag) =	ssettag $0x2  }
0x63: {  	s0 =	rddreg [dreg:$0x0];
	s2 =	stileid.u32  }
0x64: {  	s1 =	rddreg [dreg:$0x1];
	p0 =	sne.s32 s2, $0x0  }
0x65: {  	s3 =	rddreg [dreg:$0x2];
	[bflag:$0x3] =	sbarrier.arrive $0xFFFF;
	s2 =	simm.s32 @!p0 $0x1C02  }
0x66: {  	[timem:s3], [sflag:s2] =	dma.local @!p0 [hbm:s0], s1  }
0x67: {  	s0 =	simm.s32 @!p0 $0x2  }
0x68: {  	_ =	swait.ge @!p0 [sflag:s0], s1  }
0x69: {  	s1 =	ssub.s32 @!p0 $0x0, s1;
	[sflag:s0] =	ssyncset.done @!p0 $0x0  }
0x6a: {  	[sflag:s0] =	ssyncadd.s32 @!p0 s1  }
0x6b: {  	[bflag:$0x3] =	sbarrier.arrive $0xFFFF  }
0x6c: {  	_ =	shalt  }

</sc_bundles>
